<compile_context>
chip_gen: v7x
topology: tpu7x:2x2x1
jax: 0.10.2.dev20260603
libtpu: 0.0.44.dev20260713+nightly
codegen_flags: <defaults>
</compile_context>

<pallas_src>
import functools

import jax
import jax.numpy as jnp
import numpy as np
from jax import lax
from jax.experimental import pallas as pl
from jax.experimental.pallas import tpu as pltpu
from jax.experimental.pallas import tpu_sc as plsc

NA = 9
FH = 64
FW = 64
B = 4
NG = 50
A = FH * FW * NA
AR = A // 128
GP = 64

def _anchors_np():
    base_size = 16
    anchors = []
    cx = base_size / 2.0
    cy = base_size / 2.0
    for r in (0.5, 1.0, 2.0):
        for s in (8, 16, 32):
            area = float(base_size * s) ** 2
            w = np.sqrt(area / r)
            h = w * r
            anchors.append([cx - 0.5 * w, cy - 0.5 * h, cx + 0.5 * w, cy + 0.5 * h])
    base = np.array(anchors, dtype=np.float32)
    shift_x = np.arange(FW, dtype=np.float32) * 16.0
    shift_y = np.arange(FH, dtype=np.float32) * 16.0
    sx, sy = np.meshgrid(shift_x, shift_y, indexing="ij")
    shifts = np.stack([sx, sy, sx, sy], axis=-1).reshape(-1, 4).astype(np.float32)
    return (base[None, :, :] + shifts[:, None, :]).reshape(-1, 4).astype(np.float32)


_ANCH = _anchors_np()
_AX = [np.ascontiguousarray(_ANCH[:, c].reshape(AR, 128)) for c in range(4)]


NC = 1
NW = 16 * NC
APW = A // NW
NCH = APW // 16
Q = 4
_AXPACK = np.ascontiguousarray(
    _ANCH.T.reshape(4, NW, APW).transpose(1, 0, 2).reshape(-1))


def _sc_match(gt_pack):
    mesh = plsc.VectorSubcoreMesh(core_axis_name="c", subcore_axis_name="s",
                                  num_cores=NC)
    shp = jax.ShapeDtypeStruct((NW * B * 5 * APW,), jnp.float32)

    @functools.partial(
        pl.kernel,
        mesh=mesh,
        out_type=shp,
        scratch_types=[pltpu.VMEM((4 * APW,), jnp.float32),
                       pltpu.VMEM((B * 6 * GP,), jnp.float32),
                       pltpu.VMEM((B * 5 * APW,), jnp.float32)],
        compiler_params=pltpu.CompilerParams(needs_layout_passes=False),
    )
    def k(axh, gth, outh, axv, gtv, outv):
        wid = lax.axis_index("s") * NC + lax.axis_index("c")
        pltpu.sync_copy(axh.at[pl.ds(wid * 4 * APW, 4 * APW)], axv)
        pltpu.sync_copy(gth, gtv)
        for b in range(B):
            gof = b * 6 * GP

            def quad(q, _):
                off = [q * (16 * Q) + i * 16 for i in range(Q)]
                ax1 = [axv[pl.ds(0 * APW + o, 16)] for o in off]
                ay1 = [axv[pl.ds(1 * APW + o, 16)] for o in off]
                ax2 = [axv[pl.ds(2 * APW + o, 16)] for o in off]
                ay2 = [axv[pl.ds(3 * APW + o, 16)] for o in off]
                a1 = [(ax2[i] - ax1[i]) * (ay2[i] - ay1[i]) for i in range(Q)]

                def gt_step(g, carry):
                    rmax, ridx = carry
                    gv = jnp.full((16,), g, jnp.int32)
                    gx1 = plsc.load_gather(gtv, [gv + (gof + 0 * GP)])
                    gy1 = plsc.load_gather(gtv, [gv + (gof + 1 * GP)])
                    gx2 = plsc.load_gather(gtv, [gv + (gof + 2 * GP)])
                    gy2 = plsc.load_gather(gtv, [gv + (gof + 3 * GP)])
                    ga = plsc.load_gather(gtv, [gv + (gof + 4 * GP)])
                    vmm1 = plsc.load_gather(gtv, [gv + (gof + 5 * GP)])
                    vm = vmm1 + 1.0
                    nmax, nidx = [], []
                    for i in range(Q):
                        iw = jnp.maximum(
                            0.0, jnp.minimum(ax2[i], gx2) - jnp.maximum(ax1[i], gx1))
                        ih = jnp.maximum(
                            0.0, jnp.minimum(ay2[i], gy2) - jnp.maximum(ay1[i], gy1))
                        inter = iw * ih
                        iou = inter / (a1[i] + ga - inter + 1e-8)
                        iou = iou * vm + vmm1
                        upd = iou > rmax[i]
                        nmax.append(jnp.where(upd, iou, rmax[i]))
                        nidx.append(jnp.where(upd, gv, ridx[i]))
                    return tuple(nmax), tuple(nidx)

                rmax = tuple(jnp.full((16,), -2.0, jnp.float32) for _ in range(Q))
                ridx = tuple(jnp.zeros((16,), jnp.int32) for _ in range(Q))
                rmax, ridx = lax.fori_loop(0, NG, gt_step, (rmax, ridx))
                oof = b * 5 * APW
                for i in range(Q):
                    outv[pl.ds(oof + 0 * APW + off[i], 16)] = rmax[i]
                    outv[pl.ds(oof + 1 * APW + off[i], 16)] = plsc.load_gather(
                        gtv, [ridx[i] + (gof + 0 * GP)])
                    outv[pl.ds(oof + 2 * APW + off[i], 16)] = plsc.load_gather(
                        gtv, [ridx[i] + (gof + 1 * GP)])
                    outv[pl.ds(oof + 3 * APW + off[i], 16)] = plsc.load_gather(
                        gtv, [ridx[i] + (gof + 2 * GP)])
                    outv[pl.ds(oof + 4 * APW + off[i], 16)] = plsc.load_gather(
                        gtv, [ridx[i] + (gof + 3 * GP)])
                return 0

            lax.fori_loop(0, NCH // Q, quad, 0)
        pltpu.sync_copy(outv, outh.at[pl.ds(wid * B * 5 * APW, B * 5 * APW)])

    return k(_AXPACK, gt_pack)


def _smooth_l1(d):
    ad = jnp.abs(d)
    return jnp.where(ad < 1.0, 0.5 * d * d, ad - 0.5)


def _s2_body(mir, m0r, m1r, m2r, m3r, ltr, ptr,
             ax1r, ay1r, ax2r, ay2r, labr, tgtr, cer, slr, cntr):
    b = pl.program_id(0)
    mx = mir[0]
    lab = mx >= 0.7
    labf = lab.astype(jnp.float32)
    labr[0] = lab.astype(jnp.int32)
    ax1 = ax1r[...]
    ay1 = ay1r[...]
    ax2 = ax2r[...]
    ay2 = ay2r[...]
    bw = ax2 - ax1 + 1.0
    bh = ay2 - ay1 + 1.0
    bcx = ax1 + 0.5 * bw
    bcy = ay1 + 0.5 * bh
    m0 = m0r[0]
    m1 = m1r[0]
    m2 = m2r[0]
    m3 = m3r[0]
    gw = m2 - m0 + 1.0
    gh = m3 - m1 + 1.0
    gcx = m0 + 0.5 * gw
    gcy = m1 + 0.5 * gh
    t0 = (gcx - bcx) / bw
    t1 = (gcy - bcy) / bh
    t2 = jnp.log(gw / bw)
    t3 = jnp.log(gh / bh)
    tgtr[0, 0] = t0
    tgtr[0, 1] = t1
    tgtr[0, 2] = t2
    tgtr[0, 3] = t3
    l0 = ltr[0, 0]
    l1 = ltr[0, 1]
    mm = jnp.maximum(l0, l1)
    lse = mm + jnp.log(jnp.exp(l0 - mm) + jnp.exp(l1 - mm))
    ce_b = jnp.sum(lse - jnp.where(lab, l1, l0), keepdims=True)
    sl = (_smooth_l1(ptr[0, 0] - t0) + _smooth_l1(ptr[0, 1] - t1)
          + _smooth_l1(ptr[0, 2] - t2) + _smooth_l1(ptr[0, 3] - t3))
    sl_b = jnp.sum(sl * labf, keepdims=True)
    cnt_b = jnp.sum(labf, keepdims=True)

    @pl.when(b == 0)
    def _():
        cer[...] = jnp.zeros((1, 1), jnp.float32)
        slr[...] = jnp.zeros((1, 1), jnp.float32)
        cntr[...] = jnp.zeros((1, 1), jnp.float32)

    cer[...] += ce_b
    slr[...] += sl_b
    cntr[...] += cnt_b


def _stage2(mi, m, lt, pt):
    big = pl.BlockSpec((1, AR, 128), lambda b: (b, 0, 0))
    anch_spec = pl.BlockSpec((AR, 128), lambda b: (0, 0))
    scal = pl.BlockSpec((1, 1), lambda b: (0, 0))
    return pl.pallas_call(
        _s2_body,
        grid=(B,),
        in_specs=[big] * 5
        + [pl.BlockSpec((1, 2, AR, 128), lambda b: (b, 0, 0, 0)),
           pl.BlockSpec((1, 4, AR, 128), lambda b: (b, 0, 0, 0))]
        + [anch_spec] * 4,
        out_specs=[big, pl.BlockSpec((1, 4, AR, 128), lambda b: (b, 0, 0, 0)),
                   scal, scal, scal],
        out_shape=[jax.ShapeDtypeStruct((B, AR, 128), jnp.int32),
                   jax.ShapeDtypeStruct((B, 4, AR, 128), jnp.float32),
                   jax.ShapeDtypeStruct((1, 1), jnp.float32),
                   jax.ShapeDtypeStruct((1, 1), jnp.float32),
                   jax.ShapeDtypeStruct((1, 1), jnp.float32)],
    )(mi, *m, lt, pt, *_AX)


def kernel(rpn_cls_logits, rpn_bbox_pred, gt_boxes, gt_labels, feat_map_shape):
    ga2 = ((gt_boxes[..., 2] - gt_boxes[..., 0])
           * (gt_boxes[..., 3] - gt_boxes[..., 1]))
    vmm1 = (gt_labels > 0).astype(jnp.float32) - 1.0
    rows = jnp.stack([gt_boxes[..., 0], gt_boxes[..., 1], gt_boxes[..., 2],
                      gt_boxes[..., 3], ga2, vmm1], axis=1)
    gt_pack = jnp.pad(rows, ((0, 0), (0, 0), (0, GP - NG)),
                      constant_values=-1.0).reshape(-1)
    packed = _sc_match(gt_pack)
    arrs = packed.reshape(NW, B, 5, APW).transpose(2, 1, 0, 3).reshape(
        5, B, AR, 128)
    mi, m0, m1, m2, m3 = arrs[0], arrs[1], arrs[2], arrs[3], arrs[4]
    lt = jnp.transpose(rpn_cls_logits, (0, 2, 1)).reshape(B, 2, AR, 128)
    pt = jnp.transpose(rpn_bbox_pred.reshape(B, A, 4),
                       (0, 2, 1)).reshape(B, 4, AR, 128)
    lab3, tgt4, ce, slv, cnt = _stage2(mi, (m0, m1, m2, m3), lt, pt)
    cls_loss = ce[0, 0] / float(A * B)
    bbox_loss = slv[0, 0] / jnp.maximum(cnt[0, 0], 1.0)
    labels = lab3.reshape(B, A)
    targets = jnp.transpose(tgt4.reshape(B, 4, A), (0, 2, 1))
    return cls_loss, bbox_loss, labels, targets

# --- scband reference (transcript-rebuilt; emitter-appended) ---
"""Pipeline reference for scband-rpn-1623497637914 (READ-ONLY COPY).

The authoritative reference and input builder live on the scoring server;
editing this copy changes nothing except your own understanding.
"""

import jax, jax.numpy as jnp
import numpy as np

NUM_ANCHORS = 9
FEAT_STRIDE = 16
BATCH = 4
FEAT_H = 64
FEAT_W = 64
NUM_GT = 50


def _generate_base_anchors(base_size=16, ratios=(0.5, 1.0, 2.0), scales=(8, 16, 32)):
    anchors = []
    cx = base_size / 2.0
    cy = base_size / 2.0
    for r in ratios:
        for s in scales:
            area = float(base_size * s) ** 2
            w = np.sqrt(area / r)
            h = w * r
            anchors.append([cx - 0.5 * w, cy - 0.5 * h, cx + 0.5 * w, cy + 0.5 * h])
    return jnp.asarray(np.array(anchors, dtype=np.float32))


def _generate_all_anchors(feat_h, feat_w, base_anchors):
    shift_x = jnp.arange(feat_w, dtype=jnp.float32) * FEAT_STRIDE
    shift_y = jnp.arange(feat_h, dtype=jnp.float32) * FEAT_STRIDE
    sx, sy = jnp.meshgrid(shift_x, shift_y, indexing='ij')
    shifts = jnp.reshape(jnp.stack([sx, sy, sx, sy], axis=-1), [-1, 4])
    all_anchors = base_anchors[None, :, :] + shifts[:, None, :]
    return jnp.reshape(all_anchors, [-1, 4])


def _iou_matrix(boxes1, boxes2):
    x1 = jnp.maximum(boxes1[:, 0:1], boxes2[:, 0][None, :])
    y1 = jnp.maximum(boxes1[:, 1:2], boxes2[:, 1][None, :])
    x2 = jnp.minimum(boxes1[:, 2:3], boxes2[:, 2][None, :])
    y2 = jnp.minimum(boxes1[:, 3:4], boxes2[:, 3][None, :])
    inter = jnp.maximum(0.0, x2 - x1) * jnp.maximum(0.0, y2 - y1)
    area1 = (boxes1[:, 2] - boxes1[:, 0]) * (boxes1[:, 3] - boxes1[:, 1])
    area2 = (boxes2[:, 2] - boxes2[:, 0]) * (boxes2[:, 3] - boxes2[:, 1])
    union = area1[:, None] + area2[None, :] - inter
    return inter / (union + 1e-08)


def _bbox_transform(boxes, gt_boxes):
    bw = boxes[:, 2] - boxes[:, 0] + 1.0
    bh = boxes[:, 3] - boxes[:, 1] + 1.0
    bcx = boxes[:, 0] + 0.5 * bw
    bcy = boxes[:, 1] + 0.5 * bh
    gw = gt_boxes[:, 2] - gt_boxes[:, 0] + 1.0
    gh = gt_boxes[:, 3] - gt_boxes[:, 1] + 1.0
    gcx = gt_boxes[:, 0] + 0.5 * gw
    gcy = gt_boxes[:, 1] + 0.5 * gh
    dx = (gcx - bcx) / bw
    dy = (gcy - bcy) / bh
    dw = jnp.log(gw / bw)
    dh = jnp.log(gh / bh)
    return jnp.stack([dx, dy, dw, dh], axis=1)


def _anchor_targets(anchors, gt_boxes_b, gt_labels_b):
    valid = gt_labels_b > 0
    ious = _iou_matrix(anchors, gt_boxes_b)
    ious = jnp.where(valid[None, :], ious, -1.0)
    max_ious = jnp.max(ious, axis=1)
    argmax_ious = jnp.argmax(ious, axis=1)
    labels = jnp.where(max_ious >= 0.7, 1, 0).astype(jnp.int32)
    matched = jnp.take(gt_boxes_b, argmax_ious, axis=0)
    targets = _bbox_transform(anchors, matched)
    return labels, targets


def _smooth_l1(x):
    ax = jnp.abs(x)
    return jnp.where(ax < 1.0, 0.5 * x * x, ax - 0.5)


def setup_inputs(seed: int = 0) -> dict:
    key = jax.random.key(seed)
    k1, k2, k3, k4, k5 = jax.random.split(key, 5)
    rpn_cls_logits = jax.random.normal(k1, (BATCH, FEAT_H * FEAT_W * NUM_ANCHORS, 2), dtype=jnp.float32)
    rpn_bbox_pred = jax.random.normal(k2, (BATCH, FEAT_H, FEAT_W, 4 * NUM_ANCHORS), dtype=jnp.float32)
    xy1 = jax.random.uniform(k3, (BATCH, NUM_GT, 2), minval=0.0, maxval=896.0, dtype=jnp.float32)
    wh = jax.random.uniform(k4, (BATCH, NUM_GT, 2), minval=16.0, maxval=128.0, dtype=jnp.float32)
    gt_boxes = jnp.concatenate([xy1, xy1 + wh], axis=-1)
    gt_labels = jax.random.randint(k5, (BATCH, NUM_GT), 0, 21).astype(jnp.int32)
    feat_map_shape = jnp.array([BATCH, FEAT_H, FEAT_W, 256], dtype=jnp.int32)
    return {'rpn_cls_logits': rpn_cls_logits, 'rpn_bbox_pred': rpn_bbox_pred, 'gt_boxes': gt_boxes, 'gt_labels': gt_labels, 'feat_map_shape': feat_map_shape}


def reference(rpn_cls_logits, rpn_bbox_pred, gt_boxes, gt_labels, feat_map_shape):
    base_anchors = _generate_base_anchors()
    all_anchors = _generate_all_anchors(FEAT_H, FEAT_W, base_anchors)
    labels_list = []
    targets_list = []
    for i in range(BATCH):
        lb, tg = _anchor_targets(all_anchors, gt_boxes[i], gt_labels[i])
        labels_list.append(lb)
        targets_list.append(tg)
    rpn_labels = jnp.stack(labels_list, axis=0)
    rpn_targets = jnp.stack(targets_list, axis=0)
    valid_mask = (rpn_labels >= 0).astype(jnp.float32)
    logp = jax.nn.log_softmax(rpn_cls_logits, axis=-1)
    ce = -jnp.take_along_axis(logp, rpn_labels[..., None], axis=-1)[..., 0]
    rpn_cls_loss = jnp.sum(ce * valid_mask) / jnp.maximum(jnp.sum(valid_mask), 1.0)
    pred = jnp.reshape(rpn_bbox_pred, [BATCH, FEAT_H * FEAT_W * NUM_ANCHORS, 4])
    pos = (rpn_labels == 1).astype(jnp.float32)
    sl1 = jnp.sum(_smooth_l1(pred - rpn_targets), axis=-1)
    rpn_bbox_loss = jnp.sum(sl1 * pos) / jnp.maximum(jnp.sum(pos), 1.0)
    return (rpn_cls_loss, rpn_bbox_loss, rpn_labels, rpn_targets)

if __name__ == "__main__":
    import jax
    _d = setup_inputs()
    print(jax.jit(kernel)(*tuple(_d.values())))

</pallas_src>

<mosaic_0001>
#map = affine_map<(d0, d1) -> (0)>
module attributes {stable_mosaic.version = 14 : i64} {
  func.func @k(%arg0: i32, %arg1: i32, %arg2: memref<147456xf32, #tpu.memory_space<hbm>>, %arg3: memref<1536xf32, #tpu.memory_space<hbm>>, %arg4: memref<737280xf32, #tpu.memory_space<hbm>>, %arg5: memref<9216xf32, #tpu.memory_space<vmem>>, %arg6: memref<1536xf32, #tpu.memory_space<vmem>>, %arg7: memref<46080xf32, #tpu.memory_space<vmem>>) attributes {dimension_semantics = [#tpu.dimension_semantics<core_parallel>, #tpu.dimension_semantics<subcore_parallel>], iteration_bounds = array<i64: 1, 16>, scalar_prefetch = 0 : i64, scratch_operands = 3 : i64, tpu.core_type = #tpu.core_type<sc_vector_subcore>, window_params = [{transform_indices = #map}, {transform_indices = #map}, {transform_indices = #map}]} {
    %mul3A = arith.constant 1 : i32
    %mul3A_0 = arith.muli %arg1, %mul3A : i32
    %add3A = arith.addi %mul3A_0, %arg0 : i32
    %mul3A_1 = arith.constant 4 : i32
    %mul3A_2 = arith.muli %add3A, %mul3A_1 : i32
    %mul3A_3 = arith.constant 2304 : i32
    %mul3A_4 = arith.muli %mul3A_2, %mul3A_3 : i32
    "tpu.region"() ({
      %run_scoped3A = tpu.sem_alloc : memref<!tpu.dma_semaphore, #tpu.memory_space<semaphore_mem>>
      %dma_start3A = tpu.memref_slice %arg2[%mul3A_4] : memref<147456xf32, #tpu.memory_space<hbm>> -> memref<9216xf32, #tpu.memory_space<hbm>>
      %dma_start3A_38 = tpu.memref_slice %arg2[%mul3A_4] : memref<147456xf32, #tpu.memory_space<hbm>> -> memref<9216xf32, #tpu.memory_space<hbm>>
      tpu.enqueue_dma source(%dma_start3A_38 : memref<9216xf32, #tpu.memory_space<hbm>>) target(%arg5 : memref<9216xf32, #tpu.memory_space<vmem>>) target_semaphore(%run_scoped3A : memref<!tpu.dma_semaphore, #tpu.memory_space<semaphore_mem>>)
      %dma_wait3A = tpu.memref_slice %arg2[%mul3A_4] : memref<147456xf32, #tpu.memory_space<hbm>> -> memref<9216xf32, #tpu.memory_space<hbm>>
      %dma_wait3A_39 = tpu.memref_slice %arg2[%mul3A_4] : memref<147456xf32, #tpu.memory_space<hbm>> -> memref<9216xf32, #tpu.memory_space<hbm>>
      tpu.wait_dma2 semaphore(%run_scoped3A : memref<!tpu.dma_semaphore, #tpu.memory_space<semaphore_mem>>) src(%dma_wait3A_39 : memref<9216xf32, #tpu.memory_space<hbm>>) dst(%arg5 : memref<9216xf32, #tpu.memory_space<vmem>>)
      tpu.yield
    }) : () -> ()
    "tpu.region"() ({
      %run_scoped3A = tpu.sem_alloc : memref<!tpu.dma_semaphore, #tpu.memory_space<semaphore_mem>>
      tpu.enqueue_dma source(%arg3 : memref<1536xf32, #tpu.memory_space<hbm>>) target(%arg6 : memref<1536xf32, #tpu.memory_space<vmem>>) target_semaphore(%run_scoped3A : memref<!tpu.dma_semaphore, #tpu.memory_space<semaphore_mem>>)
      tpu.wait_dma2 semaphore(%run_scoped3A : memref<!tpu.dma_semaphore, #tpu.memory_space<semaphore_mem>>) src(%arg3 : memref<1536xf32, #tpu.memory_space<hbm>>) dst(%arg6 : memref<1536xf32, #tpu.memory_space<vmem>>)
      tpu.yield
    }) : () -> ()
    %scan3A = arith.constant 0 : i32
    %scan3A_5 = arith.constant 0 : i32
    %scan3A_6 = arith.constant 36 : i32
    %scan3A_7 = arith.addi %scan3A_5, %scan3A_6 : i32
    %scan3A_8 = arith.constant 1 : i32
    %scan3A_9 = scf.for %scan3A_38 = %scan3A_5 to %scan3A_7 step %scan3A_8 iter_args(%scan3A_39 = %scan3A) -> (i32)  : i32 {
      %mul3A_40 = arith.constant 64 : i32
      %mul3A_41 = arith.muli %scan3A_38, %mul3A_40 : i32
      %add3A_42 = arith.constant 0 : i32
      %add3A_43 = arith.addi %mul3A_41, %add3A_42 : i32
      %mul3A_44 = arith.constant 64 : i32
      %mul3A_45 = arith.muli %scan3A_38, %mul3A_44 : i32
      %add3A_46 = arith.constant 16 : i32
      %add3A_47 = arith.addi %mul3A_45, %add3A_46 : i32
      %mul3A_48 = arith.constant 64 : i32
      %mul3A_49 = arith.muli %scan3A_38, %mul3A_48 : i32
      %add3A_50 = arith.constant 32 : i32
      %add3A_51 = arith.addi %mul3A_49, %add3A_50 : i32
      %mul3A_52 = arith.constant 64 : i32
      %mul3A_53 = arith.muli %scan3A_38, %mul3A_52 : i32
      %add3A_54 = arith.constant 48 : i32
      %add3A_55 = arith.addi %mul3A_53, %add3A_54 : i32
      %add3A_56 = arith.constant 0 : i32
      %add3A_57 = arith.addi %add3A_56, %add3A_43 : i32
      %get3A = arith.index_cast %add3A_57 : i32 to index
      %get3A_58 = tpu.vector_load %arg5[%get3A] {strides = array<i32>} : memref<9216xf32, #tpu.memory_space<vmem>>, vector<16xf32>,
      %add3A_59 = arith.constant 0 : i32
      %add3A_60 = arith.addi %add3A_59, %add3A_47 : i32
      %get3A_61 = arith.index_cast %add3A_60 : i32 to index
      %get3A_62 = tpu.vector_load %arg5[%get3A_61] {strides = array<i32>} : memref<9216xf32, #tpu.memory_space<vmem>>, vector<16xf32>,
      %add3A_63 = arith.constant 0 : i32
      %add3A_64 = arith.addi %add3A_63, %add3A_51 : i32
      %get3A_65 = arith.index_cast %add3A_64 : i32 to index
      %get3A_66 = tpu.vector_load %arg5[%get3A_65] {strides = array<i32>} : memref<9216xf32, #tpu.memory_space<vmem>>, vector<16xf32>,
      %add3A_67 = arith.constant 0 : i32
      %add3A_68 = arith.addi %add3A_67, %add3A_55 : i32
      %get3A_69 = arith.index_cast %add3A_68 : i32 to index
      %get3A_70 = tpu.vector_load %arg5[%get3A_69] {strides = array<i32>} : memref<9216xf32, #tpu.memory_space<vmem>>, vector<16xf32>,
      %add3A_71 = arith.constant 2304 : i32
      %add3A_72 = arith.addi %add3A_71, %add3A_43 : i32
      %get3A_73 = arith.index_cast %add3A_72 : i32 to index
      %get3A_74 = tpu.vector_load %arg5[%get3A_73] {strides = array<i32>} : memref<9216xf32, #tpu.memory_space<vmem>>, vector<16xf32>,
      %add3A_75 = arith.constant 2304 : i32
      %add3A_76 = arith.addi %add3A_75, %add3A_47 : i32
      %get3A_77 = arith.index_cast %add3A_76 : i32 to index
      %get3A_78 = tpu.vector_load %arg5[%get3A_77] {strides = array<i32>} : memref<9216xf32, #tpu.memory_space<vmem>>, vector<16xf32>,
      %add3A_79 = arith.constant 2304 : i32
      %add3A_80 = arith.addi %add3A_79, %add3A_51 : i32
      %get3A_81 = arith.index_cast %add3A_80 : i32 to index
      %get3A_82 = tpu.vector_load %arg5[%get3A_81] {strides = array<i32>} : memref<9216xf32, #tpu.memory_space<vmem>>, vector<16xf32>,
      %add3A_83 = arith.constant 2304 : i32
      %add3A_84 = arith.addi %add3A_83, %add3A_55 : i32
      %get3A_85 = arith.index_cast %add3A_84 : i32 to index
      %get3A_86 = tpu.vector_load %arg5[%get3A_85] {strides = array<i32>} : memref<9216xf32, #tpu.memory_space<vmem>>, vector<16xf32>,
      %add3A_87 = arith.constant 4608 : i32
      %add3A_88 = arith.addi %add3A_87, %add3A_43 : i32
      %get3A_89 = arith.index_cast %add3A_88 : i32 to index
      %get3A_90 = tpu.vector_load %arg5[%get3A_89] {strides = array<i32>} : memref<9216xf32, #tpu.memory_space<vmem>>, vector<16xf32>,
      %add3A_91 = arith.constant 4608 : i32
      %add3A_92 = arith.addi %add3A_91, %add3A_47 : i32
      %get3A_93 = arith.index_cast %add3A_92 : i32 to index
      %get3A_94 = tpu.vector_load %arg5[%get3A_93] {strides = array<i32>} : memref<9216xf32, #tpu.memory_space<vmem>>, vector<16xf32>,
      %add3A_95 = arith.constant 4608 : i32
      %add3A_96 = arith.addi %add3A_95, %add3A_51 : i32
      %get3A_97 = arith.index_cast %add3A_96 : i32 to index
      %get3A_98 = tpu.vector_load %arg5[%get3A_97] {strides = array<i32>} : memref<9216xf32, #tpu.memory_space<vmem>>, vector<16xf32>,
      %add3A_99 = arith.constant 4608 : i32
      %add3A_100 = arith.addi %add3A_99, %add3A_55 : i32
      %get3A_101 = arith.index_cast %add3A_100 : i32 to index
      %get3A_102 = tpu.vector_load %arg5[%get3A_101] {strides = array<i32>} : memref<9216xf32, #tpu.memory_space<vmem>>, vector<16xf32>,
      %add3A_103 = arith.constant 6912 : i32
      %add3A_104 = arith.addi %add3A_103, %add3A_43 : i32
      %get3A_105 = arith.index_cast %add3A_104 : i32 to index
      %get3A_106 = tpu.vector_load %arg5[%get3A_105] {strides = array<i32>} : memref<9216xf32, #tpu.memory_space<vmem>>, vector<16xf32>,
      %add3A_107 = arith.constant 6912 : i32
      %add3A_108 = arith.addi %add3A_107, %add3A_47 : i32
      %get3A_109 = arith.index_cast %add3A_108 : i32 to index
      %get3A_110 = tpu.vector_load %arg5[%get3A_109] {strides = array<i32>} : memref<9216xf32, #tpu.memory_space<vmem>>, vector<16xf32>,
      %add3A_111 = arith.constant 6912 : i32
      %add3A_112 = arith.addi %add3A_111, %add3A_51 : i32
      %get3A_113 = arith.index_cast %add3A_112 : i32 to index
      %get3A_114 = tpu.vector_load %arg5[%get3A_113] {strides = array<i32>} : memref<9216xf32, #tpu.memory_space<vmem>>, vector<16xf32>,
      %add3A_115 = arith.constant 6912 : i32
      %add3A_116 = arith.addi %add3A_115, %add3A_55 : i32
      %get3A_117 = arith.index_cast %add3A_116 : i32 to index
      %get3A_118 = tpu.vector_load %arg5[%get3A_117] {strides = array<i32>} : memref<9216xf32, #tpu.memory_space<vmem>>, vector<16xf32>,
      %sub3A = arith.subf %get3A_90, %get3A_58 : vector<16xf32>
      %sub3A_119 = arith.subf %get3A_106, %get3A_74 : vector<16xf32>
      %mul3A_120 = arith.mulf %sub3A, %sub3A_119 : vector<16xf32>
      %sub3A_121 = arith.subf %get3A_94, %get3A_62 : vector<16xf32>
      %sub3A_122 = arith.subf %get3A_110, %get3A_78 : vector<16xf32>
      %mul3A_123 = arith.mulf %sub3A_121, %sub3A_122 : vector<16xf32>
      %sub3A_124 = arith.subf %get3A_98, %get3A_66 : vector<16xf32>
      %sub3A_125 = arith.subf %get3A_114, %get3A_82 : vector<16xf32>
      %mul3A_126 = arith.mulf %sub3A_124, %sub3A_125 : vector<16xf32>
      %sub3A_127 = arith.subf %get3A_102, %get3A_70 : vector<16xf32>
      %sub3A_128 = arith.subf %get3A_118, %get3A_86 : vector<16xf32>
      %mul3A_129 = arith.mulf %sub3A_127, %sub3A_128 : vector<16xf32>
      %broadcast_in_dim3A = arith.constant -2.000000e+00 : f32
      %broadcast_in_dim3A_130 = vector.broadcast %broadcast_in_dim3A : f32 to vector<16xf32>
      %broadcast_in_dim3A_131 = arith.constant -2.000000e+00 : f32
      %broadcast_in_dim3A_132 = vector.broadcast %broadcast_in_dim3A_131 : f32 to vector<16xf32>
      %broadcast_in_dim3A_133 = arith.constant -2.000000e+00 : f32
      %broadcast_in_dim3A_134 = vector.broadcast %broadcast_in_dim3A_133 : f32 to vector<16xf32>
      %broadcast_in_dim3A_135 = arith.constant -2.000000e+00 : f32
      %broadcast_in_dim3A_136 = vector.broadcast %broadcast_in_dim3A_135 : f32 to vector<16xf32>
      %broadcast_in_dim3A_137 = arith.constant 0 : i32
      %broadcast_in_dim3A_138 = vector.broadcast %broadcast_in_dim3A_137 : i32 to vector<16xi32>
      %broadcast_in_dim3A_139 = arith.constant 0 : i32
      %broadcast_in_dim3A_140 = vector.broadcast %broadcast_in_dim3A_139 : i32 to vector<16xi32>
      %broadcast_in_dim3A_141 = arith.constant 0 : i32
      %broadcast_in_dim3A_142 = vector.broadcast %broadcast_in_dim3A_141 : i32 to vector<16xi32>
      %broadcast_in_dim3A_143 = arith.constant 0 : i32
      %broadcast_in_dim3A_144 = vector.broadcast %broadcast_in_dim3A_143 : i32 to vector<16xi32>
      %scan3A_145 = arith.constant 0 : i32
      %scan3A_146 = arith.constant 50 : i32
      %scan3A_147 = arith.addi %scan3A_145, %scan3A_146 : i32
      %scan3A_148 = arith.constant 1 : i32
      %scan3A_149:8 = scf.for %scan3A_294 = %scan3A_145 to %scan3A_147 step %scan3A_148 iter_args(%scan3A_295 = %broadcast_in_dim3A_130, %scan3A_296 = %broadcast_in_dim3A_132, %scan3A_297 = %broadcast_in_dim3A_134, %scan3A_298 = %broadcast_in_dim3A_136, %scan3A_299 = %broadcast_in_dim3A_138, %scan3A_300 = %broadcast_in_dim3A_140, %scan3A_301 = %broadcast_in_dim3A_142, %scan3A_302 = %broadcast_in_dim3A_144) -> (vector<16xf32>, vector<16xf32>, vector<16xf32>, vector<16xf32>, vector<16xi32>, vector<16xi32>, vector<16xi32>, vector<16xi32>)  : i32 {
        %broadcast_in_dim3A_303 = vector.broadcast %scan3A_294 : i32 to vector<16xi32>
        %add3A_304 = arith.constant 0 : i32
        %add3A_305 = vector.broadcast %add3A_304 : i32 to vector<16xi32>
        %add3A_306 = arith.addi %broadcast_in_dim3A_303, %add3A_305 : vector<16xi32>
        %gather3A_307 = tpu.vector_load_idx %arg6[%add3A_306] : memref<1536xf32, #tpu.memory_space<vmem>>[vector<16xi32>], vector<16xf32>,
        %add3A_308 = arith.constant 64 : i32
        %add3A_309 = vector.broadcast %add3A_308 : i32 to vector<16xi32>
        %add3A_310 = arith.addi %broadcast_in_dim3A_303, %add3A_309 : vector<16xi32>
        %gather3A_311 = tpu.vector_load_idx %arg6[%add3A_310] : memref<1536xf32, #tpu.memory_space<vmem>>[vector<16xi32>], vector<16xf32>,
        %add3A_312 = arith.constant 128 : i32
        %add3A_313 = vector.broadcast %add3A_312 : i32 to vector<16xi32>
        %add3A_314 = arith.addi %broadcast_in_dim3A_303, %add3A_313 : vector<16xi32>
        %gather3A_315 = tpu.vector_load_idx %arg6[%add3A_314] : memref<1536xf32, #tpu.memory_space<vmem>>[vector<16xi32>], vector<16xf32>,
        %add3A_316 = arith.constant 192 : i32
        %add3A_317 = vector.broadcast %add3A_316 : i32 to vector<16xi32>
        %add3A_318 = arith.addi %broadcast_in_dim3A_303, %add3A_317 : vector<16xi32>
        %gather3A_319 = tpu.vector_load_idx %arg6[%add3A_318] : memref<1536xf32, #tpu.memory_space<vmem>>[vector<16xi32>], vector<16xf32>,
        %add3A_320 = arith.constant 256 : i32
        %add3A_321 = vector.broadcast %add3A_320 : i32 to vector<16xi32>
        %add3A_322 = arith.addi %broadcast_in_dim3A_303, %add3A_321 : vector<16xi32>
        %gather3A_323 = tpu.vector_load_idx %arg6[%add3A_322] : memref<1536xf32, #tpu.memory_space<vmem>>[vector<16xi32>], vector<16xf32>,
        %add3A_324 = arith.constant 320 : i32
        %add3A_325 = vector.broadcast %add3A_324 : i32 to vector<16xi32>
        %add3A_326 = arith.addi %broadcast_in_dim3A_303, %add3A_325 : vector<16xi32>
        %gather3A_327 = tpu.vector_load_idx %arg6[%add3A_326] : memref<1536xf32, #tpu.memory_space<vmem>>[vector<16xi32>], vector<16xf32>,
        %add3A_328 = arith.constant 1.000000e+00 : f32
        %add3A_329 = vector.broadcast %add3A_328 : f32 to vector<16xf32>
        %add3A_330 = arith.addf %gather3A_327, %add3A_329 : vector<16xf32>
        %min3A = arith.minimumf %get3A_90, %gather3A_315 : vector<16xf32>
        %max3A = arith.maximumf %get3A_58, %gather3A_307 : vector<16xf32>
        %sub3A_331 = arith.subf %min3A, %max3A : vector<16xf32>
        %max3A_332 = arith.constant 0.000000e+00 : f32
        %max3A_333 = vector.broadcast %max3A_332 : f32 to vector<16xf32>
        %max3A_334 = arith.maximumf %max3A_333, %sub3A_331 : vector<16xf32>
        %min3A_335 = arith.minimumf %get3A_106, %gather3A_319 : vector<16xf32>
        %max3A_336 = arith.maximumf %get3A_74, %gather3A_311 : vector<16xf32>
        %sub3A_337 = arith.subf %min3A_335, %max3A_336 : vector<16xf32>
        %max3A_338 = arith.constant 0.000000e+00 : f32
        %max3A_339 = vector.broadcast %max3A_338 : f32 to vector<16xf32>
        %max3A_340 = arith.maximumf %max3A_339, %sub3A_337 : vector<16xf32>
        %mul3A_341 = arith.mulf %max3A_334, %max3A_340 : vector<16xf32>
        %add3A_342 = arith.addf %mul3A_120, %gather3A_323 : vector<16xf32>
        %sub3A_343 = arith.subf %add3A_342, %mul3A_341 : vector<16xf32>
        %add3A_344 = arith.constant 9.99999993E-9 : f32
        %add3A_345 = vector.broadcast %add3A_344 : f32 to vector<16xf32>
        %add3A_346 = arith.addf %sub3A_343, %add3A_345 : vector<16xf32>
        %div3A = arith.divf %mul3A_341, %add3A_346 : vector<16xf32>
        %mul3A_347 = arith.mulf %div3A, %add3A_330 : vector<16xf32>
        %add3A_348 = arith.addf %mul3A_347, %gather3A_327 : vector<16xf32>
        %gt3A = arith.cmpf ogt, %add3A_348, %scan3A_295 : vector<16xf32>
        %select_n3A = arith.select %gt3A, %add3A_348, %scan3A_295 : vector<16xi1>, vector<16xf32>
        %select_n3A_349 = arith.select %gt3A, %broadcast_in_dim3A_303, %scan3A_299 : vector<16xi1>, vector<16xi32>
        %min3A_350 = arith.minimumf %get3A_94, %gather3A_315 : vector<16xf32>
        %max3A_351 = arith.maximumf %get3A_62, %gather3A_307 : vector<16xf32>
        %sub3A_352 = arith.subf %min3A_350, %max3A_351 : vector<16xf32>
        %max3A_353 = arith.constant 0.000000e+00 : f32
        %max3A_354 = vector.broadcast %max3A_353 : f32 to vector<16xf32>
        %max3A_355 = arith.maximumf %max3A_354, %sub3A_352 : vector<16xf32>
        %min3A_356 = arith.minimumf %get3A_110, %gather3A_319 : vector<16xf32>
        %max3A_357 = arith.maximumf %get3A_78, %gather3A_311 : vector<16xf32>
        %sub3A_358 = arith.subf %min3A_356, %max3A_357 : vector<16xf32>
        %max3A_359 = arith.constant 0.000000e+00 : f32
        %max3A_360 = vector.broadcast %max3A_359 : f32 to vector<16xf32>
        %max3A_361 = arith.maximumf %max3A_360, %sub3A_358 : vector<16xf32>
        %mul3A_362 = arith.mulf %max3A_355, %max3A_361 : vector<16xf32>
        %add3A_363 = arith.addf %mul3A_123, %gather3A_323 : vector<16xf32>
        %sub3A_364 = arith.subf %add3A_363, %mul3A_362 : vector<16xf32>
        %add3A_365 = arith.constant 9.99999993E-9 : f32
        %add3A_366 = vector.broadcast %add3A_365 : f32 to vector<16xf32>
        %add3A_367 = arith.addf %sub3A_364, %add3A_366 : vector<16xf32>
        %div3A_368 = arith.divf %mul3A_362, %add3A_367 : vector<16xf32>
        %mul3A_369 = arith.mulf %div3A_368, %add3A_330 : vector<16xf32>
        %add3A_370 = arith.addf %mul3A_369, %gather3A_327 : vector<16xf32>
        %gt3A_371 = arith.cmpf ogt, %add3A_370, %scan3A_296 : vector<16xf32>
        %select_n3A_372 = arith.select %gt3A_371, %add3A_370, %scan3A_296 : vector<16xi1>, vector<16xf32>
        %select_n3A_373 = arith.select %gt3A_371, %broadcast_in_dim3A_303, %scan3A_300 : vector<16xi1>, vector<16xi32>
        %min3A_374 = arith.minimumf %get3A_98, %gather3A_315 : vector<16xf32>
        %max3A_375 = arith.maximumf %get3A_66, %gather3A_307 : vector<16xf32>
        %sub3A_376 = arith.subf %min3A_374, %max3A_375 : vector<16xf32>
        %max3A_377 = arith.constant 0.000000e+00 : f32
        %max3A_378 = vector.broadcast %max3A_377 : f32 to vector<16xf32>
        %max3A_379 = arith.maximumf %max3A_378, %sub3A_376 : vector<16xf32>
        %min3A_380 = arith.minimumf %get3A_114, %gather3A_319 : vector<16xf32>
        %max3A_381 = arith.maximumf %get3A_82, %gather3A_311 : vector<16xf32>
        %sub3A_382 = arith.subf %min3A_380, %max3A_381 : vector<16xf32>
        %max3A_383 = arith.constant 0.000000e+00 : f32
        %max3A_384 = vector.broadcast %max3A_383 : f32 to vector<16xf32>
        %max3A_385 = arith.maximumf %max3A_384, %sub3A_382 : vector<16xf32>
        %mul3A_386 = arith.mulf %max3A_379, %max3A_385 : vector<16xf32>
        %add3A_387 = arith.addf %mul3A_126, %gather3A_323 : vector<16xf32>
        %sub3A_388 = arith.subf %add3A_387, %mul3A_386 : vector<16xf32>
        %add3A_389 = arith.constant 9.99999993E-9 : f32
        %add3A_390 = vector.broadcast %add3A_389 : f32 to vector<16xf32>
        %add3A_391 = arith.addf %sub3A_388, %add3A_390 : vector<16xf32>
        %div3A_392 = arith.divf %mul3A_386, %add3A_391 : vector<16xf32>
        %mul3A_393 = arith.mulf %div3A_392, %add3A_330 : vector<16xf32>
        %add3A_394 = arith.addf %mul3A_393, %gather3A_327 : vector<16xf32>
        %gt3A_395 = arith.cmpf ogt, %add3A_394, %scan3A_297 : vector<16xf32>
        %select_n3A_396 = arith.select %gt3A_395, %add3A_394, %scan3A_297 : vector<16xi1>, vector<16xf32>
        %select_n3A_397 = arith.select %gt3A_395, %broadcast_in_dim3A_303, %scan3A_301 : vector<16xi1>, vector<16xi32>
        %min3A_398 = arith.minimumf %get3A_102, %gather3A_315 : vector<16xf32>
        %max3A_399 = arith.maximumf %get3A_70, %gather3A_307 : vector<16xf32>
        %sub3A_400 = arith.subf %min3A_398, %max3A_399 : vector<16xf32>
        %max3A_401 = arith.constant 0.000000e+00 : f32
        %max3A_402 = vector.broadcast %max3A_401 : f32 to vector<16xf32>
        %max3A_403 = arith.maximumf %max3A_402, %sub3A_400 : vector<16xf32>
        %min3A_404 = arith.minimumf %get3A_118, %gather3A_319 : vector<16xf32>
        %max3A_405 = arith.maximumf %get3A_86, %gather3A_311 : vector<16xf32>
        %sub3A_406 = arith.subf %min3A_404, %max3A_405 : vector<16xf32>
        %max3A_407 = arith.constant 0.000000e+00 : f32
        %max3A_408 = vector.broadcast %max3A_407 : f32 to vector<16xf32>
        %max3A_409 = arith.maximumf %max3A_408, %sub3A_406 : vector<16xf32>
        %mul3A_410 = arith.mulf %max3A_403, %max3A_409 : vector<16xf32>
        %add3A_411 = arith.addf %mul3A_129, %gather3A_323 : vector<16xf32>
        %sub3A_412 = arith.subf %add3A_411, %mul3A_410 : vector<16xf32>
        %add3A_413 = arith.constant 9.99999993E-9 : f32
        %add3A_414 = vector.broadcast %add3A_413 : f32 to vector<16xf32>
        %add3A_415 = arith.addf %sub3A_412, %add3A_414 : vector<16xf32>
        %div3A_416 = arith.divf %mul3A_410, %add3A_415 : vector<16xf32>
        %mul3A_417 = arith.mulf %div3A_416, %add3A_330 : vector<16xf32>
        %add3A_418 = arith.addf %mul3A_417, %gather3A_327 : vector<16xf32>
        %gt3A_419 = arith.cmpf ogt, %add3A_418, %scan3A_298 : vector<16xf32>
        %select_n3A_420 = arith.select %gt3A_419, %add3A_418, %scan3A_298 : vector<16xi1>, vector<16xf32>
        %select_n3A_421 = arith.select %gt3A_419, %broadcast_in_dim3A_303, %scan3A_302 : vector<16xi1>, vector<16xi32>
        scf.yield %select_n3A, %select_n3A_372, %select_n3A_396, %select_n3A_420, %select_n3A_349, %select_n3A_373, %select_n3A_397, %select_n3A_421 : vector<16xf32>, vector<16xf32>, vector<16xf32>, vector<16xf32>, vector<16xi32>, vector<16xi32>, vector<16xi32>, vector<16xi32>
      }
      %scan3A_150 = arith.constant 50 : i32
      %add3A_151 = arith.constant 0 : i32
      %add3A_152 = arith.addi %add3A_151, %add3A_43 : i32
      %swap3A = arith.index_cast %add3A_152 : i32 to index
      %swap3A_153 = tpu.vector_load %arg7[%swap3A] {strides = array<i32>} : memref<46080xf32, #tpu.memory_space<vmem>>, vector<16xf32>,
      tpu.vector_store %arg7[%swap3A], %scan3A_149#0 {strides = array<i32>} : memref<46080xf32, #tpu.memory_space<vmem>>, vector<16xf32>,
      %add3A_154 = arith.constant 0 : i32
      %add3A_155 = vector.broadcast %add3A_154 : i32 to vector<16xi32>
      %add3A_156 = arith.addi %scan3A_149#4, %add3A_155 : vector<16xi32>
      %gather3A = tpu.vector_load_idx %arg6[%add3A_156] : memref<1536xf32, #tpu.memory_space<vmem>>[vector<16xi32>], vector<16xf32>,
      %add3A_157 = arith.constant 2304 : i32
      %add3A_158 = arith.addi %add3A_157, %add3A_43 : i32
      %swap3A_159 = arith.index_cast %add3A_158 : i32 to index
      %swap3A_160 = tpu.vector_load %arg7[%swap3A_159] {strides = array<i32>} : memref<46080xf32, #tpu.memory_space<vmem>>, vector<16xf32>,
      tpu.vector_store %arg7[%swap3A_159], %gather3A {strides = array<i32>} : memref<46080xf32, #tpu.memory_space<vmem>>, vector<16xf32>,
      %add3A_161 = arith.constant 64 : i32
      %add3A_162 = vector.broadcast %add3A_161 : i32 to vector<16xi32>
      %add3A_163 = arith.addi %scan3A_149#4, %add3A_162 : vector<16xi32>
      %gather3A_164 = tpu.vector_load_idx %arg6[%add3A_163] : memref<1536xf32, #tpu.memory_space<vmem>>[vector<16xi32>], vector<16xf32>,
      %add3A_165 = arith.constant 4608 : i32
      %add3A_166 = arith.addi %add3A_165, %add3A_43 : i32
      %swap3A_167 = arith.index_cast %add3A_166 : i32 to index
      %swap3A_168 = tpu.vector_load %arg7[%swap3A_167] {strides = array<i32>} : memref<46080xf32, #tpu.memory_space<vmem>>, vector<16xf32>,
      tpu.vector_store %arg7[%swap3A_167], %gather3A_164 {strides = array<i32>} : memref<46080xf32, #tpu.memory_space<vmem>>, vector<16xf32>,
      %add3A_169 = arith.constant 128 : i32
      %add3A_170 = vector.broadcast %add3A_169 : i32 to vector<16xi32>
      %add3A_171 = arith.addi %scan3A_149#4, %add3A_170 : vector<16xi32>
      %gather3A_172 = tpu.vector_load_idx %arg6[%add3A_171] : memref<1536xf32, #tpu.memory_space<vmem>>[vector<16xi32>], vector<16xf32>,
      %add3A_173 = arith.constant 6912 : i32
      %add3A_174 = arith.addi %add3A_173, %add3A_43 : i32
      %swap3A_175 = arith.index_cast %add3A_174 : i32 to index
      %swap3A_176 = tpu.vector_load %arg7[%swap3A_175] {strides = array<i32>} : memref<46080xf32, #tpu.memory_space<vmem>>, vector<16xf32>,
      tpu.vector_store %arg7[%swap3A_175], %gather3A_172 {strides = array<i32>} : memref<46080xf32, #tpu.memory_space<vmem>>, vector<16xf32>,
      %add3A_177 = arith.constant 192 : i32
      %add3A_178 = vector.broadcast %add3A_177 : i32 to vector<16xi32>
      %add3A_179 = arith.addi %scan3A_149#4, %add3A_178 : vector<16xi32>
      %gather3A_180 = tpu.vector_load_idx %arg6[%add3A_179] : memref<1536xf32, #tpu.memory_space<vmem>>[vector<16xi32>], vector<16xf32>,
      %add3A_181 = arith.constant 9216 : i32
      %add3A_182 = arith.addi %add3A_181, %add3A_43 : i32
      %swap3A_183 = arith.index_cast %add3A_182 : i32 to index
      %swap3A_184 = tpu.vector_load %arg7[%swap3A_183] {strides = array<i32>} : memref<46080xf32, #tpu.memory_space<vmem>>, vector<16xf32>,
      tpu.vector_store %arg7[%swap3A_183], %gather3A_180 {strides = array<i32>} : memref<46080xf32, #tpu.memory_space<vmem>>, vector<16xf32>,
      %add3A_185 = arith.constant 0 : i32
      %add3A_186 = arith.addi %add3A_185, %add3A_47 : i32
      %swap3A_187 = arith.index_cast %add3A_186 : i32 to index
      %swap3A_188 = tpu.vector_load %arg7[%swap3A_187] {strides = array<i32>} : memref<46080xf32, #tpu.memory_space<vmem>>, vector<16xf32>,
      tpu.vector_store %arg7[%swap3A_187], %scan3A_149#1 {strides = array<i32>} : memref<46080xf32, #tpu.memory_space<vmem>>, vector<16xf32>,
      %add3A_189 = arith.constant 0 : i32
      %add3A_190 = vector.broadcast %add3A_189 : i32 to vector<16xi32>
      %add3A_191 = arith.addi %scan3A_149#5, %add3A_190 : vector<16xi32>
      %gather3A_192 = tpu.vector_load_idx %arg6[%add3A_191] : memref<1536xf32, #tpu.memory_space<vmem>>[vector<16xi32>], vector<16xf32>,
      %add3A_193 = arith.constant 2304 : i32
      %add3A_194 = arith.addi %add3A_193, %add3A_47 : i32
      %swap3A_195 = arith.index_cast %add3A_194 : i32 to index
      %swap3A_196 = tpu.vector_load %arg7[%swap3A_195] {strides = array<i32>} : memref<46080xf32, #tpu.memory_space<vmem>>, vector<16xf32>,
      tpu.vector_store %arg7[%swap3A_195], %gather3A_192 {strides = array<i32>} : memref<46080xf32, #tpu.memory_space<vmem>>, vector<16xf32>,
      %add3A_197 = arith.constant 64 : i32
      %add3A_198 = vector.broadcast %add3A_197 : i32 to vector<16xi32>
      %add3A_199 = arith.addi %scan3A_149#5, %add3A_198 : vector<16xi32>
      %gather3A_200 = tpu.vector_load_idx %arg6[%add3A_199] : memref<1536xf32, #tpu.memory_space<vmem>>[vector<16xi32>], vector<16xf32>,
      %add3A_201 = arith.constant 4608 : i32
      %add3A_202 = arith.addi %add3A_201, %add3A_47 : i32
      %swap3A_203 = arith.index_cast %add3A_202 : i32 to index
      %swap3A_204 = tpu.vector_load %arg7[%swap3A_203] {strides = array<i32>} : memref<46080xf32, #tpu.memory_space<vmem>>, vector<16xf32>,
      tpu.vector_store %arg7[%swap3A_203], %gather3A_200 {strides = array<i32>} : memref<46080xf32, #tpu.memory_space<vmem>>, vector<16xf32>,
      %add3A_205 = arith.constant 128 : i32
      %add3A_206 = vector.broadcast %add3A_205 : i32 to vector<16xi32>
      %add3A_207 = arith.addi %scan3A_149#5, %add3A_206 : vector<16xi32>
      %gather3A_208 = tpu.vector_load_idx %arg6[%add3A_207] : memref<1536xf32, #tpu.memory_space<vmem>>[vector<16xi32>], vector<16xf32>,
      %add3A_209 = arith.constant 6912 : i32
      %add3A_210 = arith.addi %add3A_209, %add3A_47 : i32
      %swap3A_211 = arith.index_cast %add3A_210 : i32 to index
      %swap3A_212 = tpu.vector_load %arg7[%swap3A_211] {strides = array<i32>} : memref<46080xf32, #tpu.memory_space<vmem>>, vector<16xf32>,
      tpu.vector_store %arg7[%swap3A_211], %gather3A_208 {strides = array<i32>} : memref<46080xf32, #tpu.memory_space<vmem>>, vector<16xf32>,
      %add3A_213 = arith.constant 192 : i32
      %add3A_214 = vector.broadcast %add3A_213 : i32 to vector<16xi32>
      %add3A_215 = arith.addi %scan3A_149#5, %add3A_214 : vector<16xi32>
      %gather3A_216 = tpu.vector_load_idx %arg6[%add3A_215] : memref<1536xf32, #tpu.memory_space<vmem>>[vector<16xi32>], vector<16xf32>,
      %add3A_217 = arith.constant 9216 : i32
      %add3A_218 = arith.addi %add3A_217, %add3A_47 : i32
      %swap3A_219 = arith.index_cast %add3A_218 : i32 to index
      %swap3A_220 = tpu.vector_load %arg7[%swap3A_219] {strides = array<i32>} : memref<46080xf32, #tpu.memory_space<vmem>>, vector<16xf32>,
      tpu.vector_store %arg7[%swap3A_219], %gather3A_216 {strides = array<i32>} : memref<46080xf32, #tpu.memory_space<vmem>>, vector<16xf32>,
      %add3A_221 = arith.constant 0 : i32
      %add3A_222 = arith.addi %add3A_221, %add3A_51 : i32
      %swap3A_223 = arith.index_cast %add3A_222 : i32 to index
      %swap3A_224 = tpu.vector_load %arg7[%swap3A_223] {strides = array<i32>} : memref<46080xf32, #tpu.memory_space<vmem>>, vector<16xf32>,
      tpu.vector_store %arg7[%swap3A_223], %scan3A_149#2 {strides = array<i32>} : memref<46080xf32, #tpu.memory_space<vmem>>, vector<16xf32>,
      %add3A_225 = arith.constant 0 : i32
      %add3A_226 = vector.broadcast %add3A_225 : i32 to vector<16xi32>
      %add3A_227 = arith.addi %scan3A_149#6, %add3A_226 : vector<16xi32>
      %gather3A_228 = tpu.vector_load_idx %arg6[%add3A_227] : memref<1536xf32, #tpu.memory_space<vmem>>[vector<16xi32>], vector<16xf32>,
      %add3A_229 = arith.constant 2304 : i32
      %add3A_230 = arith.addi %add3A_229, %add3A_51 : i32
      %swap3A_231 = arith.index_cast %add3A_230 : i32 to index
      %swap3A_232 = tpu.vector_load %arg7[%swap3A_231] {strides = array<i32>} : memref<46080xf32, #tpu.memory_space<vmem>>, vector<16xf32>,
      tpu.vector_store %arg7[%swap3A_231], %gather3A_228 {strides = array<i32>} : memref<46080xf32, #tpu.memory_space<vmem>>, vector<16xf32>,
      %add3A_233 = arith.constant 64 : i32
      %add3A_234 = vector.broadcast %add3A_233 : i32 to vector<16xi32>
      %add3A_235 = arith.addi %scan3A_149#6, %add3A_234 : vector<16xi32>
      %gather3A_236 = tpu.vector_load_idx %arg6[%add3A_235] : memref<1536xf32, #tpu.memory_space<vmem>>[vector<16xi32>], vector<16xf32>,
      %add3A_237 = arith.constant 4608 : i32
      %add3A_238 = arith.addi %add3A_237, %add3A_51 : i32
      %swap3A_239 = arith.index_cast %add3A_238 : i32 to index
      %swap3A_240 = tpu.vector_load %arg7[%swap3A_239] {strides = array<i32>} : memref<46080xf32, #tpu.memory_space<vmem>>, vector<16xf32>,
      tpu.vector_store %arg7[%swap3A_239], %gather3A_236 {strides = array<i32>} : memref<46080xf32, #tpu.memory_space<vmem>>, vector<16xf32>,
      %add3A_241 = arith.constant 128 : i32
      %add3A_242 = vector.broadcast %add3A_241 : i32 to vector<16xi32>
      %add3A_243 = arith.addi %scan3A_149#6, %add3A_242 : vector<16xi32>
      %gather3A_244 = tpu.vector_load_idx %arg6[%add3A_243] : memref<1536xf32, #tpu.memory_space<vmem>>[vector<16xi32>], vector<16xf32>,
      %add3A_245 = arith.constant 6912 : i32
      %add3A_246 = arith.addi %add3A_245, %add3A_51 : i32
      %swap3A_247 = arith.index_cast %add3A_246 : i32 to index
      %swap3A_248 = tpu.vector_load %arg7[%swap3A_247] {strides = array<i32>} : memref<46080xf32, #tpu.memory_space<vmem>>, vector<16xf32>,
      tpu.vector_store %arg7[%swap3A_247], %gather3A_244 {strides = array<i32>} : memref<46080xf32, #tpu.memory_space<vmem>>, vector<16xf32>,
      %add3A_249 = arith.constant 192 : i32
      %add3A_250 = vector.broadcast %add3A_249 : i32 to vector<16xi32>
      %add3A_251 = arith.addi %scan3A_149#6, %add3A_250 : vector<16xi32>
      %gather3A_252 = tpu.vector_load_idx %arg6[%add3A_251] : memref<1536xf32, #tpu.memory_space<vmem>>[vector<16xi32>], vector<16xf32>,
      %add3A_253 = arith.constant 9216 : i32
      %add3A_254 = arith.addi %add3A_253, %add3A_51 : i32
      %swap3A_255 = arith.index_cast %add3A_254 : i32 to index
      %swap3A_256 = tpu.vector_load %arg7[%swap3A_255] {strides = array<i32>} : memref<46080xf32, #tpu.memory_space<vmem>>, vector<16xf32>,
      tpu.vector_store %arg7[%swap3A_255], %gather3A_252 {strides = array<i32>} : memref<46080xf32, #tpu.memory_space<vmem>>, vector<16xf32>,
      %add3A_257 = arith.constant 0 : i32
      %add3A_258 = arith.addi %add3A_257, %add3A_55 : i32
      %swap3A_259 = arith.index_cast %add3A_258 : i32 to index
      %swap3A_260 = tpu.vector_load %arg7[%swap3A_259] {strides = array<i32>} : memref<46080xf32, #tpu.memory_space<vmem>>, vector<16xf32>,
      tpu.vector_store %arg7[%swap3A_259], %scan3A_149#3 {strides = array<i32>} : memref<46080xf32, #tpu.memory_space<vmem>>, vector<16xf32>,
      %add3A_261 = arith.constant 0 : i32
      %add3A_262 = vector.broadcast %add3A_261 : i32 to vector<16xi32>
      %add3A_263 = arith.addi %scan3A_149#7, %add3A_262 : vector<16xi32>
      %gather3A_264 = tpu.vector_load_idx %arg6[%add3A_263] : memref<1536xf32, #tpu.memory_space<vmem>>[vector<16xi32>], vector<16xf32>,
      %add3A_265 = arith.constant 2304 : i32
      %add3A_266 = arith.addi %add3A_265, %add3A_55 : i32
      %swap3A_267 = arith.index_cast %add3A_266 : i32 to index
      %swap3A_268 = tpu.vector_load %arg7[%swap3A_267] {strides = array<i32>} : memref<46080xf32, #tpu.memory_space<vmem>>, vector<16xf32>,
      tpu.vector_store %arg7[%swap3A_267], %gather3A_264 {strides = array<i32>} : memref<46080xf32, #tpu.memory_space<vmem>>, vector<16xf32>,
      %add3A_269 = arith.constant 64 : i32
      %add3A_270 = vector.broadcast %add3A_269 : i32 to vector<16xi32>
      %add3A_271 = arith.addi %scan3A_149#7, %add3A_270 : vector<16xi32>
      %gather3A_272 = tpu.vector_load_idx %arg6[%add3A_271] : memref<1536xf32, #tpu.memory_space<vmem>>[vector<16xi32>], vector<16xf32>,
      %add3A_273 = arith.constant 4608 : i32
      %add3A_274 = arith.addi %add3A_273, %add3A_55 : i32
      %swap3A_275 = arith.index_cast %add3A_274 : i32 to index
      %swap3A_276 = tpu.vector_load %arg7[%swap3A_275] {strides = array<i32>} : memref<46080xf32, #tpu.memory_space<vmem>>, vector<16xf32>,
      tpu.vector_store %arg7[%swap3A_275], %gather3A_272 {strides = array<i32>} : memref<46080xf32, #tpu.memory_space<vmem>>, vector<16xf32>,
      %add3A_277 = arith.constant 128 : i32
      %add3A_278 = vector.broadcast %add3A_277 : i32 to vector<16xi32>
      %add3A_279 = arith.addi %scan3A_149#7, %add3A_278 : vector<16xi32>
      %gather3A_280 = tpu.vector_load_idx %arg6[%add3A_279] : memref<1536xf32, #tpu.memory_space<vmem>>[vector<16xi32>], vector<16xf32>,
      %add3A_281 = arith.constant 6912 : i32
      %add3A_282 = arith.addi %add3A_281, %add3A_55 : i32
      %swap3A_283 = arith.index_cast %add3A_282 : i32 to index
      %swap3A_284 = tpu.vector_load %arg7[%swap3A_283] {strides = array<i32>} : memref<46080xf32, #tpu.memory_space<vmem>>, vector<16xf32>,
      tpu.vector_store %arg7[%swap3A_283], %gather3A_280 {strides = array<i32>} : memref<46080xf32, #tpu.memory_space<vmem>>, vector<16xf32>,
      %add3A_285 = arith.constant 192 : i32
      %add3A_286 = vector.broadcast %add3A_285 : i32 to vector<16xi32>
      %add3A_287 = arith.addi %scan3A_149#7, %add3A_286 : vector<16xi32>
      %gather3A_288 = tpu.vector_load_idx %arg6[%add3A_287] : memref<1536xf32, #tpu.memory_space<vmem>>[vector<16xi32>], vector<16xf32>,
      %add3A_289 = arith.constant 9216 : i32
      %add3A_290 = arith.addi %add3A_289, %add3A_55 : i32
      %swap3A_291 = arith.index_cast %add3A_290 : i32 to index
      %swap3A_292 = tpu.vector_load %arg7[%swap3A_291] {strides = array<i32>} : memref<46080xf32, #tpu.memory_space<vmem>>, vector<16xf32>,
      tpu.vector_store %arg7[%swap3A_291], %gather3A_288 {strides = array<i32>} : memref<46080xf32, #tpu.memory_space<vmem>>, vector<16xf32>,
      %scan3A_293 = arith.constant 0 : i32
      scf.yield %scan3A_293 : i32
    }
    %scan3A_10 = arith.constant 36 : i32
    %scan3A_11 = arith.constant 0 : i32
    %scan3A_12 = arith.constant 0 : i32
    %scan3A_13 = arith.constant 36 : i32
    %scan3A_14 = arith.addi %scan3A_12, %scan3A_13 : i32
    %scan3A_15 = arith.constant 1 : i32
    %scan3A_16 = scf.for %scan3A_38 = %scan3A_12 to %scan3A_14 step %scan3A_15 iter_args(%scan3A_39 = %scan3A_11) -> (i32)  : i32 {
      %mul3A_40 = arith.constant 64 : i32
      %mul3A_41 = arith.muli %scan3A_38, %mul3A_40 : i32
      %add3A_42 = arith.constant 0 : i32
      %add3A_43 = arith.addi %mul3A_41, %add3A_42 : i32
      %mul3A_44 = arith.constant 64 : i32
      %mul3A_45 = arith.muli %scan3A_38, %mul3A_44 : i32
      %add3A_46 = arith.constant 16 : i32
      %add3A_47 = arith.addi %mul3A_45, %add3A_46 : i32
      %mul3A_48 = arith.constant 64 : i32
      %mul3A_49 = arith.muli %scan3A_38, %mul3A_48 : i32
      %add3A_50 = arith.constant 32 : i32
      %add3A_51 = arith.addi %mul3A_49, %add3A_50 : i32
      %mul3A_52 = arith.constant 64 : i32
      %mul3A_53 = arith.muli %scan3A_38, %mul3A_52 : i32
      %add3A_54 = arith.constant 48 : i32
      %add3A_55 = arith.addi %mul3A_53, %add3A_54 : i32
      %add3A_56 = arith.constant 0 : i32
      %add3A_57 = arith.addi %add3A_56, %add3A_43 : i32
      %get3A = arith.index_cast %add3A_57 : i32 to index
      %get3A_58 = tpu.vector_load %arg5[%get3A] {strides = array<i32>} : memref<9216xf32, #tpu.memory_space<vmem>>, vector<16xf32>,
      %add3A_59 = arith.constant 0 : i32
      %add3A_60 = arith.addi %add3A_59, %add3A_47 : i32
      %get3A_61 = arith.index_cast %add3A_60 : i32 to index
      %get3A_62 = tpu.vector_load %arg5[%get3A_61] {strides = array<i32>} : memref<9216xf32, #tpu.memory_space<vmem>>, vector<16xf32>,
      %add3A_63 = arith.constant 0 : i32
      %add3A_64 = arith.addi %add3A_63, %add3A_51 : i32
      %get3A_65 = arith.index_cast %add3A_64 : i32 to index
      %get3A_66 = tpu.vector_load %arg5[%get3A_65] {strides = array<i32>} : memref<9216xf32, #tpu.memory_space<vmem>>, vector<16xf32>,
      %add3A_67 = arith.constant 0 : i32
      %add3A_68 = arith.addi %add3A_67, %add3A_55 : i32
      %get3A_69 = arith.index_cast %add3A_68 : i32 to index
      %get3A_70 = tpu.vector_load %arg5[%get3A_69] {strides = array<i32>} : memref<9216xf32, #tpu.memory_space<vmem>>, vector<16xf32>,
      %add3A_71 = arith.constant 2304 : i32
      %add3A_72 = arith.addi %add3A_71, %add3A_43 : i32
      %get3A_73 = arith.index_cast %add3A_72 : i32 to index
      %get3A_74 = tpu.vector_load %arg5[%get3A_73] {strides = array<i32>} : memref<9216xf32, #tpu.memory_space<vmem>>, vector<16xf32>,
      %add3A_75 = arith.constant 2304 : i32
      %add3A_76 = arith.addi %add3A_75, %add3A_47 : i32
      %get3A_77 = arith.index_cast %add3A_76 : i32 to index
      %get3A_78 = tpu.vector_load %arg5[%get3A_77] {strides = array<i32>} : memref<9216xf32, #tpu.memory_space<vmem>>, vector<16xf32>,
      %add3A_79 = arith.constant 2304 : i32
      %add3A_80 = arith.addi %add3A_79, %add3A_51 : i32
      %get3A_81 = arith.index_cast %add3A_80 : i32 to index
      %get3A_82 = tpu.vector_load %arg5[%get3A_81] {strides = array<i32>} : memref<9216xf32, #tpu.memory_space<vmem>>, vector<16xf32>,
      %add3A_83 = arith.constant 2304 : i32
      %add3A_84 = arith.addi %add3A_83, %add3A_55 : i32
      %get3A_85 = arith.index_cast %add3A_84 : i32 to index
      %get3A_86 = tpu.vector_load %arg5[%get3A_85] {strides = array<i32>} : memref<9216xf32, #tpu.memory_space<vmem>>, vector<16xf32>,
      %add3A_87 = arith.constant 4608 : i32
      %add3A_88 = arith.addi %add3A_87, %add3A_43 : i32
      %get3A_89 = arith.index_cast %add3A_88 : i32 to index
      %get3A_90 = tpu.vector_load %arg5[%get3A_89] {strides = array<i32>} : memref<9216xf32, #tpu.memory_space<vmem>>, vector<16xf32>,
      %add3A_91 = arith.constant 4608 : i32
      %add3A_92 = arith.addi %add3A_91, %add3A_47 : i32
      %get3A_93 = arith.index_cast %add3A_92 : i32 to index
      %get3A_94 = tpu.vector_load %arg5[%get3A_93] {strides = array<i32>} : memref<9216xf32, #tpu.memory_space<vmem>>, vector<16xf32>,
      %add3A_95 = arith.constant 4608 : i32
      %add3A_96 = arith.addi %add3A_95, %add3A_51 : i32
      %get3A_97 = arith.index_cast %add3A_96 : i32 to index
      %get3A_98 = tpu.vector_load %arg5[%get3A_97] {strides = array<i32>} : memref<9216xf32, #tpu.memory_space<vmem>>, vector<16xf32>,
      %add3A_99 = arith.constant 4608 : i32
      %add3A_100 = arith.addi %add3A_99, %add3A_55 : i32
      %get3A_101 = arith.index_cast %add3A_100 : i32 to index
      %get3A_102 = tpu.vector_load %arg5[%get3A_101] {strides = array<i32>} : memref<9216xf32, #tpu.memory_space<vmem>>, vector<16xf32>,
      %add3A_103 = arith.constant 6912 : i32
      %add3A_104 = arith.addi %add3A_103, %add3A_43 : i32
      %get3A_105 = arith.index_cast %add3A_104 : i32 to index
      %get3A_106 = tpu.vector_load %arg5[%get3A_105] {strides = array<i32>} : memref<9216xf32, #tpu.memory_space<vmem>>, vector<16xf32>,
      %add3A_107 = arith.constant 6912 : i32
      %add3A_108 = arith.addi %add3A_107, %add3A_47 : i32
      %get3A_109 = arith.index_cast %add3A_108 : i32 to index
      %get3A_110 = tpu.vector_load %arg5[%get3A_109] {strides = array<i32>} : memref<9216xf32, #tpu.memory_space<vmem>>, vector<16xf32>,
      %add3A_111 = arith.constant 6912 : i32
      %add3A_112 = arith.addi %add3A_111, %add3A_51 : i32
      %get3A_113 = arith.index_cast %add3A_112 : i32 to index
      %get3A_114 = tpu.vector_load %arg5[%get3A_113] {strides = array<i32>} : memref<9216xf32, #tpu.memory_space<vmem>>, vector<16xf32>,
      %add3A_115 = arith.constant 6912 : i32
      %add3A_116 = arith.addi %add3A_115, %add3A_55 : i32
      %get3A_117 = arith.index_cast %add3A_116 : i32 to index
      %get3A_118 = tpu.vector_load %arg5[%get3A_117] {strides = array<i32>} : memref<9216xf32, #tpu.memory_space<vmem>>, vector<16xf32>,
      %sub3A = arith.subf %get3A_90, %get3A_58 : vector<16xf32>
      %sub3A_119 = arith.subf %get3A_106, %get3A_74 : vector<16xf32>
      %mul3A_120 = arith.mulf %sub3A, %sub3A_119 : vector<16xf32>
      %sub3A_121 = arith.subf %get3A_94, %get3A_62 : vector<16xf32>
      %sub3A_122 = arith.subf %get3A_110, %get3A_78 : vector<16xf32>
      %mul3A_123 = arith.mulf %sub3A_121, %sub3A_122 : vector<16xf32>
      %sub3A_124 = arith.subf %get3A_98, %get3A_66 : vector<16xf32>
      %sub3A_125 = arith.subf %get3A_114, %get3A_82 : vector<16xf32>
      %mul3A_126 = arith.mulf %sub3A_124, %sub3A_125 : vector<16xf32>
      %sub3A_127 = arith.subf %get3A_102, %get3A_70 : vector<16xf32>
      %sub3A_128 = arith.subf %get3A_118, %get3A_86 : vector<16xf32>
      %mul3A_129 = arith.mulf %sub3A_127, %sub3A_128 : vector<16xf32>
      %broadcast_in_dim3A = arith.constant -2.000000e+00 : f32
      %broadcast_in_dim3A_130 = vector.broadcast %broadcast_in_dim3A : f32 to vector<16xf32>
      %broadcast_in_dim3A_131 = arith.constant -2.000000e+00 : f32
      %broadcast_in_dim3A_132 = vector.broadcast %broadcast_in_dim3A_131 : f32 to vector<16xf32>
      %broadcast_in_dim3A_133 = arith.constant -2.000000e+00 : f32
      %broadcast_in_dim3A_134 = vector.broadcast %broadcast_in_dim3A_133 : f32 to vector<16xf32>
      %broadcast_in_dim3A_135 = arith.constant -2.000000e+00 : f32
      %broadcast_in_dim3A_136 = vector.broadcast %broadcast_in_dim3A_135 : f32 to vector<16xf32>
      %broadcast_in_dim3A_137 = arith.constant 0 : i32
      %broadcast_in_dim3A_138 = vector.broadcast %broadcast_in_dim3A_137 : i32 to vector<16xi32>
      %broadcast_in_dim3A_139 = arith.constant 0 : i32
      %broadcast_in_dim3A_140 = vector.broadcast %broadcast_in_dim3A_139 : i32 to vector<16xi32>
      %broadcast_in_dim3A_141 = arith.constant 0 : i32
      %broadcast_in_dim3A_142 = vector.broadcast %broadcast_in_dim3A_141 : i32 to vector<16xi32>
      %broadcast_in_dim3A_143 = arith.constant 0 : i32
      %broadcast_in_dim3A_144 = vector.broadcast %broadcast_in_dim3A_143 : i32 to vector<16xi32>
      %scan3A_145 = arith.constant 0 : i32
      %scan3A_146 = arith.constant 50 : i32
      %scan3A_147 = arith.addi %scan3A_145, %scan3A_146 : i32
      %scan3A_148 = arith.constant 1 : i32
      %scan3A_149:8 = scf.for %scan3A_294 = %scan3A_145 to %scan3A_147 step %scan3A_148 iter_args(%scan3A_295 = %broadcast_in_dim3A_130, %scan3A_296 = %broadcast_in_dim3A_132, %scan3A_297 = %broadcast_in_dim3A_134, %scan3A_298 = %broadcast_in_dim3A_136, %scan3A_299 = %broadcast_in_dim3A_138, %scan3A_300 = %broadcast_in_dim3A_140, %scan3A_301 = %broadcast_in_dim3A_142, %scan3A_302 = %broadcast_in_dim3A_144) -> (vector<16xf32>, vector<16xf32>, vector<16xf32>, vector<16xf32>, vector<16xi32>, vector<16xi32>, vector<16xi32>, vector<16xi32>)  : i32 {
        %broadcast_in_dim3A_303 = vector.broadcast %scan3A_294 : i32 to vector<16xi32>
        %add3A_304 = arith.constant 384 : i32
        %add3A_305 = vector.broadcast %add3A_304 : i32 to vector<16xi32>
        %add3A_306 = arith.addi %broadcast_in_dim3A_303, %add3A_305 : vector<16xi32>
        %gather3A_307 = tpu.vector_load_idx %arg6[%add3A_306] : memref<1536xf32, #tpu.memory_space<vmem>>[vector<16xi32>], vector<16xf32>,
        %add3A_308 = arith.constant 448 : i32
        %add3A_309 = vector.broadcast %add3A_308 : i32 to vector<16xi32>
        %add3A_310 = arith.addi %broadcast_in_dim3A_303, %add3A_309 : vector<16xi32>
        %gather3A_311 = tpu.vector_load_idx %arg6[%add3A_310] : memref<1536xf32, #tpu.memory_space<vmem>>[vector<16xi32>], vector<16xf32>,
        %add3A_312 = arith.constant 512 : i32
        %add3A_313 = vector.broadcast %add3A_312 : i32 to vector<16xi32>
        %add3A_314 = arith.addi %broadcast_in_dim3A_303, %add3A_313 : vector<16xi32>
        %gather3A_315 = tpu.vector_load_idx %arg6[%add3A_314] : memref<1536xf32, #tpu.memory_space<vmem>>[vector<16xi32>], vector<16xf32>,
        %add3A_316 = arith.constant 576 : i32
        %add3A_317 = vector.broadcast %add3A_316 : i32 to vector<16xi32>
        %add3A_318 = arith.addi %broadcast_in_dim3A_303, %add3A_317 : vector<16xi32>
        %gather3A_319 = tpu.vector_load_idx %arg6[%add3A_318] : memref<1536xf32, #tpu.memory_space<vmem>>[vector<16xi32>], vector<16xf32>,
        %add3A_320 = arith.constant 640 : i32
        %add3A_321 = vector.broadcast %add3A_320 : i32 to vector<16xi32>
        %add3A_322 = arith.addi %broadcast_in_dim3A_303, %add3A_321 : vector<16xi32>
        %gather3A_323 = tpu.vector_load_idx %arg6[%add3A_322] : memref<1536xf32, #tpu.memory_space<vmem>>[vector<16xi32>], vector<16xf32>,
        %add3A_324 = arith.constant 704 : i32
        %add3A_325 = vector.broadcast %add3A_324 : i32 to vector<16xi32>
        %add3A_326 = arith.addi %broadcast_in_dim3A_303, %add3A_325 : vector<16xi32>
        %gather3A_327 = tpu.vector_load_idx %arg6[%add3A_326] : memref<1536xf32, #tpu.memory_space<vmem>>[vector<16xi32>], vector<16xf32>,
        %add3A_328 = arith.constant 1.000000e+00 : f32
        %add3A_329 = vector.broadcast %add3A_328 : f32 to vector<16xf32>
        %add3A_330 = arith.addf %gather3A_327, %add3A_329 : vector<16xf32>
        %min3A = arith.minimumf %get3A_90, %gather3A_315 : vector<16xf32>
        %max3A = arith.maximumf %get3A_58, %gather3A_307 : vector<16xf32>
        %sub3A_331 = arith.subf %min3A, %max3A : vector<16xf32>
        %max3A_332 = arith.constant 0.000000e+00 : f32
        %max3A_333 = vector.broadcast %max3A_332 : f32 to vector<16xf32>
        %max3A_334 = arith.maximumf %max3A_333, %sub3A_331 : vector<16xf32>
        %min3A_335 = arith.minimumf %get3A_106, %gather3A_319 : vector<16xf32>
        %max3A_336 = arith.maximumf %get3A_74, %gather3A_311 : vector<16xf32>
        %sub3A_337 = arith.subf %min3A_335, %max3A_336 : vector<16xf32>
        %max3A_338 = arith.constant 0.000000e+00 : f32
        %max3A_339 = vector.broadcast %max3A_338 : f32 to vector<16xf32>
        %max3A_340 = arith.maximumf %max3A_339, %sub3A_337 : vector<16xf32>
        %mul3A_341 = arith.mulf %max3A_334, %max3A_340 : vector<16xf32>
        %add3A_342 = arith.addf %mul3A_120, %gather3A_323 : vector<16xf32>
        %sub3A_343 = arith.subf %add3A_342, %mul3A_341 : vector<16xf32>
        %add3A_344 = arith.constant 9.99999993E-9 : f32
        %add3A_345 = vector.broadcast %add3A_344 : f32 to vector<16xf32>
        %add3A_346 = arith.addf %sub3A_343, %add3A_345 : vector<16xf32>
        %div3A = arith.divf %mul3A_341, %add3A_346 : vector<16xf32>
        %mul3A_347 = arith.mulf %div3A, %add3A_330 : vector<16xf32>
        %add3A_348 = arith.addf %mul3A_347, %gather3A_327 : vector<16xf32>
        %gt3A = arith.cmpf ogt, %add3A_348, %scan3A_295 : vector<16xf32>
        %select_n3A = arith.select %gt3A, %add3A_348, %scan3A_295 : vector<16xi1>, vector<16xf32>
        %select_n3A_349 = arith.select %gt3A, %broadcast_in_dim3A_303, %scan3A_299 : vector<16xi1>, vector<16xi32>
        %min3A_350 = arith.minimumf %get3A_94, %gather3A_315 : vector<16xf32>
        %max3A_351 = arith.maximumf %get3A_62, %gather3A_307 : vector<16xf32>
        %sub3A_352 = arith.subf %min3A_350, %max3A_351 : vector<16xf32>
        %max3A_353 = arith.constant 0.000000e+00 : f32
        %max3A_354 = vector.broadcast %max3A_353 : f32 to vector<16xf32>
        %max3A_355 = arith.maximumf %max3A_354, %sub3A_352 : vector<16xf32>
        %min3A_356 = arith.minimumf %get3A_110, %gather3A_319 : vector<16xf32>
        %max3A_357 = arith.maximumf %get3A_78, %gather3A_311 : vector<16xf32>
        %sub3A_358 = arith.subf %min3A_356, %max3A_357 : vector<16xf32>
        %max3A_359 = arith.constant 0.000000e+00 : f32
        %max3A_360 = vector.broadcast %max3A_359 : f32 to vector<16xf32>
        %max3A_361 = arith.maximumf %max3A_360, %sub3A_358 : vector<16xf32>
        %mul3A_362 = arith.mulf %max3A_355, %max3A_361 : vector<16xf32>
        %add3A_363 = arith.addf %mul3A_123, %gather3A_323 : vector<16xf32>
        %sub3A_364 = arith.subf %add3A_363, %mul3A_362 : vector<16xf32>
        %add3A_365 = arith.constant 9.99999993E-9 : f32
        %add3A_366 = vector.broadcast %add3A_365 : f32 to vector<16xf32>
        %add3A_367 = arith.addf %sub3A_364, %add3A_366 : vector<16xf32>
        %div3A_368 = arith.divf %mul3A_362, %add3A_367 : vector<16xf32>
        %mul3A_369 = arith.mulf %div3A_368, %add3A_330 : vector<16xf32>
        %add3A_370 = arith.addf %mul3A_369, %gather3A_327 : vector<16xf32>
        %gt3A_371 = arith.cmpf ogt, %add3A_370, %scan3A_296 : vector<16xf32>
        %select_n3A_372 = arith.select %gt3A_371, %add3A_370, %scan3A_296 : vector<16xi1>, vector<16xf32>
        %select_n3A_373 = arith.select %gt3A_371, %broadcast_in_dim3A_303, %scan3A_300 : vector<16xi1>, vector<16xi32>
        %min3A_374 = arith.minimumf %get3A_98, %gather3A_315 : vector<16xf32>
        %max3A_375 = arith.maximumf %get3A_66, %gather3A_307 : vector<16xf32>
        %sub3A_376 = arith.subf %min3A_374, %max3A_375 : vector<16xf32>
        %max3A_377 = arith.constant 0.000000e+00 : f32
        %max3A_378 = vector.broadcast %max3A_377 : f32 to vector<16xf32>
        %max3A_379 = arith.maximumf %max3A_378, %sub3A_376 : vector<16xf32>
        %min3A_380 = arith.minimumf %get3A_114, %gather3A_319 : vector<16xf32>
        %max3A_381 = arith.maximumf %get3A_82, %gather3A_311 : vector<16xf32>
        %sub3A_382 = arith.subf %min3A_380, %max3A_381 : vector<16xf32>
        %max3A_383 = arith.constant 0.000000e+00 : f32
        %max3A_384 = vector.broadcast %max3A_383 : f32 to vector<16xf32>
        %max3A_385 = arith.maximumf %max3A_384, %sub3A_382 : vector<16xf32>
        %mul3A_386 = arith.mulf %max3A_379, %max3A_385 : vector<16xf32>
        %add3A_387 = arith.addf %mul3A_126, %gather3A_323 : vector<16xf32>
        %sub3A_388 = arith.subf %add3A_387, %mul3A_386 : vector<16xf32>
        %add3A_389 = arith.constant 9.99999993E-9 : f32
        %add3A_390 = vector.broadcast %add3A_389 : f32 to vector<16xf32>
        %add3A_391 = arith.addf %sub3A_388, %add3A_390 : vector<16xf32>
        %div3A_392 = arith.divf %mul3A_386, %add3A_391 : vector<16xf32>
        %mul3A_393 = arith.mulf %div3A_392, %add3A_330 : vector<16xf32>
        %add3A_394 = arith.addf %mul3A_393, %gather3A_327 : vector<16xf32>
        %gt3A_395 = arith.cmpf ogt, %add3A_394, %scan3A_297 : vector<16xf32>
        %select_n3A_396 = arith.select %gt3A_395, %add3A_394, %scan3A_297 : vector<16xi1>, vector<16xf32>
        %select_n3A_397 = arith.select %gt3A_395, %broadcast_in_dim3A_303, %scan3A_301 : vector<16xi1>, vector<16xi32>
        %min3A_398 = arith.minimumf %get3A_102, %gather3A_315 : vector<16xf32>
        %max3A_399 = arith.maximumf %get3A_70, %gather3A_307 : vector<16xf32>
        %sub3A_400 = arith.subf %min3A_398, %max3A_399 : vector<16xf32>
        %max3A_401 = arith.constant 0.000000e+00 : f32
        %max3A_402 = vector.broadcast %max3A_401 : f32 to vector<16xf32>
        %max3A_403 = arith.maximumf %max3A_402, %sub3A_400 : vector<16xf32>
        %min3A_404 = arith.minimumf %get3A_118, %gather3A_319 : vector<16xf32>
        %max3A_405 = arith.maximumf %get3A_86, %gather3A_311 : vector<16xf32>
        %sub3A_406 = arith.subf %min3A_404, %max3A_405 : vector<16xf32>
        %max3A_407 = arith.constant 0.000000e+00 : f32
        %max3A_408 = vector.broadcast %max3A_407 : f32 to vector<16xf32>
        %max3A_409 = arith.maximumf %max3A_408, %sub3A_406 : vector<16xf32>
        %mul3A_410 = arith.mulf %max3A_403, %max3A_409 : vector<16xf32>
        %add3A_411 = arith.addf %mul3A_129, %gather3A_323 : vector<16xf32>
        %sub3A_412 = arith.subf %add3A_411, %mul3A_410 : vector<16xf32>
        %add3A_413 = arith.constant 9.99999993E-9 : f32
        %add3A_414 = vector.broadcast %add3A_413 : f32 to vector<16xf32>
        %add3A_415 = arith.addf %sub3A_412, %add3A_414 : vector<16xf32>
        %div3A_416 = arith.divf %mul3A_410, %add3A_415 : vector<16xf32>
        %mul3A_417 = arith.mulf %div3A_416, %add3A_330 : vector<16xf32>
        %add3A_418 = arith.addf %mul3A_417, %gather3A_327 : vector<16xf32>
        %gt3A_419 = arith.cmpf ogt, %add3A_418, %scan3A_298 : vector<16xf32>
        %select_n3A_420 = arith.select %gt3A_419, %add3A_418, %scan3A_298 : vector<16xi1>, vector<16xf32>
        %select_n3A_421 = arith.select %gt3A_419, %broadcast_in_dim3A_303, %scan3A_302 : vector<16xi1>, vector<16xi32>
        scf.yield %select_n3A, %select_n3A_372, %select_n3A_396, %select_n3A_420, %select_n3A_349, %select_n3A_373, %select_n3A_397, %select_n3A_421 : vector<16xf32>, vector<16xf32>, vector<16xf32>, vector<16xf32>, vector<16xi32>, vector<16xi32>, vector<16xi32>, vector<16xi32>
      }
      %scan3A_150 = arith.constant 50 : i32
      %add3A_151 = arith.constant 11520 : i32
      %add3A_152 = arith.addi %add3A_151, %add3A_43 : i32
      %swap3A = arith.index_cast %add3A_152 : i32 to index
      %swap3A_153 = tpu.vector_load %arg7[%swap3A] {strides = array<i32>} : memref<46080xf32, #tpu.memory_space<vmem>>, vector<16xf32>,
      tpu.vector_store %arg7[%swap3A], %scan3A_149#0 {strides = array<i32>} : memref<46080xf32, #tpu.memory_space<vmem>>, vector<16xf32>,
      %add3A_154 = arith.constant 384 : i32
      %add3A_155 = vector.broadcast %add3A_154 : i32 to vector<16xi32>
      %add3A_156 = arith.addi %scan3A_149#4, %add3A_155 : vector<16xi32>
      %gather3A = tpu.vector_load_idx %arg6[%add3A_156] : memref<1536xf32, #tpu.memory_space<vmem>>[vector<16xi32>], vector<16xf32>,
      %add3A_157 = arith.constant 13824 : i32
      %add3A_158 = arith.addi %add3A_157, %add3A_43 : i32
      %swap3A_159 = arith.index_cast %add3A_158 : i32 to index
      %swap3A_160 = tpu.vector_load %arg7[%swap3A_159] {strides = array<i32>} : memref<46080xf32, #tpu.memory_space<vmem>>, vector<16xf32>,
      tpu.vector_store %arg7[%swap3A_159], %gather3A {strides = array<i32>} : memref<46080xf32, #tpu.memory_space<vmem>>, vector<16xf32>,
      %add3A_161 = arith.constant 448 : i32
      %add3A_162 = vector.broadcast %add3A_161 : i32 to vector<16xi32>
      %add3A_163 = arith.addi %scan3A_149#4, %add3A_162 : vector<16xi32>
      %gather3A_164 = tpu.vector_load_idx %arg6[%add3A_163] : memref<1536xf32, #tpu.memory_space<vmem>>[vector<16xi32>], vector<16xf32>,
      %add3A_165 = arith.constant 16128 : i32
      %add3A_166 = arith.addi %add3A_165, %add3A_43 : i32
      %swap3A_167 = arith.index_cast %add3A_166 : i32 to index
      %swap3A_168 = tpu.vector_load %arg7[%swap3A_167] {strides = array<i32>} : memref<46080xf32, #tpu.memory_space<vmem>>, vector<16xf32>,
      tpu.vector_store %arg7[%swap3A_167], %gather3A_164 {strides = array<i32>} : memref<46080xf32, #tpu.memory_space<vmem>>, vector<16xf32>,
      %add3A_169 = arith.constant 512 : i32
      %add3A_170 = vector.broadcast %add3A_169 : i32 to vector<16xi32>
      %add3A_171 = arith.addi %scan3A_149#4, %add3A_170 : vector<16xi32>
      %gather3A_172 = tpu.vector_load_idx %arg6[%add3A_171] : memref<1536xf32, #tpu.memory_space<vmem>>[vector<16xi32>], vector<16xf32>,
      %add3A_173 = arith.constant 18432 : i32
      %add3A_174 = arith.addi %add3A_173, %add3A_43 : i32
      %swap3A_175 = arith.index_cast %add3A_174 : i32 to index
      %swap3A_176 = tpu.vector_load %arg7[%swap3A_175] {strides = array<i32>} : memref<46080xf32, #tpu.memory_space<vmem>>, vector<16xf32>,
      tpu.vector_store %arg7[%swap3A_175], %gather3A_172 {strides = array<i32>} : memref<46080xf32, #tpu.memory_space<vmem>>, vector<16xf32>,
      %add3A_177 = arith.constant 576 : i32
      %add3A_178 = vector.broadcast %add3A_177 : i32 to vector<16xi32>
      %add3A_179 = arith.addi %scan3A_149#4, %add3A_178 : vector<16xi32>
      %gather3A_180 = tpu.vector_load_idx %arg6[%add3A_179] : memref<1536xf32, #tpu.memory_space<vmem>>[vector<16xi32>], vector<16xf32>,
      %add3A_181 = arith.constant 20736 : i32
      %add3A_182 = arith.addi %add3A_181, %add3A_43 : i32
      %swap3A_183 = arith.index_cast %add3A_182 : i32 to index
      %swap3A_184 = tpu.vector_load %arg7[%swap3A_183] {strides = array<i32>} : memref<46080xf32, #tpu.memory_space<vmem>>, vector<16xf32>,
      tpu.vector_store %arg7[%swap3A_183], %gather3A_180 {strides = array<i32>} : memref<46080xf32, #tpu.memory_space<vmem>>, vector<16xf32>,
      %add3A_185 = arith.constant 11520 : i32
      %add3A_186 = arith.addi %add3A_185, %add3A_47 : i32
      %swap3A_187 = arith.index_cast %add3A_186 : i32 to index
      %swap3A_188 = tpu.vector_load %arg7[%swap3A_187] {strides = array<i32>} : memref<46080xf32, #tpu.memory_space<vmem>>, vector<16xf32>,
      tpu.vector_store %arg7[%swap3A_187], %scan3A_149#1 {strides = array<i32>} : memref<46080xf32, #tpu.memory_space<vmem>>, vector<16xf32>,
      %add3A_189 = arith.constant 384 : i32
      %add3A_190 = vector.broadcast %add3A_189 : i32 to vector<16xi32>
      %add3A_191 = arith.addi %scan3A_149#5, %add3A_190 : vector<16xi32>
      %gather3A_192 = tpu.vector_load_idx %arg6[%add3A_191] : memref<1536xf32, #tpu.memory_space<vmem>>[vector<16xi32>], vector<16xf32>,
      %add3A_193 = arith.constant 13824 : i32
      %add3A_194 = arith.addi %add3A_193, %add3A_47 : i32
      %swap3A_195 = arith.index_cast %add3A_194 : i32 to index
      %swap3A_196 = tpu.vector_load %arg7[%swap3A_195] {strides = array<i32>} : memref<46080xf32, #tpu.memory_space<vmem>>, vector<16xf32>,
      tpu.vector_store %arg7[%swap3A_195], %gather3A_192 {strides = array<i32>} : memref<46080xf32, #tpu.memory_space<vmem>>, vector<16xf32>,
      %add3A_197 = arith.constant 448 : i32
      %add3A_198 = vector.broadcast %add3A_197 : i32 to vector<16xi32>
      %add3A_199 = arith.addi %scan3A_149#5, %add3A_198 : vector<16xi32>
      %gather3A_200 = tpu.vector_load_idx %arg6[%add3A_199] : memref<1536xf32, #tpu.memory_space<vmem>>[vector<16xi32>], vector<16xf32>,
      %add3A_201 = arith.constant 16128 : i32
      %add3A_202 = arith.addi %add3A_201, %add3A_47 : i32
      %swap3A_203 = arith.index_cast %add3A_202 : i32 to index
      %swap3A_204 = tpu.vector_load %arg7[%swap3A_203] {strides = array<i32>} : memref<46080xf32, #tpu.memory_space<vmem>>, vector<16xf32>,
      tpu.vector_store %arg7[%swap3A_203], %gather3A_200 {strides = array<i32>} : memref<46080xf32, #tpu.memory_space<vmem>>, vector<16xf32>,
      %add3A_205 = arith.constant 512 : i32
      %add3A_206 = vector.broadcast %add3A_205 : i32 to vector<16xi32>
      %add3A_207 = arith.addi %scan3A_149#5, %add3A_206 : vector<16xi32>
      %gather3A_208 = tpu.vector_load_idx %arg6[%add3A_207] : memref<1536xf32, #tpu.memory_space<vmem>>[vector<16xi32>], vector<16xf32>,
      %add3A_209 = arith.constant 18432 : i32
      %add3A_210 = arith.addi %add3A_209, %add3A_47 : i32
      %swap3A_211 = arith.index_cast %add3A_210 : i32 to index
      %swap3A_212 = tpu.vector_load %arg7[%swap3A_211] {strides = array<i32>} : memref<46080xf32, #tpu.memory_space<vmem>>, vector<16xf32>,
      tpu.vector_store %arg7[%swap3A_211], %gather3A_208 {strides = array<i32>} : memref<46080xf32, #tpu.memory_space<vmem>>, vector<16xf32>,
      %add3A_213 = arith.constant 576 : i32
      %add3A_214 = vector.broadcast %add3A_213 : i32 to vector<16xi32>
      %add3A_215 = arith.addi %scan3A_149#5, %add3A_214 : vector<16xi32>
      %gather3A_216 = tpu.vector_load_idx %arg6[%add3A_215] : memref<1536xf32, #tpu.memory_space<vmem>>[vector<16xi32>], vector<16xf32>,
      %add3A_217 = arith.constant 20736 : i32
      %add3A_218 = arith.addi %add3A_217, %add3A_47 : i32
      %swap3A_219 = arith.index_cast %add3A_218 : i32 to index
      %swap3A_220 = tpu.vector_load %arg7[%swap3A_219] {strides = array<i32>} : memref<46080xf32, #tpu.memory_space<vmem>>, vector<16xf32>,
      tpu.vector_store %arg7[%swap3A_219], %gather3A_216 {strides = array<i32>} : memref<46080xf32, #tpu.memory_space<vmem>>, vector<16xf32>,
      %add3A_221 = arith.constant 11520 : i32
      %add3A_222 = arith.addi %add3A_221, %add3A_51 : i32
      %swap3A_223 = arith.index_cast %add3A_222 : i32 to index
      %swap3A_224 = tpu.vector_load %arg7[%swap3A_223] {strides = array<i32>} : memref<46080xf32, #tpu.memory_space<vmem>>, vector<16xf32>,
      tpu.vector_store %arg7[%swap3A_223], %scan3A_149#2 {strides = array<i32>} : memref<46080xf32, #tpu.memory_space<vmem>>, vector<16xf32>,
      %add3A_225 = arith.constant 384 : i32
      %add3A_226 = vector.broadcast %add3A_225 : i32 to vector<16xi32>
      %add3A_227 = arith.addi %scan3A_149#6, %add3A_226 : vector<16xi32>
      %gather3A_228 = tpu.vector_load_idx %arg6[%add3A_227] : memref<1536xf32, #tpu.memory_space<vmem>>[vector<16xi32>], vector<16xf32>,
      %add3A_229 = arith.constant 13824 : i32
      %add3A_230 = arith.addi %add3A_229, %add3A_51 : i32
      %swap3A_231 = arith.index_cast %add3A_230 : i32 to index
      %swap3A_232 = tpu.vector_load %arg7[%swap3A_231] {strides = array<i32>} : memref<46080xf32, #tpu.memory_space<vmem>>, vector<16xf32>,
      tpu.vector_store %arg7[%swap3A_231], %gather3A_228 {strides = array<i32>} : memref<46080xf32, #tpu.memory_space<vmem>>, vector<16xf32>,
      %add3A_233 = arith.constant 448 : i32
      %add3A_234 = vector.broadcast %add3A_233 : i32 to vector<16xi32>
      %add3A_235 = arith.addi %scan3A_149#6, %add3A_234 : vector<16xi32>
      %gather3A_236 = tpu.vector_load_idx %arg6[%add3A_235] : memref<1536xf32, #tpu.memory_space<vmem>>[vector<16xi32>], vector<16xf32>,
      %add3A_237 = arith.constant 16128 : i32
      %add3A_238 = arith.addi %add3A_237, %add3A_51 : i32
      %swap3A_239 = arith.index_cast %add3A_238 : i32 to index
      %swap3A_240 = tpu.vector_load %arg7[%swap3A_239] {strides = array<i32>} : memref<46080xf32, #tpu.memory_space<vmem>>, vector<16xf32>,
      tpu.vector_store %arg7[%swap3A_239], %gather3A_236 {strides = array<i32>} : memref<46080xf32, #tpu.memory_space<vmem>>, vector<16xf32>,
      %add3A_241 = arith.constant 512 : i32
      %add3A_242 = vector.broadcast %add3A_241 : i32 to vector<16xi32>
      %add3A_243 = arith.addi %scan3A_149#6, %add3A_242 : vector<16xi32>
      %gather3A_244 = tpu.vector_load_idx %arg6[%add3A_243] : memref<1536xf32, #tpu.memory_space<vmem>>[vector<16xi32>], vector<16xf32>,
      %add3A_245 = arith.constant 18432 : i32
      %add3A_246 = arith.addi %add3A_245, %add3A_51 : i32
      %swap3A_247 = arith.index_cast %add3A_246 : i32 to index
      %swap3A_248 = tpu.vector_load %arg7[%swap3A_247] {strides = array<i32>} : memref<46080xf32, #tpu.memory_space<vmem>>, vector<16xf32>,
      tpu.vector_store %arg7[%swap3A_247], %gather3A_244 {strides = array<i32>} : memref<46080xf32, #tpu.memory_space<vmem>>, vector<16xf32>,
      %add3A_249 = arith.constant 576 : i32
      %add3A_250 = vector.broadcast %add3A_249 : i32 to vector<16xi32>
      %add3A_251 = arith.addi %scan3A_149#6, %add3A_250 : vector<16xi32>
      %gather3A_252 = tpu.vector_load_idx %arg6[%add3A_251] : memref<1536xf32, #tpu.memory_space<vmem>>[vector<16xi32>], vector<16xf32>,
      %add3A_253 = arith.constant 20736 : i32
      %add3A_254 = arith.addi %add3A_253, %add3A_51 : i32
      %swap3A_255 = arith.index_cast %add3A_254 : i32 to index
      %swap3A_256 = tpu.vector_load %arg7[%swap3A_255] {strides = array<i32>} : memref<46080xf32, #tpu.memory_space<vmem>>, vector<16xf32>,
      tpu.vector_store %arg7[%swap3A_255], %gather3A_252 {strides = array<i32>} : memref<46080xf32, #tpu.memory_space<vmem>>, vector<16xf32>,
      %add3A_257 = arith.constant 11520 : i32
      %add3A_258 = arith.addi %add3A_257, %add3A_55 : i32
      %swap3A_259 = arith.index_cast %add3A_258 : i32 to index
      %swap3A_260 = tpu.vector_load %arg7[%swap3A_259] {strides = array<i32>} : memref<46080xf32, #tpu.memory_space<vmem>>, vector<16xf32>,
      tpu.vector_store %arg7[%swap3A_259], %scan3A_149#3 {strides = array<i32>} : memref<46080xf32, #tpu.memory_space<vmem>>, vector<16xf32>,
      %add3A_261 = arith.constant 384 : i32
      %add3A_262 = vector.broadcast %add3A_261 : i32 to vector<16xi32>
      %add3A_263 = arith.addi %scan3A_149#7, %add3A_262 : vector<16xi32>
      %gather3A_264 = tpu.vector_load_idx %arg6[%add3A_263] : memref<1536xf32, #tpu.memory_space<vmem>>[vector<16xi32>], vector<16xf32>,
      %add3A_265 = arith.constant 13824 : i32
      %add3A_266 = arith.addi %add3A_265, %add3A_55 : i32
      %swap3A_267 = arith.index_cast %add3A_266 : i32 to index
      %swap3A_268 = tpu.vector_load %arg7[%swap3A_267] {strides = array<i32>} : memref<46080xf32, #tpu.memory_space<vmem>>, vector<16xf32>,
      tpu.vector_store %arg7[%swap3A_267], %gather3A_264 {strides = array<i32>} : memref<46080xf32, #tpu.memory_space<vmem>>, vector<16xf32>,
      %add3A_269 = arith.constant 448 : i32
      %add3A_270 = vector.broadcast %add3A_269 : i32 to vector<16xi32>
      %add3A_271 = arith.addi %scan3A_149#7, %add3A_270 : vector<16xi32>
      %gather3A_272 = tpu.vector_load_idx %arg6[%add3A_271] : memref<1536xf32, #tpu.memory_space<vmem>>[vector<16xi32>], vector<16xf32>,
      %add3A_273 = arith.constant 16128 : i32
      %add3A_274 = arith.addi %add3A_273, %add3A_55 : i32
      %swap3A_275 = arith.index_cast %add3A_274 : i32 to index
      %swap3A_276 = tpu.vector_load %arg7[%swap3A_275] {strides = array<i32>} : memref<46080xf32, #tpu.memory_space<vmem>>, vector<16xf32>,
      tpu.vector_store %arg7[%swap3A_275], %gather3A_272 {strides = array<i32>} : memref<46080xf32, #tpu.memory_space<vmem>>, vector<16xf32>,
      %add3A_277 = arith.constant 512 : i32
      %add3A_278 = vector.broadcast %add3A_277 : i32 to vector<16xi32>
      %add3A_279 = arith.addi %scan3A_149#7, %add3A_278 : vector<16xi32>
      %gather3A_280 = tpu.vector_load_idx %arg6[%add3A_279] : memref<1536xf32, #tpu.memory_space<vmem>>[vector<16xi32>], vector<16xf32>,
      %add3A_281 = arith.constant 18432 : i32
      %add3A_282 = arith.addi %add3A_281, %add3A_55 : i32
      %swap3A_283 = arith.index_cast %add3A_282 : i32 to index
      %swap3A_284 = tpu.vector_load %arg7[%swap3A_283] {strides = array<i32>} : memref<46080xf32, #tpu.memory_space<vmem>>, vector<16xf32>,
      tpu.vector_store %arg7[%swap3A_283], %gather3A_280 {strides = array<i32>} : memref<46080xf32, #tpu.memory_space<vmem>>, vector<16xf32>,
      %add3A_285 = arith.constant 576 : i32
      %add3A_286 = vector.broadcast %add3A_285 : i32 to vector<16xi32>
      %add3A_287 = arith.addi %scan3A_149#7, %add3A_286 : vector<16xi32>
      %gather3A_288 = tpu.vector_load_idx %arg6[%add3A_287] : memref<1536xf32, #tpu.memory_space<vmem>>[vector<16xi32>], vector<16xf32>,
      %add3A_289 = arith.constant 20736 : i32
      %add3A_290 = arith.addi %add3A_289, %add3A_55 : i32
      %swap3A_291 = arith.index_cast %add3A_290 : i32 to index
      %swap3A_292 = tpu.vector_load %arg7[%swap3A_291] {strides = array<i32>} : memref<46080xf32, #tpu.memory_space<vmem>>, vector<16xf32>,
      tpu.vector_store %arg7[%swap3A_291], %gather3A_288 {strides = array<i32>} : memref<46080xf32, #tpu.memory_space<vmem>>, vector<16xf32>,
      %scan3A_293 = arith.constant 0 : i32
      scf.yield %scan3A_293 : i32
    }
    %scan3A_17 = arith.constant 36 : i32
    %scan3A_18 = arith.constant 0 : i32
    %scan3A_19 = arith.constant 0 : i32
    %scan3A_20 = arith.constant 36 : i32
    %scan3A_21 = arith.addi %scan3A_19, %scan3A_20 : i32
    %scan3A_22 = arith.constant 1 : i32
    %scan3A_23 = scf.for %scan3A_38 = %scan3A_19 to %scan3A_21 step %scan3A_22 iter_args(%scan3A_39 = %scan3A_18) -> (i32)  : i32 {
      %mul3A_40 = arith.constant 64 : i32
      %mul3A_41 = arith.muli %scan3A_38, %mul3A_40 : i32
      %add3A_42 = arith.constant 0 : i32
      %add3A_43 = arith.addi %mul3A_41, %add3A_42 : i32
      %mul3A_44 = arith.constant 64 : i32
      %mul3A_45 = arith.muli %scan3A_38, %mul3A_44 : i32
      %add3A_46 = arith.constant 16 : i32
      %add3A_47 = arith.addi %mul3A_45, %add3A_46 : i32
      %mul3A_48 = arith.constant 64 : i32
      %mul3A_49 = arith.muli %scan3A_38, %mul3A_48 : i32
      %add3A_50 = arith.constant 32 : i32
      %add3A_51 = arith.addi %mul3A_49, %add3A_50 : i32
      %mul3A_52 = arith.constant 64 : i32
      %mul3A_53 = arith.muli %scan3A_38, %mul3A_52 : i32
      %add3A_54 = arith.constant 48 : i32
      %add3A_55 = arith.addi %mul3A_53, %add3A_54 : i32
      %add3A_56 = arith.constant 0 : i32
      %add3A_57 = arith.addi %add3A_56, %add3A_43 : i32
      %get3A = arith.index_cast %add3A_57 : i32 to index
      %get3A_58 = tpu.vector_load %arg5[%get3A] {strides = array<i32>} : memref<9216xf32, #tpu.memory_space<vmem>>, vector<16xf32>,
      %add3A_59 = arith.constant 0 : i32
      %add3A_60 = arith.addi %add3A_59, %add3A_47 : i32
      %get3A_61 = arith.index_cast %add3A_60 : i32 to index
      %get3A_62 = tpu.vector_load %arg5[%get3A_61] {strides = array<i32>} : memref<9216xf32, #tpu.memory_space<vmem>>, vector<16xf32>,
      %add3A_63 = arith.constant 0 : i32
      %add3A_64 = arith.addi %add3A_63, %add3A_51 : i32
      %get3A_65 = arith.index_cast %add3A_64 : i32 to index
      %get3A_66 = tpu.vector_load %arg5[%get3A_65] {strides = array<i32>} : memref<9216xf32, #tpu.memory_space<vmem>>, vector<16xf32>,
      %add3A_67 = arith.constant 0 : i32
      %add3A_68 = arith.addi %add3A_67, %add3A_55 : i32
      %get3A_69 = arith.index_cast %add3A_68 : i32 to index
      %get3A_70 = tpu.vector_load %arg5[%get3A_69] {strides = array<i32>} : memref<9216xf32, #tpu.memory_space<vmem>>, vector<16xf32>,
      %add3A_71 = arith.constant 2304 : i32
      %add3A_72 = arith.addi %add3A_71, %add3A_43 : i32
      %get3A_73 = arith.index_cast %add3A_72 : i32 to index
      %get3A_74 = tpu.vector_load %arg5[%get3A_73] {strides = array<i32>} : memref<9216xf32, #tpu.memory_space<vmem>>, vector<16xf32>,
      %add3A_75 = arith.constant 2304 : i32
      %add3A_76 = arith.addi %add3A_75, %add3A_47 : i32
      %get3A_77 = arith.index_cast %add3A_76 : i32 to index
      %get3A_78 = tpu.vector_load %arg5[%get3A_77] {strides = array<i32>} : memref<9216xf32, #tpu.memory_space<vmem>>, vector<16xf32>,
      %add3A_79 = arith.constant 2304 : i32
      %add3A_80 = arith.addi %add3A_79, %add3A_51 : i32
      %get3A_81 = arith.index_cast %add3A_80 : i32 to index
      %get3A_82 = tpu.vector_load %arg5[%get3A_81] {strides = array<i32>} : memref<9216xf32, #tpu.memory_space<vmem>>, vector<16xf32>,
      %add3A_83 = arith.constant 2304 : i32
      %add3A_84 = arith.addi %add3A_83, %add3A_55 : i32
      %get3A_85 = arith.index_cast %add3A_84 : i32 to index
      %get3A_86 = tpu.vector_load %arg5[%get3A_85] {strides = array<i32>} : memref<9216xf32, #tpu.memory_space<vmem>>, vector<16xf32>,
      %add3A_87 = arith.constant 4608 : i32
      %add3A_88 = arith.addi %add3A_87, %add3A_43 : i32
      %get3A_89 = arith.index_cast %add3A_88 : i32 to index
      %get3A_90 = tpu.vector_load %arg5[%get3A_89] {strides = array<i32>} : memref<9216xf32, #tpu.memory_space<vmem>>, vector<16xf32>,
      %add3A_91 = arith.constant 4608 : i32
      %add3A_92 = arith.addi %add3A_91, %add3A_47 : i32
      %get3A_93 = arith.index_cast %add3A_92 : i32 to index
      %get3A_94 = tpu.vector_load %arg5[%get3A_93] {strides = array<i32>} : memref<9216xf32, #tpu.memory_space<vmem>>, vector<16xf32>,
      %add3A_95 = arith.constant 4608 : i32
      %add3A_96 = arith.addi %add3A_95, %add3A_51 : i32
      %get3A_97 = arith.index_cast %add3A_96 : i32 to index
      %get3A_98 = tpu.vector_load %arg5[%get3A_97] {strides = array<i32>} : memref<9216xf32, #tpu.memory_space<vmem>>, vector<16xf32>,
      %add3A_99 = arith.constant 4608 : i32
      %add3A_100 = arith.addi %add3A_99, %add3A_55 : i32
      %get3A_101 = arith.index_cast %add3A_100 : i32 to index
      %get3A_102 = tpu.vector_load %arg5[%get3A_101] {strides = array<i32>} : memref<9216xf32, #tpu.memory_space<vmem>>, vector<16xf32>,
      %add3A_103 = arith.constant 6912 : i32
      %add3A_104 = arith.addi %add3A_103, %add3A_43 : i32
      %get3A_105 = arith.index_cast %add3A_104 : i32 to index
      %get3A_106 = tpu.vector_load %arg5[%get3A_105] {strides = array<i32>} : memref<9216xf32, #tpu.memory_space<vmem>>, vector<16xf32>,
      %add3A_107 = arith.constant 6912 : i32
      %add3A_108 = arith.addi %add3A_107, %add3A_47 : i32
      %get3A_109 = arith.index_cast %add3A_108 : i32 to index
      %get3A_110 = tpu.vector_load %arg5[%get3A_109] {strides = array<i32>} : memref<9216xf32, #tpu.memory_space<vmem>>, vector<16xf32>,
      %add3A_111 = arith.constant 6912 : i32
      %add3A_112 = arith.addi %add3A_111, %add3A_51 : i32
      %get3A_113 = arith.index_cast %add3A_112 : i32 to index
      %get3A_114 = tpu.vector_load %arg5[%get3A_113] {strides = array<i32>} : memref<9216xf32, #tpu.memory_space<vmem>>, vector<16xf32>,
      %add3A_115 = arith.constant 6912 : i32
      %add3A_116 = arith.addi %add3A_115, %add3A_55 : i32
      %get3A_117 = arith.index_cast %add3A_116 : i32 to index
      %get3A_118 = tpu.vector_load %arg5[%get3A_117] {strides = array<i32>} : memref<9216xf32, #tpu.memory_space<vmem>>, vector<16xf32>,
      %sub3A = arith.subf %get3A_90, %get3A_58 : vector<16xf32>
      %sub3A_119 = arith.subf %get3A_106, %get3A_74 : vector<16xf32>
      %mul3A_120 = arith.mulf %sub3A, %sub3A_119 : vector<16xf32>
      %sub3A_121 = arith.subf %get3A_94, %get3A_62 : vector<16xf32>
      %sub3A_122 = arith.subf %get3A_110, %get3A_78 : vector<16xf32>
      %mul3A_123 = arith.mulf %sub3A_121, %sub3A_122 : vector<16xf32>
      %sub3A_124 = arith.subf %get3A_98, %get3A_66 : vector<16xf32>
      %sub3A_125 = arith.subf %get3A_114, %get3A_82 : vector<16xf32>
      %mul3A_126 = arith.mulf %sub3A_124, %sub3A_125 : vector<16xf32>
      %sub3A_127 = arith.subf %get3A_102, %get3A_70 : vector<16xf32>
      %sub3A_128 = arith.subf %get3A_118, %get3A_86 : vector<16xf32>
      %mul3A_129 = arith.mulf %sub3A_127, %sub3A_128 : vector<16xf32>
      %broadcast_in_dim3A = arith.constant -2.000000e+00 : f32
      %broadcast_in_dim3A_130 = vector.broadcast %broadcast_in_dim3A : f32 to vector<16xf32>
      %broadcast_in_dim3A_131 = arith.constant -2.000000e+00 : f32
      %broadcast_in_dim3A_132 = vector.broadcast %broadcast_in_dim3A_131 : f32 to vector<16xf32>
      %broadcast_in_dim3A_133 = arith.constant -2.000000e+00 : f32
      %broadcast_in_dim3A_134 = vector.broadcast %broadcast_in_dim3A_133 : f32 to vector<16xf32>
      %broadcast_in_dim3A_135 = arith.constant -2.000000e+00 : f32
      %broadcast_in_dim3A_136 = vector.broadcast %broadcast_in_dim3A_135 : f32 to vector<16xf32>
      %broadcast_in_dim3A_137 = arith.constant 0 : i32
      %broadcast_in_dim3A_138 = vector.broadcast %broadcast_in_dim3A_137 : i32 to vector<16xi32>
      %broadcast_in_dim3A_139 = arith.constant 0 : i32
      %broadcast_in_dim3A_140 = vector.broadcast %broadcast_in_dim3A_139 : i32 to vector<16xi32>
      %broadcast_in_dim3A_141 = arith.constant 0 : i32
      %broadcast_in_dim3A_142 = vector.broadcast %broadcast_in_dim3A_141 : i32 to vector<16xi32>
      %broadcast_in_dim3A_143 = arith.constant 0 : i32
      %broadcast_in_dim3A_144 = vector.broadcast %broadcast_in_dim3A_143 : i32 to vector<16xi32>
      %scan3A_145 = arith.constant 0 : i32
      %scan3A_146 = arith.constant 50 : i32
      %scan3A_147 = arith.addi %scan3A_145, %scan3A_146 : i32
      %scan3A_148 = arith.constant 1 : i32
      %scan3A_149:8 = scf.for %scan3A_294 = %scan3A_145 to %scan3A_147 step %scan3A_148 iter_args(%scan3A_295 = %broadcast_in_dim3A_130, %scan3A_296 = %broadcast_in_dim3A_132, %scan3A_297 = %broadcast_in_dim3A_134, %scan3A_298 = %broadcast_in_dim3A_136, %scan3A_299 = %broadcast_in_dim3A_138, %scan3A_300 = %broadcast_in_dim3A_140, %scan3A_301 = %broadcast_in_dim3A_142, %scan3A_302 = %broadcast_in_dim3A_144) -> (vector<16xf32>, vector<16xf32>, vector<16xf32>, vector<16xf32>, vector<16xi32>, vector<16xi32>, vector<16xi32>, vector<16xi32>)  : i32 {
        %broadcast_in_dim3A_303 = vector.broadcast %scan3A_294 : i32 to vector<16xi32>
        %add3A_304 = arith.constant 768 : i32
        %add3A_305 = vector.broadcast %add3A_304 : i32 to vector<16xi32>
        %add3A_306 = arith.addi %broadcast_in_dim3A_303, %add3A_305 : vector<16xi32>
        %gather3A_307 = tpu.vector_load_idx %arg6[%add3A_306] : memref<1536xf32, #tpu.memory_space<vmem>>[vector<16xi32>], vector<16xf32>,
        %add3A_308 = arith.constant 832 : i32
        %add3A_309 = vector.broadcast %add3A_308 : i32 to vector<16xi32>
        %add3A_310 = arith.addi %broadcast_in_dim3A_303, %add3A_309 : vector<16xi32>
        %gather3A_311 = tpu.vector_load_idx %arg6[%add3A_310] : memref<1536xf32, #tpu.memory_space<vmem>>[vector<16xi32>], vector<16xf32>,
        %add3A_312 = arith.constant 896 : i32
        %add3A_313 = vector.broadcast %add3A_312 : i32 to vector<16xi32>
        %add3A_314 = arith.addi %broadcast_in_dim3A_303, %add3A_313 : vector<16xi32>
        %gather3A_315 = tpu.vector_load_idx %arg6[%add3A_314] : memref<1536xf32, #tpu.memory_space<vmem>>[vector<16xi32>], vector<16xf32>,
        %add3A_316 = arith.constant 960 : i32
        %add3A_317 = vector.broadcast %add3A_316 : i32 to vector<16xi32>
        %add3A_318 = arith.addi %broadcast_in_dim3A_303, %add3A_317 : vector<16xi32>
        %gather3A_319 = tpu.vector_load_idx %arg6[%add3A_318] : memref<1536xf32, #tpu.memory_space<vmem>>[vector<16xi32>], vector<16xf32>,
        %add3A_320 = arith.constant 1024 : i32
        %add3A_321 = vector.broadcast %add3A_320 : i32 to vector<16xi32>
        %add3A_322 = arith.addi %broadcast_in_dim3A_303, %add3A_321 : vector<16xi32>
        %gather3A_323 = tpu.vector_load_idx %arg6[%add3A_322] : memref<1536xf32, #tpu.memory_space<vmem>>[vector<16xi32>], vector<16xf32>,
        %add3A_324 = arith.constant 1088 : i32
        %add3A_325 = vector.broadcast %add3A_324 : i32 to vector<16xi32>
        %add3A_326 = arith.addi %broadcast_in_dim3A_303, %add3A_325 : vector<16xi32>
        %gather3A_327 = tpu.vector_load_idx %arg6[%add3A_326] : memref<1536xf32, #tpu.memory_space<vmem>>[vector<16xi32>], vector<16xf32>,
        %add3A_328 = arith.constant 1.000000e+00 : f32
        %add3A_329 = vector.broadcast %add3A_328 : f32 to vector<16xf32>
        %add3A_330 = arith.addf %gather3A_327, %add3A_329 : vector<16xf32>
        %min3A = arith.minimumf %get3A_90, %gather3A_315 : vector<16xf32>
        %max3A = arith.maximumf %get3A_58, %gather3A_307 : vector<16xf32>
        %sub3A_331 = arith.subf %min3A, %max3A : vector<16xf32>
        %max3A_332 = arith.constant 0.000000e+00 : f32
        %max3A_333 = vector.broadcast %max3A_332 : f32 to vector<16xf32>
        %max3A_334 = arith.maximumf %max3A_333, %sub3A_331 : vector<16xf32>
        %min3A_335 = arith.minimumf %get3A_106, %gather3A_319 : vector<16xf32>
        %max3A_336 = arith.maximumf %get3A_74, %gather3A_311 : vector<16xf32>
        %sub3A_337 = arith.subf %min3A_335, %max3A_336 : vector<16xf32>
        %max3A_338 = arith.constant 0.000000e+00 : f32
        %max3A_339 = vector.broadcast %max3A_338 : f32 to vector<16xf32>
        %max3A_340 = arith.maximumf %max3A_339, %sub3A_337 : vector<16xf32>
        %mul3A_341 = arith.mulf %max3A_334, %max3A_340 : vector<16xf32>
        %add3A_342 = arith.addf %mul3A_120, %gather3A_323 : vector<16xf32>
        %sub3A_343 = arith.subf %add3A_342, %mul3A_341 : vector<16xf32>
        %add3A_344 = arith.constant 9.99999993E-9 : f32
        %add3A_345 = vector.broadcast %add3A_344 : f32 to vector<16xf32>
        %add3A_346 = arith.addf %sub3A_343, %add3A_345 : vector<16xf32>
        %div3A = arith.divf %mul3A_341, %add3A_346 : vector<16xf32>
        %mul3A_347 = arith.mulf %div3A, %add3A_330 : vector<16xf32>
        %add3A_348 = arith.addf %mul3A_347, %gather3A_327 : vector<16xf32>
        %gt3A = arith.cmpf ogt, %add3A_348, %scan3A_295 : vector<16xf32>
        %select_n3A = arith.select %gt3A, %add3A_348, %scan3A_295 : vector<16xi1>, vector<16xf32>
        %select_n3A_349 = arith.select %gt3A, %broadcast_in_dim3A_303, %scan3A_299 : vector<16xi1>, vector<16xi32>
        %min3A_350 = arith.minimumf %get3A_94, %gather3A_315 : vector<16xf32>
        %max3A_351 = arith.maximumf %get3A_62, %gather3A_307 : vector<16xf32>
        %sub3A_352 = arith.subf %min3A_350, %max3A_351 : vector<16xf32>
        %max3A_353 = arith.constant 0.000000e+00 : f32
        %max3A_354 = vector.broadcast %max3A_353 : f32 to vector<16xf32>
        %max3A_355 = arith.maximumf %max3A_354, %sub3A_352 : vector<16xf32>
        %min3A_356 = arith.minimumf %get3A_110, %gather3A_319 : vector<16xf32>
        %max3A_357 = arith.maximumf %get3A_78, %gather3A_311 : vector<16xf32>
        %sub3A_358 = arith.subf %min3A_356, %max3A_357 : vector<16xf32>
        %max3A_359 = arith.constant 0.000000e+00 : f32
        %max3A_360 = vector.broadcast %max3A_359 : f32 to vector<16xf32>
        %max3A_361 = arith.maximumf %max3A_360, %sub3A_358 : vector<16xf32>
        %mul3A_362 = arith.mulf %max3A_355, %max3A_361 : vector<16xf32>
        %add3A_363 = arith.addf %mul3A_123, %gather3A_323 : vector<16xf32>
        %sub3A_364 = arith.subf %add3A_363, %mul3A_362 : vector<16xf32>
        %add3A_365 = arith.constant 9.99999993E-9 : f32
        %add3A_366 = vector.broadcast %add3A_365 : f32 to vector<16xf32>
        %add3A_367 = arith.addf %sub3A_364, %add3A_366 : vector<16xf32>
        %div3A_368 = arith.divf %mul3A_362, %add3A_367 : vector<16xf32>
        %mul3A_369 = arith.mulf %div3A_368, %add3A_330 : vector<16xf32>
        %add3A_370 = arith.addf %mul3A_369, %gather3A_327 : vector<16xf32>
        %gt3A_371 = arith.cmpf ogt, %add3A_370, %scan3A_296 : vector<16xf32>
        %select_n3A_372 = arith.select %gt3A_371, %add3A_370, %scan3A_296 : vector<16xi1>, vector<16xf32>
        %select_n3A_373 = arith.select %gt3A_371, %broadcast_in_dim3A_303, %scan3A_300 : vector<16xi1>, vector<16xi32>
        %min3A_374 = arith.minimumf %get3A_98, %gather3A_315 : vector<16xf32>
        %max3A_375 = arith.maximumf %get3A_66, %gather3A_307 : vector<16xf32>
        %sub3A_376 = arith.subf %min3A_374, %max3A_375 : vector<16xf32>
        %max3A_377 = arith.constant 0.000000e+00 : f32
        %max3A_378 = vector.broadcast %max3A_377 : f32 to vector<16xf32>
        %max3A_379 = arith.maximumf %max3A_378, %sub3A_376 : vector<16xf32>
        %min3A_380 = arith.minimumf %get3A_114, %gather3A_319 : vector<16xf32>
        %max3A_381 = arith.maximumf %get3A_82, %gather3A_311 : vector<16xf32>
        %sub3A_382 = arith.subf %min3A_380, %max3A_381 : vector<16xf32>
        %max3A_383 = arith.constant 0.000000e+00 : f32
        %max3A_384 = vector.broadcast %max3A_383 : f32 to vector<16xf32>
        %max3A_385 = arith.maximumf %max3A_384, %sub3A_382 : vector<16xf32>
        %mul3A_386 = arith.mulf %max3A_379, %max3A_385 : vector<16xf32>
        %add3A_387 = arith.addf %mul3A_126, %gather3A_323 : vector<16xf32>
        %sub3A_388 = arith.subf %add3A_387, %mul3A_386 : vector<16xf32>
        %add3A_389 = arith.constant 9.99999993E-9 : f32
        %add3A_390 = vector.broadcast %add3A_389 : f32 to vector<16xf32>
        %add3A_391 = arith.addf %sub3A_388, %add3A_390 : vector<16xf32>
        %div3A_392 = arith.divf %mul3A_386, %add3A_391 : vector<16xf32>
        %mul3A_393 = arith.mulf %div3A_392, %add3A_330 : vector<16xf32>
        %add3A_394 = arith.addf %mul3A_393, %gather3A_327 : vector<16xf32>
        %gt3A_395 = arith.cmpf ogt, %add3A_394, %scan3A_297 : vector<16xf32>
        %select_n3A_396 = arith.select %gt3A_395, %add3A_394, %scan3A_297 : vector<16xi1>, vector<16xf32>
        %select_n3A_397 = arith.select %gt3A_395, %broadcast_in_dim3A_303, %scan3A_301 : vector<16xi1>, vector<16xi32>
        %min3A_398 = arith.minimumf %get3A_102, %gather3A_315 : vector<16xf32>
        %max3A_399 = arith.maximumf %get3A_70, %gather3A_307 : vector<16xf32>
        %sub3A_400 = arith.subf %min3A_398, %max3A_399 : vector<16xf32>
        %max3A_401 = arith.constant 0.000000e+00 : f32
        %max3A_402 = vector.broadcast %max3A_401 : f32 to vector<16xf32>
        %max3A_403 = arith.maximumf %max3A_402, %sub3A_400 : vector<16xf32>
        %min3A_404 = arith.minimumf %get3A_118, %gather3A_319 : vector<16xf32>
        %max3A_405 = arith.maximumf %get3A_86, %gather3A_311 : vector<16xf32>
        %sub3A_406 = arith.subf %min3A_404, %max3A_405 : vector<16xf32>
        %max3A_407 = arith.constant 0.000000e+00 : f32
        %max3A_408 = vector.broadcast %max3A_407 : f32 to vector<16xf32>
        %max3A_409 = arith.maximumf %max3A_408, %sub3A_406 : vector<16xf32>
        %mul3A_410 = arith.mulf %max3A_403, %max3A_409 : vector<16xf32>
        %add3A_411 = arith.addf %mul3A_129, %gather3A_323 : vector<16xf32>
        %sub3A_412 = arith.subf %add3A_411, %mul3A_410 : vector<16xf32>
        %add3A_413 = arith.constant 9.99999993E-9 : f32
        %add3A_414 = vector.broadcast %add3A_413 : f32 to vector<16xf32>
        %add3A_415 = arith.addf %sub3A_412, %add3A_414 : vector<16xf32>
        %div3A_416 = arith.divf %mul3A_410, %add3A_415 : vector<16xf32>
        %mul3A_417 = arith.mulf %div3A_416, %add3A_330 : vector<16xf32>
        %add3A_418 = arith.addf %mul3A_417, %gather3A_327 : vector<16xf32>
        %gt3A_419 = arith.cmpf ogt, %add3A_418, %scan3A_298 : vector<16xf32>
        %select_n3A_420 = arith.select %gt3A_419, %add3A_418, %scan3A_298 : vector<16xi1>, vector<16xf32>
        %select_n3A_421 = arith.select %gt3A_419, %broadcast_in_dim3A_303, %scan3A_302 : vector<16xi1>, vector<16xi32>
        scf.yield %select_n3A, %select_n3A_372, %select_n3A_396, %select_n3A_420, %select_n3A_349, %select_n3A_373, %select_n3A_397, %select_n3A_421 : vector<16xf32>, vector<16xf32>, vector<16xf32>, vector<16xf32>, vector<16xi32>, vector<16xi32>, vector<16xi32>, vector<16xi32>
      }
      %scan3A_150 = arith.constant 50 : i32
      %add3A_151 = arith.constant 23040 : i32
      %add3A_152 = arith.addi %add3A_151, %add3A_43 : i32
      %swap3A = arith.index_cast %add3A_152 : i32 to index
      %swap3A_153 = tpu.vector_load %arg7[%swap3A] {strides = array<i32>} : memref<46080xf32, #tpu.memory_space<vmem>>, vector<16xf32>,
      tpu.vector_store %arg7[%swap3A], %scan3A_149#0 {strides = array<i32>} : memref<46080xf32, #tpu.memory_space<vmem>>, vector<16xf32>,
      %add3A_154 = arith.constant 768 : i32
      %add3A_155 = vector.broadcast %add3A_154 : i32 to vector<16xi32>
      %add3A_156 = arith.addi %scan3A_149#4, %add3A_155 : vector<16xi32>
      %gather3A = tpu.vector_load_idx %arg6[%add3A_156] : memref<1536xf32, #tpu.memory_space<vmem>>[vector<16xi32>], vector<16xf32>,
      %add3A_157 = arith.constant 25344 : i32
      %add3A_158 = arith.addi %add3A_157, %add3A_43 : i32
      %swap3A_159 = arith.index_cast %add3A_158 : i32 to index
      %swap3A_160 = tpu.vector_load %arg7[%swap3A_159] {strides = array<i32>} : memref<46080xf32, #tpu.memory_space<vmem>>, vector<16xf32>,
      tpu.vector_store %arg7[%swap3A_159], %gather3A {strides = array<i32>} : memref<46080xf32, #tpu.memory_space<vmem>>, vector<16xf32>,
      %add3A_161 = arith.constant 832 : i32
      %add3A_162 = vector.broadcast %add3A_161 : i32 to vector<16xi32>
      %add3A_163 = arith.addi %scan3A_149#4, %add3A_162 : vector<16xi32>
      %gather3A_164 = tpu.vector_load_idx %arg6[%add3A_163] : memref<1536xf32, #tpu.memory_space<vmem>>[vector<16xi32>], vector<16xf32>,
      %add3A_165 = arith.constant 27648 : i32
      %add3A_166 = arith.addi %add3A_165, %add3A_43 : i32
      %swap3A_167 = arith.index_cast %add3A_166 : i32 to index
      %swap3A_168 = tpu.vector_load %arg7[%swap3A_167] {strides = array<i32>} : memref<46080xf32, #tpu.memory_space<vmem>>, vector<16xf32>,
      tpu.vector_store %arg7[%swap3A_167], %gather3A_164 {strides = array<i32>} : memref<46080xf32, #tpu.memory_space<vmem>>, vector<16xf32>,
      %add3A_169 = arith.constant 896 : i32
      %add3A_170 = vector.broadcast %add3A_169 : i32 to vector<16xi32>
      %add3A_171 = arith.addi %scan3A_149#4, %add3A_170 : vector<16xi32>
      %gather3A_172 = tpu.vector_load_idx %arg6[%add3A_171] : memref<1536xf32, #tpu.memory_space<vmem>>[vector<16xi32>], vector<16xf32>,
      %add3A_173 = arith.constant 29952 : i32
      %add3A_174 = arith.addi %add3A_173, %add3A_43 : i32
      %swap3A_175 = arith.index_cast %add3A_174 : i32 to index
      %swap3A_176 = tpu.vector_load %arg7[%swap3A_175] {strides = array<i32>} : memref<46080xf32, #tpu.memory_space<vmem>>, vector<16xf32>,
      tpu.vector_store %arg7[%swap3A_175], %gather3A_172 {strides = array<i32>} : memref<46080xf32, #tpu.memory_space<vmem>>, vector<16xf32>,
      %add3A_177 = arith.constant 960 : i32
      %add3A_178 = vector.broadcast %add3A_177 : i32 to vector<16xi32>
      %add3A_179 = arith.addi %scan3A_149#4, %add3A_178 : vector<16xi32>
      %gather3A_180 = tpu.vector_load_idx %arg6[%add3A_179] : memref<1536xf32, #tpu.memory_space<vmem>>[vector<16xi32>], vector<16xf32>,
      %add3A_181 = arith.constant 32256 : i32
      %add3A_182 = arith.addi %add3A_181, %add3A_43 : i32
      %swap3A_183 = arith.index_cast %add3A_182 : i32 to index
      %swap3A_184 = tpu.vector_load %arg7[%swap3A_183] {strides = array<i32>} : memref<46080xf32, #tpu.memory_space<vmem>>, vector<16xf32>,
      tpu.vector_store %arg7[%swap3A_183], %gather3A_180 {strides = array<i32>} : memref<46080xf32, #tpu.memory_space<vmem>>, vector<16xf32>,
      %add3A_185 = arith.constant 23040 : i32
      %add3A_186 = arith.addi %add3A_185, %add3A_47 : i32
      %swap3A_187 = arith.index_cast %add3A_186 : i32 to index
      %swap3A_188 = tpu.vector_load %arg7[%swap3A_187] {strides = array<i32>} : memref<46080xf32, #tpu.memory_space<vmem>>, vector<16xf32>,
      tpu.vector_store %arg7[%swap3A_187], %scan3A_149#1 {strides = array<i32>} : memref<46080xf32, #tpu.memory_space<vmem>>, vector<16xf32>,
      %add3A_189 = arith.constant 768 : i32
      %add3A_190 = vector.broadcast %add3A_189 : i32 to vector<16xi32>
      %add3A_191 = arith.addi %scan3A_149#5, %add3A_190 : vector<16xi32>
      %gather3A_192 = tpu.vector_load_idx %arg6[%add3A_191] : memref<1536xf32, #tpu.memory_space<vmem>>[vector<16xi32>], vector<16xf32>,
      %add3A_193 = arith.constant 25344 : i32
      %add3A_194 = arith.addi %add3A_193, %add3A_47 : i32
      %swap3A_195 = arith.index_cast %add3A_194 : i32 to index
      %swap3A_196 = tpu.vector_load %arg7[%swap3A_195] {strides = array<i32>} : memref<46080xf32, #tpu.memory_space<vmem>>, vector<16xf32>,
      tpu.vector_store %arg7[%swap3A_195], %gather3A_192 {strides = array<i32>} : memref<46080xf32, #tpu.memory_space<vmem>>, vector<16xf32>,
      %add3A_197 = arith.constant 832 : i32
      %add3A_198 = vector.broadcast %add3A_197 : i32 to vector<16xi32>
      %add3A_199 = arith.addi %scan3A_149#5, %add3A_198 : vector<16xi32>
      %gather3A_200 = tpu.vector_load_idx %arg6[%add3A_199] : memref<1536xf32, #tpu.memory_space<vmem>>[vector<16xi32>], vector<16xf32>,
      %add3A_201 = arith.constant 27648 : i32
      %add3A_202 = arith.addi %add3A_201, %add3A_47 : i32
      %swap3A_203 = arith.index_cast %add3A_202 : i32 to index
      %swap3A_204 = tpu.vector_load %arg7[%swap3A_203] {strides = array<i32>} : memref<46080xf32, #tpu.memory_space<vmem>>, vector<16xf32>,
      tpu.vector_store %arg7[%swap3A_203], %gather3A_200 {strides = array<i32>} : memref<46080xf32, #tpu.memory_space<vmem>>, vector<16xf32>,
      %add3A_205 = arith.constant 896 : i32
      %add3A_206 = vector.broadcast %add3A_205 : i32 to vector<16xi32>
      %add3A_207 = arith.addi %scan3A_149#5, %add3A_206 : vector<16xi32>
      %gather3A_208 = tpu.vector_load_idx %arg6[%add3A_207] : memref<1536xf32, #tpu.memory_space<vmem>>[vector<16xi32>], vector<16xf32>,
      %add3A_209 = arith.constant 29952 : i32
      %add3A_210 = arith.addi %add3A_209, %add3A_47 : i32
      %swap3A_211 = arith.index_cast %add3A_210 : i32 to index
      %swap3A_212 = tpu.vector_load %arg7[%swap3A_211] {strides = array<i32>} : memref<46080xf32, #tpu.memory_space<vmem>>, vector<16xf32>,
      tpu.vector_store %arg7[%swap3A_211], %gather3A_208 {strides = array<i32>} : memref<46080xf32, #tpu.memory_space<vmem>>, vector<16xf32>,
      %add3A_213 = arith.constant 960 : i32
      %add3A_214 = vector.broadcast %add3A_213 : i32 to vector<16xi32>
      %add3A_215 = arith.addi %scan3A_149#5, %add3A_214 : vector<16xi32>
      %gather3A_216 = tpu.vector_load_idx %arg6[%add3A_215] : memref<1536xf32, #tpu.memory_space<vmem>>[vector<16xi32>], vector<16xf32>,
      %add3A_217 = arith.constant 32256 : i32
      %add3A_218 = arith.addi %add3A_217, %add3A_47 : i32
      %swap3A_219 = arith.index_cast %add3A_218 : i32 to index
      %swap3A_220 = tpu.vector_load %arg7[%swap3A_219] {strides = array<i32>} : memref<46080xf32, #tpu.memory_space<vmem>>, vector<16xf32>,
      tpu.vector_store %arg7[%swap3A_219], %gather3A_216 {strides = array<i32>} : memref<46080xf32, #tpu.memory_space<vmem>>, vector<16xf32>,
      %add3A_221 = arith.constant 23040 : i32
      %add3A_222 = arith.addi %add3A_221, %add3A_51 : i32
      %swap3A_223 = arith.index_cast %add3A_222 : i32 to index
      %swap3A_224 = tpu.vector_load %arg7[%swap3A_223] {strides = array<i32>} : memref<46080xf32, #tpu.memory_space<vmem>>, vector<16xf32>,
      tpu.vector_store %arg7[%swap3A_223], %scan3A_149#2 {strides = array<i32>} : memref<46080xf32, #tpu.memory_space<vmem>>, vector<16xf32>,
      %add3A_225 = arith.constant 768 : i32
      %add3A_226 = vector.broadcast %add3A_225 : i32 to vector<16xi32>
      %add3A_227 = arith.addi %scan3A_149#6, %add3A_226 : vector<16xi32>
      %gather3A_228 = tpu.vector_load_idx %arg6[%add3A_227] : memref<1536xf32, #tpu.memory_space<vmem>>[vector<16xi32>], vector<16xf32>,
      %add3A_229 = arith.constant 25344 : i32
      %add3A_230 = arith.addi %add3A_229, %add3A_51 : i32
      %swap3A_231 = arith.index_cast %add3A_230 : i32 to index
      %swap3A_232 = tpu.vector_load %arg7[%swap3A_231] {strides = array<i32>} : memref<46080xf32, #tpu.memory_space<vmem>>, vector<16xf32>,
      tpu.vector_store %arg7[%swap3A_231], %gather3A_228 {strides = array<i32>} : memref<46080xf32, #tpu.memory_space<vmem>>, vector<16xf32>,
      %add3A_233 = arith.constant 832 : i32
      %add3A_234 = vector.broadcast %add3A_233 : i32 to vector<16xi32>
      %add3A_235 = arith.addi %scan3A_149#6, %add3A_234 : vector<16xi32>
      %gather3A_236 = tpu.vector_load_idx %arg6[%add3A_235] : memref<1536xf32, #tpu.memory_space<vmem>>[vector<16xi32>], vector<16xf32>,
      %add3A_237 = arith.constant 27648 : i32
      %add3A_238 = arith.addi %add3A_237, %add3A_51 : i32
      %swap3A_239 = arith.index_cast %add3A_238 : i32 to index
      %swap3A_240 = tpu.vector_load %arg7[%swap3A_239] {strides = array<i32>} : memref<46080xf32, #tpu.memory_space<vmem>>, vector<16xf32>,
      tpu.vector_store %arg7[%swap3A_239], %gather3A_236 {strides = array<i32>} : memref<46080xf32, #tpu.memory_space<vmem>>, vector<16xf32>,
      %add3A_241 = arith.constant 896 : i32
      %add3A_242 = vector.broadcast %add3A_241 : i32 to vector<16xi32>
      %add3A_243 = arith.addi %scan3A_149#6, %add3A_242 : vector<16xi32>
      %gather3A_244 = tpu.vector_load_idx %arg6[%add3A_243] : memref<1536xf32, #tpu.memory_space<vmem>>[vector<16xi32>], vector<16xf32>,
      %add3A_245 = arith.constant 29952 : i32
      %add3A_246 = arith.addi %add3A_245, %add3A_51 : i32
      %swap3A_247 = arith.index_cast %add3A_246 : i32 to index
      %swap3A_248 = tpu.vector_load %arg7[%swap3A_247] {strides = array<i32>} : memref<46080xf32, #tpu.memory_space<vmem>>, vector<16xf32>,
      tpu.vector_store %arg7[%swap3A_247], %gather3A_244 {strides = array<i32>} : memref<46080xf32, #tpu.memory_space<vmem>>, vector<16xf32>,
      %add3A_249 = arith.constant 960 : i32
      %add3A_250 = vector.broadcast %add3A_249 : i32 to vector<16xi32>
      %add3A_251 = arith.addi %scan3A_149#6, %add3A_250 : vector<16xi32>
      %gather3A_252 = tpu.vector_load_idx %arg6[%add3A_251] : memref<1536xf32, #tpu.memory_space<vmem>>[vector<16xi32>], vector<16xf32>,
      %add3A_253 = arith.constant 32256 : i32
      %add3A_254 = arith.addi %add3A_253, %add3A_51 : i32
      %swap3A_255 = arith.index_cast %add3A_254 : i32 to index
      %swap3A_256 = tpu.vector_load %arg7[%swap3A_255] {strides = array<i32>} : memref<46080xf32, #tpu.memory_space<vmem>>, vector<16xf32>,
      tpu.vector_store %arg7[%swap3A_255], %gather3A_252 {strides = array<i32>} : memref<46080xf32, #tpu.memory_space<vmem>>, vector<16xf32>,
      %add3A_257 = arith.constant 23040 : i32
      %add3A_258 = arith.addi %add3A_257, %add3A_55 : i32
      %swap3A_259 = arith.index_cast %add3A_258 : i32 to index
      %swap3A_260 = tpu.vector_load %arg7[%swap3A_259] {strides = array<i32>} : memref<46080xf32, #tpu.memory_space<vmem>>, vector<16xf32>,
      tpu.vector_store %arg7[%swap3A_259], %scan3A_149#3 {strides = array<i32>} : memref<46080xf32, #tpu.memory_space<vmem>>, vector<16xf32>,
      %add3A_261 = arith.constant 768 : i32
      %add3A_262 = vector.broadcast %add3A_261 : i32 to vector<16xi32>
      %add3A_263 = arith.addi %scan3A_149#7, %add3A_262 : vector<16xi32>
      %gather3A_264 = tpu.vector_load_idx %arg6[%add3A_263] : memref<1536xf32, #tpu.memory_space<vmem>>[vector<16xi32>], vector<16xf32>,
      %add3A_265 = arith.constant 25344 : i32
      %add3A_266 = arith.addi %add3A_265, %add3A_55 : i32
      %swap3A_267 = arith.index_cast %add3A_266 : i32 to index
      %swap3A_268 = tpu.vector_load %arg7[%swap3A_267] {strides = array<i32>} : memref<46080xf32, #tpu.memory_space<vmem>>, vector<16xf32>,
      tpu.vector_store %arg7[%swap3A_267], %gather3A_264 {strides = array<i32>} : memref<46080xf32, #tpu.memory_space<vmem>>, vector<16xf32>,
      %add3A_269 = arith.constant 832 : i32
      %add3A_270 = vector.broadcast %add3A_269 : i32 to vector<16xi32>
      %add3A_271 = arith.addi %scan3A_149#7, %add3A_270 : vector<16xi32>
      %gather3A_272 = tpu.vector_load_idx %arg6[%add3A_271] : memref<1536xf32, #tpu.memory_space<vmem>>[vector<16xi32>], vector<16xf32>,
      %add3A_273 = arith.constant 27648 : i32
      %add3A_274 = arith.addi %add3A_273, %add3A_55 : i32
      %swap3A_275 = arith.index_cast %add3A_274 : i32 to index
      %swap3A_276 = tpu.vector_load %arg7[%swap3A_275] {strides = array<i32>} : memref<46080xf32, #tpu.memory_space<vmem>>, vector<16xf32>,
      tpu.vector_store %arg7[%swap3A_275], %gather3A_272 {strides = array<i32>} : memref<46080xf32, #tpu.memory_space<vmem>>, vector<16xf32>,
      %add3A_277 = arith.constant 896 : i32
      %add3A_278 = vector.broadcast %add3A_277 : i32 to vector<16xi32>
      %add3A_279 = arith.addi %scan3A_149#7, %add3A_278 : vector<16xi32>
      %gather3A_280 = tpu.vector_load_idx %arg6[%add3A_279] : memref<1536xf32, #tpu.memory_space<vmem>>[vector<16xi32>], vector<16xf32>,
      %add3A_281 = arith.constant 29952 : i32
      %add3A_282 = arith.addi %add3A_281, %add3A_55 : i32
      %swap3A_283 = arith.index_cast %add3A_282 : i32 to index
      %swap3A_284 = tpu.vector_load %arg7[%swap3A_283] {strides = array<i32>} : memref<46080xf32, #tpu.memory_space<vmem>>, vector<16xf32>,
      tpu.vector_store %arg7[%swap3A_283], %gather3A_280 {strides = array<i32>} : memref<46080xf32, #tpu.memory_space<vmem>>, vector<16xf32>,
      %add3A_285 = arith.constant 960 : i32
      %add3A_286 = vector.broadcast %add3A_285 : i32 to vector<16xi32>
      %add3A_287 = arith.addi %scan3A_149#7, %add3A_286 : vector<16xi32>
      %gather3A_288 = tpu.vector_load_idx %arg6[%add3A_287] : memref<1536xf32, #tpu.memory_space<vmem>>[vector<16xi32>], vector<16xf32>,
      %add3A_289 = arith.constant 32256 : i32
      %add3A_290 = arith.addi %add3A_289, %add3A_55 : i32
      %swap3A_291 = arith.index_cast %add3A_290 : i32 to index
      %swap3A_292 = tpu.vector_load %arg7[%swap3A_291] {strides = array<i32>} : memref<46080xf32, #tpu.memory_space<vmem>>, vector<16xf32>,
      tpu.vector_store %arg7[%swap3A_291], %gather3A_288 {strides = array<i32>} : memref<46080xf32, #tpu.memory_space<vmem>>, vector<16xf32>,
      %scan3A_293 = arith.constant 0 : i32
      scf.yield %scan3A_293 : i32
    }
    %scan3A_24 = arith.constant 36 : i32
    %scan3A_25 = arith.constant 0 : i32
    %scan3A_26 = arith.constant 0 : i32
    %scan3A_27 = arith.constant 36 : i32
    %scan3A_28 = arith.addi %scan3A_26, %scan3A_27 : i32
    %scan3A_29 = arith.constant 1 : i32
    %scan3A_30 = scf.for %scan3A_38 = %scan3A_26 to %scan3A_28 step %scan3A_29 iter_args(%scan3A_39 = %scan3A_25) -> (i32)  : i32 {
      %mul3A_40 = arith.constant 64 : i32
      %mul3A_41 = arith.muli %scan3A_38, %mul3A_40 : i32
      %add3A_42 = arith.constant 0 : i32
      %add3A_43 = arith.addi %mul3A_41, %add3A_42 : i32
      %mul3A_44 = arith.constant 64 : i32
      %mul3A_45 = arith.muli %scan3A_38, %mul3A_44 : i32
      %add3A_46 = arith.constant 16 : i32
      %add3A_47 = arith.addi %mul3A_45, %add3A_46 : i32
      %mul3A_48 = arith.constant 64 : i32
      %mul3A_49 = arith.muli %scan3A_38, %mul3A_48 : i32
      %add3A_50 = arith.constant 32 : i32
      %add3A_51 = arith.addi %mul3A_49, %add3A_50 : i32
      %mul3A_52 = arith.constant 64 : i32
      %mul3A_53 = arith.muli %scan3A_38, %mul3A_52 : i32
      %add3A_54 = arith.constant 48 : i32
      %add3A_55 = arith.addi %mul3A_53, %add3A_54 : i32
      %add3A_56 = arith.constant 0 : i32
      %add3A_57 = arith.addi %add3A_56, %add3A_43 : i32
      %get3A = arith.index_cast %add3A_57 : i32 to index
      %get3A_58 = tpu.vector_load %arg5[%get3A] {strides = array<i32>} : memref<9216xf32, #tpu.memory_space<vmem>>, vector<16xf32>,
      %add3A_59 = arith.constant 0 : i32
      %add3A_60 = arith.addi %add3A_59, %add3A_47 : i32
      %get3A_61 = arith.index_cast %add3A_60 : i32 to index
      %get3A_62 = tpu.vector_load %arg5[%get3A_61] {strides = array<i32>} : memref<9216xf32, #tpu.memory_space<vmem>>, vector<16xf32>,
      %add3A_63 = arith.constant 0 : i32
      %add3A_64 = arith.addi %add3A_63, %add3A_51 : i32
      %get3A_65 = arith.index_cast %add3A_64 : i32 to index
      %get3A_66 = tpu.vector_load %arg5[%get3A_65] {strides = array<i32>} : memref<9216xf32, #tpu.memory_space<vmem>>, vector<16xf32>,
      %add3A_67 = arith.constant 0 : i32
      %add3A_68 = arith.addi %add3A_67, %add3A_55 : i32
      %get3A_69 = arith.index_cast %add3A_68 : i32 to index
      %get3A_70 = tpu.vector_load %arg5[%get3A_69] {strides = array<i32>} : memref<9216xf32, #tpu.memory_space<vmem>>, vector<16xf32>,
      %add3A_71 = arith.constant 2304 : i32
      %add3A_72 = arith.addi %add3A_71, %add3A_43 : i32
      %get3A_73 = arith.index_cast %add3A_72 : i32 to index
      %get3A_74 = tpu.vector_load %arg5[%get3A_73] {strides = array<i32>} : memref<9216xf32, #tpu.memory_space<vmem>>, vector<16xf32>,
      %add3A_75 = arith.constant 2304 : i32
      %add3A_76 = arith.addi %add3A_75, %add3A_47 : i32
      %get3A_77 = arith.index_cast %add3A_76 : i32 to index
      %get3A_78 = tpu.vector_load %arg5[%get3A_77] {strides = array<i32>} : memref<9216xf32, #tpu.memory_space<vmem>>, vector<16xf32>,
      %add3A_79 = arith.constant 2304 : i32
      %add3A_80 = arith.addi %add3A_79, %add3A_51 : i32
      %get3A_81 = arith.index_cast %add3A_80 : i32 to index
      %get3A_82 = tpu.vector_load %arg5[%get3A_81] {strides = array<i32>} : memref<9216xf32, #tpu.memory_space<vmem>>, vector<16xf32>,
      %add3A_83 = arith.constant 2304 : i32
      %add3A_84 = arith.addi %add3A_83, %add3A_55 : i32
      %get3A_85 = arith.index_cast %add3A_84 : i32 to index
      %get3A_86 = tpu.vector_load %arg5[%get3A_85] {strides = array<i32>} : memref<9216xf32, #tpu.memory_space<vmem>>, vector<16xf32>,
      %add3A_87 = arith.constant 4608 : i32
      %add3A_88 = arith.addi %add3A_87, %add3A_43 : i32
      %get3A_89 = arith.index_cast %add3A_88 : i32 to index
      %get3A_90 = tpu.vector_load %arg5[%get3A_89] {strides = array<i32>} : memref<9216xf32, #tpu.memory_space<vmem>>, vector<16xf32>,
      %add3A_91 = arith.constant 4608 : i32
      %add3A_92 = arith.addi %add3A_91, %add3A_47 : i32
      %get3A_93 = arith.index_cast %add3A_92 : i32 to index
      %get3A_94 = tpu.vector_load %arg5[%get3A_93] {strides = array<i32>} : memref<9216xf32, #tpu.memory_space<vmem>>, vector<16xf32>,
      %add3A_95 = arith.constant 4608 : i32
      %add3A_96 = arith.addi %add3A_95, %add3A_51 : i32
      %get3A_97 = arith.index_cast %add3A_96 : i32 to index
      %get3A_98 = tpu.vector_load %arg5[%get3A_97] {strides = array<i32>} : memref<9216xf32, #tpu.memory_space<vmem>>, vector<16xf32>,
      %add3A_99 = arith.constant 4608 : i32
      %add3A_100 = arith.addi %add3A_99, %add3A_55 : i32
      %get3A_101 = arith.index_cast %add3A_100 : i32 to index
      %get3A_102 = tpu.vector_load %arg5[%get3A_101] {strides = array<i32>} : memref<9216xf32, #tpu.memory_space<vmem>>, vector<16xf32>,
      %add3A_103 = arith.constant 6912 : i32
      %add3A_104 = arith.addi %add3A_103, %add3A_43 : i32
      %get3A_105 = arith.index_cast %add3A_104 : i32 to index
      %get3A_106 = tpu.vector_load %arg5[%get3A_105] {strides = array<i32>} : memref<9216xf32, #tpu.memory_space<vmem>>, vector<16xf32>,
      %add3A_107 = arith.constant 6912 : i32
      %add3A_108 = arith.addi %add3A_107, %add3A_47 : i32
      %get3A_109 = arith.index_cast %add3A_108 : i32 to index
      %get3A_110 = tpu.vector_load %arg5[%get3A_109] {strides = array<i32>} : memref<9216xf32, #tpu.memory_space<vmem>>, vector<16xf32>,
      %add3A_111 = arith.constant 6912 : i32
      %add3A_112 = arith.addi %add3A_111, %add3A_51 : i32
      %get3A_113 = arith.index_cast %add3A_112 : i32 to index
      %get3A_114 = tpu.vector_load %arg5[%get3A_113] {strides = array<i32>} : memref<9216xf32, #tpu.memory_space<vmem>>, vector<16xf32>,
      %add3A_115 = arith.constant 6912 : i32
      %add3A_116 = arith.addi %add3A_115, %add3A_55 : i32
      %get3A_117 = arith.index_cast %add3A_116 : i32 to index
      %get3A_118 = tpu.vector_load %arg5[%get3A_117] {strides = array<i32>} : memref<9216xf32, #tpu.memory_space<vmem>>, vector<16xf32>,
      %sub3A = arith.subf %get3A_90, %get3A_58 : vector<16xf32>
      %sub3A_119 = arith.subf %get3A_106, %get3A_74 : vector<16xf32>
      %mul3A_120 = arith.mulf %sub3A, %sub3A_119 : vector<16xf32>
      %sub3A_121 = arith.subf %get3A_94, %get3A_62 : vector<16xf32>
      %sub3A_122 = arith.subf %get3A_110, %get3A_78 : vector<16xf32>
      %mul3A_123 = arith.mulf %sub3A_121, %sub3A_122 : vector<16xf32>
      %sub3A_124 = arith.subf %get3A_98, %get3A_66 : vector<16xf32>
      %sub3A_125 = arith.subf %get3A_114, %get3A_82 : vector<16xf32>
      %mul3A_126 = arith.mulf %sub3A_124, %sub3A_125 : vector<16xf32>
      %sub3A_127 = arith.subf %get3A_102, %get3A_70 : vector<16xf32>
      %sub3A_128 = arith.subf %get3A_118, %get3A_86 : vector<16xf32>
      %mul3A_129 = arith.mulf %sub3A_127, %sub3A_128 : vector<16xf32>
      %broadcast_in_dim3A = arith.constant -2.000000e+00 : f32
      %broadcast_in_dim3A_130 = vector.broadcast %broadcast_in_dim3A : f32 to vector<16xf32>
      %broadcast_in_dim3A_131 = arith.constant -2.000000e+00 : f32
      %broadcast_in_dim3A_132 = vector.broadcast %broadcast_in_dim3A_131 : f32 to vector<16xf32>
      %broadcast_in_dim3A_133 = arith.constant -2.000000e+00 : f32
      %broadcast_in_dim3A_134 = vector.broadcast %broadcast_in_dim3A_133 : f32 to vector<16xf32>
      %broadcast_in_dim3A_135 = arith.constant -2.000000e+00 : f32
      %broadcast_in_dim3A_136 = vector.broadcast %broadcast_in_dim3A_135 : f32 to vector<16xf32>
      %broadcast_in_dim3A_137 = arith.constant 0 : i32
      %broadcast_in_dim3A_138 = vector.broadcast %broadcast_in_dim3A_137 : i32 to vector<16xi32>
      %broadcast_in_dim3A_139 = arith.constant 0 : i32
      %broadcast_in_dim3A_140 = vector.broadcast %broadcast_in_dim3A_139 : i32 to vector<16xi32>
      %broadcast_in_dim3A_141 = arith.constant 0 : i32
      %broadcast_in_dim3A_142 = vector.broadcast %broadcast_in_dim3A_141 : i32 to vector<16xi32>
      %broadcast_in_dim3A_143 = arith.constant 0 : i32
      %broadcast_in_dim3A_144 = vector.broadcast %broadcast_in_dim3A_143 : i32 to vector<16xi32>
      %scan3A_145 = arith.constant 0 : i32
      %scan3A_146 = arith.constant 50 : i32
      %scan3A_147 = arith.addi %scan3A_145, %scan3A_146 : i32
      %scan3A_148 = arith.constant 1 : i32
      %scan3A_149:8 = scf.for %scan3A_294 = %scan3A_145 to %scan3A_147 step %scan3A_148 iter_args(%scan3A_295 = %broadcast_in_dim3A_130, %scan3A_296 = %broadcast_in_dim3A_132, %scan3A_297 = %broadcast_in_dim3A_134, %scan3A_298 = %broadcast_in_dim3A_136, %scan3A_299 = %broadcast_in_dim3A_138, %scan3A_300 = %broadcast_in_dim3A_140, %scan3A_301 = %broadcast_in_dim3A_142, %scan3A_302 = %broadcast_in_dim3A_144) -> (vector<16xf32>, vector<16xf32>, vector<16xf32>, vector<16xf32>, vector<16xi32>, vector<16xi32>, vector<16xi32>, vector<16xi32>)  : i32 {
        %broadcast_in_dim3A_303 = vector.broadcast %scan3A_294 : i32 to vector<16xi32>
        %add3A_304 = arith.constant 1152 : i32
        %add3A_305 = vector.broadcast %add3A_304 : i32 to vector<16xi32>
        %add3A_306 = arith.addi %broadcast_in_dim3A_303, %add3A_305 : vector<16xi32>
        %gather3A_307 = tpu.vector_load_idx %arg6[%add3A_306] : memref<1536xf32, #tpu.memory_space<vmem>>[vector<16xi32>], vector<16xf32>,
        %add3A_308 = arith.constant 1216 : i32
        %add3A_309 = vector.broadcast %add3A_308 : i32 to vector<16xi32>
        %add3A_310 = arith.addi %broadcast_in_dim3A_303, %add3A_309 : vector<16xi32>
        %gather3A_311 = tpu.vector_load_idx %arg6[%add3A_310] : memref<1536xf32, #tpu.memory_space<vmem>>[vector<16xi32>], vector<16xf32>,
        %add3A_312 = arith.constant 1280 : i32
        %add3A_313 = vector.broadcast %add3A_312 : i32 to vector<16xi32>
        %add3A_314 = arith.addi %broadcast_in_dim3A_303, %add3A_313 : vector<16xi32>
        %gather3A_315 = tpu.vector_load_idx %arg6[%add3A_314] : memref<1536xf32, #tpu.memory_space<vmem>>[vector<16xi32>], vector<16xf32>,
        %add3A_316 = arith.constant 1344 : i32
        %add3A_317 = vector.broadcast %add3A_316 : i32 to vector<16xi32>
        %add3A_318 = arith.addi %broadcast_in_dim3A_303, %add3A_317 : vector<16xi32>
        %gather3A_319 = tpu.vector_load_idx %arg6[%add3A_318] : memref<1536xf32, #tpu.memory_space<vmem>>[vector<16xi32>], vector<16xf32>,
        %add3A_320 = arith.constant 1408 : i32
        %add3A_321 = vector.broadcast %add3A_320 : i32 to vector<16xi32>
        %add3A_322 = arith.addi %broadcast_in_dim3A_303, %add3A_321 : vector<16xi32>
        %gather3A_323 = tpu.vector_load_idx %arg6[%add3A_322] : memref<1536xf32, #tpu.memory_space<vmem>>[vector<16xi32>], vector<16xf32>,
        %add3A_324 = arith.constant 1472 : i32
        %add3A_325 = vector.broadcast %add3A_324 : i32 to vector<16xi32>
        %add3A_326 = arith.addi %broadcast_in_dim3A_303, %add3A_325 : vector<16xi32>
        %gather3A_327 = tpu.vector_load_idx %arg6[%add3A_326] : memref<1536xf32, #tpu.memory_space<vmem>>[vector<16xi32>], vector<16xf32>,
        %add3A_328 = arith.constant 1.000000e+00 : f32
        %add3A_329 = vector.broadcast %add3A_328 : f32 to vector<16xf32>
        %add3A_330 = arith.addf %gather3A_327, %add3A_329 : vector<16xf32>
        %min3A = arith.minimumf %get3A_90, %gather3A_315 : vector<16xf32>
        %max3A = arith.maximumf %get3A_58, %gather3A_307 : vector<16xf32>
        %sub3A_331 = arith.subf %min3A, %max3A : vector<16xf32>
        %max3A_332 = arith.constant 0.000000e+00 : f32
        %max3A_333 = vector.broadcast %max3A_332 : f32 to vector<16xf32>
        %max3A_334 = arith.maximumf %max3A_333, %sub3A_331 : vector<16xf32>
        %min3A_335 = arith.minimumf %get3A_106, %gather3A_319 : vector<16xf32>
        %max3A_336 = arith.maximumf %get3A_74, %gather3A_311 : vector<16xf32>
        %sub3A_337 = arith.subf %min3A_335, %max3A_336 : vector<16xf32>
        %max3A_338 = arith.constant 0.000000e+00 : f32
        %max3A_339 = vector.broadcast %max3A_338 : f32 to vector<16xf32>
        %max3A_340 = arith.maximumf %max3A_339, %sub3A_337 : vector<16xf32>
        %mul3A_341 = arith.mulf %max3A_334, %max3A_340 : vector<16xf32>
        %add3A_342 = arith.addf %mul3A_120, %gather3A_323 : vector<16xf32>
        %sub3A_343 = arith.subf %add3A_342, %mul3A_341 : vector<16xf32>
        %add3A_344 = arith.constant 9.99999993E-9 : f32
        %add3A_345 = vector.broadcast %add3A_344 : f32 to vector<16xf32>
        %add3A_346 = arith.addf %sub3A_343, %add3A_345 : vector<16xf32>
        %div3A = arith.divf %mul3A_341, %add3A_346 : vector<16xf32>
        %mul3A_347 = arith.mulf %div3A, %add3A_330 : vector<16xf32>
        %add3A_348 = arith.addf %mul3A_347, %gather3A_327 : vector<16xf32>
        %gt3A = arith.cmpf ogt, %add3A_348, %scan3A_295 : vector<16xf32>
        %select_n3A = arith.select %gt3A, %add3A_348, %scan3A_295 : vector<16xi1>, vector<16xf32>
        %select_n3A_349 = arith.select %gt3A, %broadcast_in_dim3A_303, %scan3A_299 : vector<16xi1>, vector<16xi32>
        %min3A_350 = arith.minimumf %get3A_94, %gather3A_315 : vector<16xf32>
        %max3A_351 = arith.maximumf %get3A_62, %gather3A_307 : vector<16xf32>
        %sub3A_352 = arith.subf %min3A_350, %max3A_351 : vector<16xf32>
        %max3A_353 = arith.constant 0.000000e+00 : f32
        %max3A_354 = vector.broadcast %max3A_353 : f32 to vector<16xf32>
        %max3A_355 = arith.maximumf %max3A_354, %sub3A_352 : vector<16xf32>
        %min3A_356 = arith.minimumf %get3A_110, %gather3A_319 : vector<16xf32>
        %max3A_357 = arith.maximumf %get3A_78, %gather3A_311 : vector<16xf32>
        %sub3A_358 = arith.subf %min3A_356, %max3A_357 : vector<16xf32>
        %max3A_359 = arith.constant 0.000000e+00 : f32
        %max3A_360 = vector.broadcast %max3A_359 : f32 to vector<16xf32>
        %max3A_361 = arith.maximumf %max3A_360, %sub3A_358 : vector<16xf32>
        %mul3A_362 = arith.mulf %max3A_355, %max3A_361 : vector<16xf32>
        %add3A_363 = arith.addf %mul3A_123, %gather3A_323 : vector<16xf32>
        %sub3A_364 = arith.subf %add3A_363, %mul3A_362 : vector<16xf32>
        %add3A_365 = arith.constant 9.99999993E-9 : f32
        %add3A_366 = vector.broadcast %add3A_365 : f32 to vector<16xf32>
        %add3A_367 = arith.addf %sub3A_364, %add3A_366 : vector<16xf32>
        %div3A_368 = arith.divf %mul3A_362, %add3A_367 : vector<16xf32>
        %mul3A_369 = arith.mulf %div3A_368, %add3A_330 : vector<16xf32>
        %add3A_370 = arith.addf %mul3A_369, %gather3A_327 : vector<16xf32>
        %gt3A_371 = arith.cmpf ogt, %add3A_370, %scan3A_296 : vector<16xf32>
        %select_n3A_372 = arith.select %gt3A_371, %add3A_370, %scan3A_296 : vector<16xi1>, vector<16xf32>
        %select_n3A_373 = arith.select %gt3A_371, %broadcast_in_dim3A_303, %scan3A_300 : vector<16xi1>, vector<16xi32>
        %min3A_374 = arith.minimumf %get3A_98, %gather3A_315 : vector<16xf32>
        %max3A_375 = arith.maximumf %get3A_66, %gather3A_307 : vector<16xf32>
        %sub3A_376 = arith.subf %min3A_374, %max3A_375 : vector<16xf32>
        %max3A_377 = arith.constant 0.000000e+00 : f32
        %max3A_378 = vector.broadcast %max3A_377 : f32 to vector<16xf32>
        %max3A_379 = arith.maximumf %max3A_378, %sub3A_376 : vector<16xf32>
        %min3A_380 = arith.minimumf %get3A_114, %gather3A_319 : vector<16xf32>
        %max3A_381 = arith.maximumf %get3A_82, %gather3A_311 : vector<16xf32>
        %sub3A_382 = arith.subf %min3A_380, %max3A_381 : vector<16xf32>
        %max3A_383 = arith.constant 0.000000e+00 : f32
        %max3A_384 = vector.broadcast %max3A_383 : f32 to vector<16xf32>
        %max3A_385 = arith.maximumf %max3A_384, %sub3A_382 : vector<16xf32>
        %mul3A_386 = arith.mulf %max3A_379, %max3A_385 : vector<16xf32>
        %add3A_387 = arith.addf %mul3A_126, %gather3A_323 : vector<16xf32>
        %sub3A_388 = arith.subf %add3A_387, %mul3A_386 : vector<16xf32>
        %add3A_389 = arith.constant 9.99999993E-9 : f32
        %add3A_390 = vector.broadcast %add3A_389 : f32 to vector<16xf32>
        %add3A_391 = arith.addf %sub3A_388, %add3A_390 : vector<16xf32>
        %div3A_392 = arith.divf %mul3A_386, %add3A_391 : vector<16xf32>
        %mul3A_393 = arith.mulf %div3A_392, %add3A_330 : vector<16xf32>
        %add3A_394 = arith.addf %mul3A_393, %gather3A_327 : vector<16xf32>
        %gt3A_395 = arith.cmpf ogt, %add3A_394, %scan3A_297 : vector<16xf32>
        %select_n3A_396 = arith.select %gt3A_395, %add3A_394, %scan3A_297 : vector<16xi1>, vector<16xf32>
        %select_n3A_397 = arith.select %gt3A_395, %broadcast_in_dim3A_303, %scan3A_301 : vector<16xi1>, vector<16xi32>
        %min3A_398 = arith.minimumf %get3A_102, %gather3A_315 : vector<16xf32>
        %max3A_399 = arith.maximumf %get3A_70, %gather3A_307 : vector<16xf32>
        %sub3A_400 = arith.subf %min3A_398, %max3A_399 : vector<16xf32>
        %max3A_401 = arith.constant 0.000000e+00 : f32
        %max3A_402 = vector.broadcast %max3A_401 : f32 to vector<16xf32>
        %max3A_403 = arith.maximumf %max3A_402, %sub3A_400 : vector<16xf32>
        %min3A_404 = arith.minimumf %get3A_118, %gather3A_319 : vector<16xf32>
        %max3A_405 = arith.maximumf %get3A_86, %gather3A_311 : vector<16xf32>
        %sub3A_406 = arith.subf %min3A_404, %max3A_405 : vector<16xf32>
        %max3A_407 = arith.constant 0.000000e+00 : f32
        %max3A_408 = vector.broadcast %max3A_407 : f32 to vector<16xf32>
        %max3A_409 = arith.maximumf %max3A_408, %sub3A_406 : vector<16xf32>
        %mul3A_410 = arith.mulf %max3A_403, %max3A_409 : vector<16xf32>
        %add3A_411 = arith.addf %mul3A_129, %gather3A_323 : vector<16xf32>
        %sub3A_412 = arith.subf %add3A_411, %mul3A_410 : vector<16xf32>
        %add3A_413 = arith.constant 9.99999993E-9 : f32
        %add3A_414 = vector.broadcast %add3A_413 : f32 to vector<16xf32>
        %add3A_415 = arith.addf %sub3A_412, %add3A_414 : vector<16xf32>
        %div3A_416 = arith.divf %mul3A_410, %add3A_415 : vector<16xf32>
        %mul3A_417 = arith.mulf %div3A_416, %add3A_330 : vector<16xf32>
        %add3A_418 = arith.addf %mul3A_417, %gather3A_327 : vector<16xf32>
        %gt3A_419 = arith.cmpf ogt, %add3A_418, %scan3A_298 : vector<16xf32>
        %select_n3A_420 = arith.select %gt3A_419, %add3A_418, %scan3A_298 : vector<16xi1>, vector<16xf32>
        %select_n3A_421 = arith.select %gt3A_419, %broadcast_in_dim3A_303, %scan3A_302 : vector<16xi1>, vector<16xi32>
        scf.yield %select_n3A, %select_n3A_372, %select_n3A_396, %select_n3A_420, %select_n3A_349, %select_n3A_373, %select_n3A_397, %select_n3A_421 : vector<16xf32>, vector<16xf32>, vector<16xf32>, vector<16xf32>, vector<16xi32>, vector<16xi32>, vector<16xi32>, vector<16xi32>
      }
      %scan3A_150 = arith.constant 50 : i32
      %add3A_151 = arith.constant 34560 : i32
      %add3A_152 = arith.addi %add3A_151, %add3A_43 : i32
      %swap3A = arith.index_cast %add3A_152 : i32 to index
      %swap3A_153 = tpu.vector_load %arg7[%swap3A] {strides = array<i32>} : memref<46080xf32, #tpu.memory_space<vmem>>, vector<16xf32>,
      tpu.vector_store %arg7[%swap3A], %scan3A_149#0 {strides = array<i32>} : memref<46080xf32, #tpu.memory_space<vmem>>, vector<16xf32>,
      %add3A_154 = arith.constant 1152 : i32
      %add3A_155 = vector.broadcast %add3A_154 : i32 to vector<16xi32>
      %add3A_156 = arith.addi %scan3A_149#4, %add3A_155 : vector<16xi32>
      %gather3A = tpu.vector_load_idx %arg6[%add3A_156] : memref<1536xf32, #tpu.memory_space<vmem>>[vector<16xi32>], vector<16xf32>,
      %add3A_157 = arith.constant 36864 : i32
      %add3A_158 = arith.addi %add3A_157, %add3A_43 : i32
      %swap3A_159 = arith.index_cast %add3A_158 : i32 to index
      %swap3A_160 = tpu.vector_load %arg7[%swap3A_159] {strides = array<i32>} : memref<46080xf32, #tpu.memory_space<vmem>>, vector<16xf32>,
      tpu.vector_store %arg7[%swap3A_159], %gather3A {strides = array<i32>} : memref<46080xf32, #tpu.memory_space<vmem>>, vector<16xf32>,
      %add3A_161 = arith.constant 1216 : i32
      %add3A_162 = vector.broadcast %add3A_161 : i32 to vector<16xi32>
      %add3A_163 = arith.addi %scan3A_149#4, %add3A_162 : vector<16xi32>
      %gather3A_164 = tpu.vector_load_idx %arg6[%add3A_163] : memref<1536xf32, #tpu.memory_space<vmem>>[vector<16xi32>], vector<16xf32>,
      %add3A_165 = arith.constant 39168 : i32
      %add3A_166 = arith.addi %add3A_165, %add3A_43 : i32
      %swap3A_167 = arith.index_cast %add3A_166 : i32 to index
      %swap3A_168 = tpu.vector_load %arg7[%swap3A_167] {strides = array<i32>} : memref<46080xf32, #tpu.memory_space<vmem>>, vector<16xf32>,
      tpu.vector_store %arg7[%swap3A_167], %gather3A_164 {strides = array<i32>} : memref<46080xf32, #tpu.memory_space<vmem>>, vector<16xf32>,
      %add3A_169 = arith.constant 1280 : i32
      %add3A_170 = vector.broadcast %add3A_169 : i32 to vector<16xi32>
      %add3A_171 = arith.addi %scan3A_149#4, %add3A_170 : vector<16xi32>
      %gather3A_172 = tpu.vector_load_idx %arg6[%add3A_171] : memref<1536xf32, #tpu.memory_space<vmem>>[vector<16xi32>], vector<16xf32>,
      %add3A_173 = arith.constant 41472 : i32
      %add3A_174 = arith.addi %add3A_173, %add3A_43 : i32
      %swap3A_175 = arith.index_cast %add3A_174 : i32 to index
      %swap3A_176 = tpu.vector_load %arg7[%swap3A_175] {strides = array<i32>} : memref<46080xf32, #tpu.memory_space<vmem>>, vector<16xf32>,
      tpu.vector_store %arg7[%swap3A_175], %gather3A_172 {strides = array<i32>} : memref<46080xf32, #tpu.memory_space<vmem>>, vector<16xf32>,
      %add3A_177 = arith.constant 1344 : i32
      %add3A_178 = vector.broadcast %add3A_177 : i32 to vector<16xi32>
      %add3A_179 = arith.addi %scan3A_149#4, %add3A_178 : vector<16xi32>
      %gather3A_180 = tpu.vector_load_idx %arg6[%add3A_179] : memref<1536xf32, #tpu.memory_space<vmem>>[vector<16xi32>], vector<16xf32>,
      %add3A_181 = arith.constant 43776 : i32
      %add3A_182 = arith.addi %add3A_181, %add3A_43 : i32
      %swap3A_183 = arith.index_cast %add3A_182 : i32 to index
      %swap3A_184 = tpu.vector_load %arg7[%swap3A_183] {strides = array<i32>} : memref<46080xf32, #tpu.memory_space<vmem>>, vector<16xf32>,
      tpu.vector_store %arg7[%swap3A_183], %gather3A_180 {strides = array<i32>} : memref<46080xf32, #tpu.memory_space<vmem>>, vector<16xf32>,
      %add3A_185 = arith.constant 34560 : i32
      %add3A_186 = arith.addi %add3A_185, %add3A_47 : i32
      %swap3A_187 = arith.index_cast %add3A_186 : i32 to index
      %swap3A_188 = tpu.vector_load %arg7[%swap3A_187] {strides = array<i32>} : memref<46080xf32, #tpu.memory_space<vmem>>, vector<16xf32>,
      tpu.vector_store %arg7[%swap3A_187], %scan3A_149#1 {strides = array<i32>} : memref<46080xf32, #tpu.memory_space<vmem>>, vector<16xf32>,
      %add3A_189 = arith.constant 1152 : i32
      %add3A_190 = vector.broadcast %add3A_189 : i32 to vector<16xi32>
      %add3A_191 = arith.addi %scan3A_149#5, %add3A_190 : vector<16xi32>
      %gather3A_192 = tpu.vector_load_idx %arg6[%add3A_191] : memref<1536xf32, #tpu.memory_space<vmem>>[vector<16xi32>], vector<16xf32>,
      %add3A_193 = arith.constant 36864 : i32
      %add3A_194 = arith.addi %add3A_193, %add3A_47 : i32
      %swap3A_195 = arith.index_cast %add3A_194 : i32 to index
      %swap3A_196 = tpu.vector_load %arg7[%swap3A_195] {strides = array<i32>} : memref<46080xf32, #tpu.memory_space<vmem>>, vector<16xf32>,
      tpu.vector_store %arg7[%swap3A_195], %gather3A_192 {strides = array<i32>} : memref<46080xf32, #tpu.memory_space<vmem>>, vector<16xf32>,
      %add3A_197 = arith.constant 1216 : i32
      %add3A_198 = vector.broadcast %add3A_197 : i32 to vector<16xi32>
      %add3A_199 = arith.addi %scan3A_149#5, %add3A_198 : vector<16xi32>
      %gather3A_200 = tpu.vector_load_idx %arg6[%add3A_199] : memref<1536xf32, #tpu.memory_space<vmem>>[vector<16xi32>], vector<16xf32>,
      %add3A_201 = arith.constant 39168 : i32
      %add3A_202 = arith.addi %add3A_201, %add3A_47 : i32
      %swap3A_203 = arith.index_cast %add3A_202 : i32 to index
      %swap3A_204 = tpu.vector_load %arg7[%swap3A_203] {strides = array<i32>} : memref<46080xf32, #tpu.memory_space<vmem>>, vector<16xf32>,
      tpu.vector_store %arg7[%swap3A_203], %gather3A_200 {strides = array<i32>} : memref<46080xf32, #tpu.memory_space<vmem>>, vector<16xf32>,
      %add3A_205 = arith.constant 1280 : i32
      %add3A_206 = vector.broadcast %add3A_205 : i32 to vector<16xi32>
      %add3A_207 = arith.addi %scan3A_149#5, %add3A_206 : vector<16xi32>
      %gather3A_208 = tpu.vector_load_idx %arg6[%add3A_207] : memref<1536xf32, #tpu.memory_space<vmem>>[vector<16xi32>], vector<16xf32>,
      %add3A_209 = arith.constant 41472 : i32
      %add3A_210 = arith.addi %add3A_209, %add3A_47 : i32
      %swap3A_211 = arith.index_cast %add3A_210 : i32 to index
      %swap3A_212 = tpu.vector_load %arg7[%swap3A_211] {strides = array<i32>} : memref<46080xf32, #tpu.memory_space<vmem>>, vector<16xf32>,
      tpu.vector_store %arg7[%swap3A_211], %gather3A_208 {strides = array<i32>} : memref<46080xf32, #tpu.memory_space<vmem>>, vector<16xf32>,
      %add3A_213 = arith.constant 1344 : i32
      %add3A_214 = vector.broadcast %add3A_213 : i32 to vector<16xi32>
      %add3A_215 = arith.addi %scan3A_149#5, %add3A_214 : vector<16xi32>
      %gather3A_216 = tpu.vector_load_idx %arg6[%add3A_215] : memref<1536xf32, #tpu.memory_space<vmem>>[vector<16xi32>], vector<16xf32>,
      %add3A_217 = arith.constant 43776 : i32
      %add3A_218 = arith.addi %add3A_217, %add3A_47 : i32
      %swap3A_219 = arith.index_cast %add3A_218 : i32 to index
      %swap3A_220 = tpu.vector_load %arg7[%swap3A_219] {strides = array<i32>} : memref<46080xf32, #tpu.memory_space<vmem>>, vector<16xf32>,
      tpu.vector_store %arg7[%swap3A_219], %gather3A_216 {strides = array<i32>} : memref<46080xf32, #tpu.memory_space<vmem>>, vector<16xf32>,
      %add3A_221 = arith.constant 34560 : i32
      %add3A_222 = arith.addi %add3A_221, %add3A_51 : i32
      %swap3A_223 = arith.index_cast %add3A_222 : i32 to index
      %swap3A_224 = tpu.vector_load %arg7[%swap3A_223] {strides = array<i32>} : memref<46080xf32, #tpu.memory_space<vmem>>, vector<16xf32>,
      tpu.vector_store %arg7[%swap3A_223], %scan3A_149#2 {strides = array<i32>} : memref<46080xf32, #tpu.memory_space<vmem>>, vector<16xf32>,
      %add3A_225 = arith.constant 1152 : i32
      %add3A_226 = vector.broadcast %add3A_225 : i32 to vector<16xi32>
      %add3A_227 = arith.addi %scan3A_149#6, %add3A_226 : vector<16xi32>
      %gather3A_228 = tpu.vector_load_idx %arg6[%add3A_227] : memref<1536xf32, #tpu.memory_space<vmem>>[vector<16xi32>], vector<16xf32>,
      %add3A_229 = arith.constant 36864 : i32
      %add3A_230 = arith.addi %add3A_229, %add3A_51 : i32
      %swap3A_231 = arith.index_cast %add3A_230 : i32 to index
      %swap3A_232 = tpu.vector_load %arg7[%swap3A_231] {strides = array<i32>} : memref<46080xf32, #tpu.memory_space<vmem>>, vector<16xf32>,
      tpu.vector_store %arg7[%swap3A_231], %gather3A_228 {strides = array<i32>} : memref<46080xf32, #tpu.memory_space<vmem>>, vector<16xf32>,
      %add3A_233 = arith.constant 1216 : i32
      %add3A_234 = vector.broadcast %add3A_233 : i32 to vector<16xi32>
      %add3A_235 = arith.addi %scan3A_149#6, %add3A_234 : vector<16xi32>
      %gather3A_236 = tpu.vector_load_idx %arg6[%add3A_235] : memref<1536xf32, #tpu.memory_space<vmem>>[vector<16xi32>], vector<16xf32>,
      %add3A_237 = arith.constant 39168 : i32
      %add3A_238 = arith.addi %add3A_237, %add3A_51 : i32
      %swap3A_239 = arith.index_cast %add3A_238 : i32 to index
      %swap3A_240 = tpu.vector_load %arg7[%swap3A_239] {strides = array<i32>} : memref<46080xf32, #tpu.memory_space<vmem>>, vector<16xf32>,
      tpu.vector_store %arg7[%swap3A_239], %gather3A_236 {strides = array<i32>} : memref<46080xf32, #tpu.memory_space<vmem>>, vector<16xf32>,
      %add3A_241 = arith.constant 1280 : i32
      %add3A_242 = vector.broadcast %add3A_241 : i32 to vector<16xi32>
      %add3A_243 = arith.addi %scan3A_149#6, %add3A_242 : vector<16xi32>
      %gather3A_244 = tpu.vector_load_idx %arg6[%add3A_243] : memref<1536xf32, #tpu.memory_space<vmem>>[vector<16xi32>], vector<16xf32>,
      %add3A_245 = arith.constant 41472 : i32
      %add3A_246 = arith.addi %add3A_245, %add3A_51 : i32
      %swap3A_247 = arith.index_cast %add3A_246 : i32 to index
      %swap3A_248 = tpu.vector_load %arg7[%swap3A_247] {strides = array<i32>} : memref<46080xf32, #tpu.memory_space<vmem>>, vector<16xf32>,
      tpu.vector_store %arg7[%swap3A_247], %gather3A_244 {strides = array<i32>} : memref<46080xf32, #tpu.memory_space<vmem>>, vector<16xf32>,
      %add3A_249 = arith.constant 1344 : i32
      %add3A_250 = vector.broadcast %add3A_249 : i32 to vector<16xi32>
      %add3A_251 = arith.addi %scan3A_149#6, %add3A_250 : vector<16xi32>
      %gather3A_252 = tpu.vector_load_idx %arg6[%add3A_251] : memref<1536xf32, #tpu.memory_space<vmem>>[vector<16xi32>], vector<16xf32>,
      %add3A_253 = arith.constant 43776 : i32
      %add3A_254 = arith.addi %add3A_253, %add3A_51 : i32
      %swap3A_255 = arith.index_cast %add3A_254 : i32 to index
      %swap3A_256 = tpu.vector_load %arg7[%swap3A_255] {strides = array<i32>} : memref<46080xf32, #tpu.memory_space<vmem>>, vector<16xf32>,
      tpu.vector_store %arg7[%swap3A_255], %gather3A_252 {strides = array<i32>} : memref<46080xf32, #tpu.memory_space<vmem>>, vector<16xf32>,
      %add3A_257 = arith.constant 34560 : i32
      %add3A_258 = arith.addi %add3A_257, %add3A_55 : i32
      %swap3A_259 = arith.index_cast %add3A_258 : i32 to index
      %swap3A_260 = tpu.vector_load %arg7[%swap3A_259] {strides = array<i32>} : memref<46080xf32, #tpu.memory_space<vmem>>, vector<16xf32>,
      tpu.vector_store %arg7[%swap3A_259], %scan3A_149#3 {strides = array<i32>} : memref<46080xf32, #tpu.memory_space<vmem>>, vector<16xf32>,
      %add3A_261 = arith.constant 1152 : i32
      %add3A_262 = vector.broadcast %add3A_261 : i32 to vector<16xi32>
      %add3A_263 = arith.addi %scan3A_149#7, %add3A_262 : vector<16xi32>
      %gather3A_264 = tpu.vector_load_idx %arg6[%add3A_263] : memref<1536xf32, #tpu.memory_space<vmem>>[vector<16xi32>], vector<16xf32>,
      %add3A_265 = arith.constant 36864 : i32
      %add3A_266 = arith.addi %add3A_265, %add3A_55 : i32
      %swap3A_267 = arith.index_cast %add3A_266 : i32 to index
      %swap3A_268 = tpu.vector_load %arg7[%swap3A_267] {strides = array<i32>} : memref<46080xf32, #tpu.memory_space<vmem>>, vector<16xf32>,
      tpu.vector_store %arg7[%swap3A_267], %gather3A_264 {strides = array<i32>} : memref<46080xf32, #tpu.memory_space<vmem>>, vector<16xf32>,
      %add3A_269 = arith.constant 1216 : i32
      %add3A_270 = vector.broadcast %add3A_269 : i32 to vector<16xi32>
      %add3A_271 = arith.addi %scan3A_149#7, %add3A_270 : vector<16xi32>
      %gather3A_272 = tpu.vector_load_idx %arg6[%add3A_271] : memref<1536xf32, #tpu.memory_space<vmem>>[vector<16xi32>], vector<16xf32>,
      %add3A_273 = arith.constant 39168 : i32
      %add3A_274 = arith.addi %add3A_273, %add3A_55 : i32
      %swap3A_275 = arith.index_cast %add3A_274 : i32 to index
      %swap3A_276 = tpu.vector_load %arg7[%swap3A_275] {strides = array<i32>} : memref<46080xf32, #tpu.memory_space<vmem>>, vector<16xf32>,
      tpu.vector_store %arg7[%swap3A_275], %gather3A_272 {strides = array<i32>} : memref<46080xf32, #tpu.memory_space<vmem>>, vector<16xf32>,
      %add3A_277 = arith.constant 1280 : i32
      %add3A_278 = vector.broadcast %add3A_277 : i32 to vector<16xi32>
      %add3A_279 = arith.addi %scan3A_149#7, %add3A_278 : vector<16xi32>
      %gather3A_280 = tpu.vector_load_idx %arg6[%add3A_279] : memref<1536xf32, #tpu.memory_space<vmem>>[vector<16xi32>], vector<16xf32>,
      %add3A_281 = arith.constant 41472 : i32
      %add3A_282 = arith.addi %add3A_281, %add3A_55 : i32
      %swap3A_283 = arith.index_cast %add3A_282 : i32 to index
      %swap3A_284 = tpu.vector_load %arg7[%swap3A_283] {strides = array<i32>} : memref<46080xf32, #tpu.memory_space<vmem>>, vector<16xf32>,
      tpu.vector_store %arg7[%swap3A_283], %gather3A_280 {strides = array<i32>} : memref<46080xf32, #tpu.memory_space<vmem>>, vector<16xf32>,
      %add3A_285 = arith.constant 1344 : i32
      %add3A_286 = vector.broadcast %add3A_285 : i32 to vector<16xi32>
      %add3A_287 = arith.addi %scan3A_149#7, %add3A_286 : vector<16xi32>
      %gather3A_288 = tpu.vector_load_idx %arg6[%add3A_287] : memref<1536xf32, #tpu.memory_space<vmem>>[vector<16xi32>], vector<16xf32>,
      %add3A_289 = arith.constant 43776 : i32
      %add3A_290 = arith.addi %add3A_289, %add3A_55 : i32
      %swap3A_291 = arith.index_cast %add3A_290 : i32 to index
      %swap3A_292 = tpu.vector_load %arg7[%swap3A_291] {strides = array<i32>} : memref<46080xf32, #tpu.memory_space<vmem>>, vector<16xf32>,
      tpu.vector_store %arg7[%swap3A_291], %gather3A_288 {strides = array<i32>} : memref<46080xf32, #tpu.memory_space<vmem>>, vector<16xf32>,
      %scan3A_293 = arith.constant 0 : i32
      scf.yield %scan3A_293 : i32
    }
    %scan3A_31 = arith.constant 36 : i32
    %mul3A_32 = arith.constant 4 : i32
    %mul3A_33 = arith.muli %add3A, %mul3A_32 : i32
    %mul3A_34 = arith.constant 5 : i32
    %mul3A_35 = arith.muli %mul3A_33, %mul3A_34 : i32
    %mul3A_36 = arith.constant 2304 : i32
    %mul3A_37 = arith.muli %mul3A_35, %mul3A_36 : i32
    "tpu.region"() ({
      %run_scoped3A = tpu.sem_alloc : memref<!tpu.dma_semaphore, #tpu.memory_space<semaphore_mem>>
      %dma_start3A = tpu.memref_slice %arg4[%mul3A_37] : memref<737280xf32, #tpu.memory_space<hbm>> -> memref<46080xf32, #tpu.memory_space<hbm>>
      %dma_start3A_38 = tpu.memref_slice %arg4[%mul3A_37] : memref<737280xf32, #tpu.memory_space<hbm>> -> memref<46080xf32, #tpu.memory_space<hbm>>
      tpu.enqueue_dma source(%arg7 : memref<46080xf32, #tpu.memory_space<vmem>>) target(%dma_start3A_38 : memref<46080xf32, #tpu.memory_space<hbm>>) target_semaphore(%run_scoped3A : memref<!tpu.dma_semaphore, #tpu.memory_space<semaphore_mem>>)
      %dma_wait3A = tpu.memref_slice %arg4[%mul3A_37] : memref<737280xf32, #tpu.memory_space<hbm>> -> memref<46080xf32, #tpu.memory_space<hbm>>
      %dma_wait3A_39 = tpu.memref_slice %arg4[%mul3A_37] : memref<737280xf32, #tpu.memory_space<hbm>> -> memref<46080xf32, #tpu.memory_space<hbm>>
      tpu.wait_dma2 semaphore(%run_scoped3A : memref<!tpu.dma_semaphore, #tpu.memory_space<semaphore_mem>>) src(%arg7 : memref<46080xf32, #tpu.memory_space<vmem>>) dst(%dma_wait3A_39 : memref<46080xf32, #tpu.memory_space<hbm>>)
      tpu.yield
    }) : () -> ()
    return
  }
}

module attributes {stable_mosaic.version = 14 : i64} {
  func.func @_s2_body(%arg0: i32, %arg1: memref<1x288x128xf32, #tpu.memory_space<vmem>>, %arg2: memref<1x288x128xf32, #tpu.memory_space<vmem>>, %arg3: memref<1x288x128xf32, #tpu.memory_space<vmem>>, %arg4: memref<1x288x128xf32, #tpu.memory_space<vmem>>, %arg5: memref<1x288x128xf32, #tpu.memory_space<vmem>>, %arg6: memref<1x2x288x128xf32, #tpu.memory_space<vmem>>, %arg7: memref<1x4x288x128xf32, #tpu.memory_space<vmem>>, %arg8: memref<288x128xf32, #tpu.memory_space<vmem>>, %arg9: memref<288x128xf32, #tpu.memory_space<vmem>>, %arg10: memref<288x128xf32, #tpu.memory_space<vmem>>, %arg11: memref<288x128xf32, #tpu.memory_space<vmem>>, %arg12: memref<1x288x128xi32, #tpu.memory_space<vmem>>, %arg13: memref<1x4x288x128xf32, #tpu.memory_space<vmem>>, %arg14: memref<1x1xf32, #tpu.memory_space<vmem>>, %arg15: memref<1x1xf32, #tpu.memory_space<vmem>>, %arg16: memref<1x1xf32, #tpu.memory_space<vmem>>) attributes {dimension_semantics = [#tpu.dimension_semantics<arbitrary>], iteration_bounds = array<i64: 4>, scalar_prefetch = 0 : i64, scratch_operands = 0 : i64, tpu.core_type = #tpu.core_type<tc>, window_params = [{transform_indices = @transform_0, window_bounds = array<i64: 1, 288, 128>}, {transform_indices = @transform_1, window_bounds = array<i64: 1, 288, 128>}, {transform_indices = @transform_2, window_bounds = array<i64: 1, 288, 128>}, {transform_indices = @transform_3, window_bounds = array<i64: 1, 288, 128>}, {transform_indices = @transform_4, window_bounds = array<i64: 1, 288, 128>}, {transform_indices = @transform_5, window_bounds = array<i64: 1, 2, 288, 128>}, {transform_indices = @transform_6, window_bounds = array<i64: 1, 4, 288, 128>}, {pipeline_mode = #tpu.pipeline_mode<synchronous>, transform_indices = @transform_7, window_bounds = array<i64: 288, 128>}, {pipeline_mode = #tpu.pipeline_mode<synchronous>, transform_indices = @transform_8, window_bounds = array<i64: 288, 128>}, {pipeline_mode = #tpu.pipeline_mode<synchronous>, transform_indices = @transform_9, window_bounds = array<i64: 288, 128>}, {pipeline_mode = #tpu.pipeline_mode<synchronous>, transform_indices = @transform_10, window_bounds = array<i64: 288, 128>}, {transform_indices = @transform_11, window_bounds = array<i64: 1, 288, 128>}, {transform_indices = @transform_12, window_bounds = array<i64: 1, 4, 288, 128>}, {pipeline_mode = #tpu.pipeline_mode<synchronous>, transform_indices = @transform_13, window_bounds = array<i64: 1, 1>}, {pipeline_mode = #tpu.pipeline_mode<synchronous>, transform_indices = @transform_14, window_bounds = array<i64: 1, 1>}, {pipeline_mode = #tpu.pipeline_mode<synchronous>, transform_indices = @transform_15, window_bounds = array<i64: 1, 1>}]} {
    %get3A = arith.constant 0 : index
    %get3A_0 = arith.constant 0 : index
    %get3A_1 = arith.constant 0 : index
    %get3A_2 = vector.load %arg1[%get3A, %get3A_0, %get3A_1] : memref<1x288x128xf32, #tpu.memory_space<vmem>>, vector<1x288x128xf32>
    %get3A_3 = vector.shape_cast %get3A_2 : vector<1x288x128xf32> to vector<288x128xf32>
    %ge3A = arith.constant 0.699999988 : f32
    %ge3A_4 = vector.broadcast %ge3A : f32 to vector<288x128xf32>
    %ge3A_5 = arith.cmpf oge, %get3A_3, %ge3A_4 : vector<288x128xf32>
    %convert_element_type3A = arith.extui %ge3A_5 : vector<288x128xi1> to vector<288x128xi32>
    %convert_element_type3A_6 = arith.sitofp %convert_element_type3A : vector<288x128xi32> to vector<288x128xf32>
    %convert_element_type3A_7 = arith.extui %ge3A_5 : vector<288x128xi1> to vector<288x128xi32>
    %swap3A = arith.constant 0 : index
    %swap3A_8 = arith.constant 0 : index
    %swap3A_9 = arith.constant 0 : index
    %swap3A_10 = vector.load %arg12[%swap3A, %swap3A_8, %swap3A_9] : memref<1x288x128xi32, #tpu.memory_space<vmem>>, vector<1x288x128xi32>
    %swap3A_11 = vector.shape_cast %swap3A_10 : vector<1x288x128xi32> to vector<288x128xi32>
    %swap3A_12 = vector.shape_cast %convert_element_type3A_7 : vector<288x128xi32> to vector<1x288x128xi32>
    tpu.vector_store %arg12[%swap3A, %swap3A_8, %swap3A_9], %swap3A_12 {strides = array<i32>} : memref<1x288x128xi32, #tpu.memory_space<vmem>>, vector<1x288x128xi32>,
    %get3A_13 = arith.constant 0 : index
    %get3A_14 = arith.constant 0 : index
    %get3A_15 = vector.load %arg8[%get3A_13, %get3A_14] : memref<288x128xf32, #tpu.memory_space<vmem>>, vector<288x128xf32>
    %get3A_16 = arith.constant 0 : index
    %get3A_17 = arith.constant 0 : index
    %get3A_18 = vector.load %arg9[%get3A_16, %get3A_17] : memref<288x128xf32, #tpu.memory_space<vmem>>, vector<288x128xf32>
    %get3A_19 = arith.constant 0 : index
    %get3A_20 = arith.constant 0 : index
    %get3A_21 = vector.load %arg10[%get3A_19, %get3A_20] : memref<288x128xf32, #tpu.memory_space<vmem>>, vector<288x128xf32>
    %get3A_22 = arith.constant 0 : index
    %get3A_23 = arith.constant 0 : index
    %get3A_24 = vector.load %arg11[%get3A_22, %get3A_23] : memref<288x128xf32, #tpu.memory_space<vmem>>, vector<288x128xf32>
    %sub3A = arith.subf %get3A_21, %get3A_15 : vector<288x128xf32>
    %add3A = arith.constant 1.000000e+00 : f32
    %add3A_25 = vector.broadcast %add3A : f32 to vector<288x128xf32>
    %add3A_26 = arith.addf %sub3A, %add3A_25 : vector<288x128xf32>
    %sub3A_27 = arith.subf %get3A_24, %get3A_18 : vector<288x128xf32>
    %add3A_28 = arith.constant 1.000000e+00 : f32
    %add3A_29 = vector.broadcast %add3A_28 : f32 to vector<288x128xf32>
    %add3A_30 = arith.addf %sub3A_27, %add3A_29 : vector<288x128xf32>
    %mul3A = arith.constant 5.000000e-01 : f32
    %mul3A_31 = vector.broadcast %mul3A : f32 to vector<288x128xf32>
    %mul3A_32 = arith.mulf %mul3A_31, %add3A_26 : vector<288x128xf32>
    %add3A_33 = arith.addf %get3A_15, %mul3A_32 : vector<288x128xf32>
    %mul3A_34 = arith.constant 5.000000e-01 : f32
    %mul3A_35 = vector.broadcast %mul3A_34 : f32 to vector<288x128xf32>
    %mul3A_36 = arith.mulf %mul3A_35, %add3A_30 : vector<288x128xf32>
    %add3A_37 = arith.addf %get3A_18, %mul3A_36 : vector<288x128xf32>
    %get3A_38 = arith.constant 0 : index
    %get3A_39 = arith.constant 0 : index
    %get3A_40 = arith.constant 0 : index
    %get3A_41 = vector.load %arg2[%get3A_38, %get3A_39, %get3A_40] : memref<1x288x128xf32, #tpu.memory_space<vmem>>, vector<1x288x128xf32>
    %get3A_42 = vector.shape_cast %get3A_41 : vector<1x288x128xf32> to vector<288x128xf32>
    %get3A_43 = arith.constant 0 : index
    %get3A_44 = arith.constant 0 : index
    %get3A_45 = arith.constant 0 : index
    %get3A_46 = vector.load %arg3[%get3A_43, %get3A_44, %get3A_45] : memref<1x288x128xf32, #tpu.memory_space<vmem>>, vector<1x288x128xf32>
    %get3A_47 = vector.shape_cast %get3A_46 : vector<1x288x128xf32> to vector<288x128xf32>
    %get3A_48 = arith.constant 0 : index
    %get3A_49 = arith.constant 0 : index
    %get3A_50 = arith.constant 0 : index
    %get3A_51 = vector.load %arg4[%get3A_48, %get3A_49, %get3A_50] : memref<1x288x128xf32, #tpu.memory_space<vmem>>, vector<1x288x128xf32>
    %get3A_52 = vector.shape_cast %get3A_51 : vector<1x288x128xf32> to vector<288x128xf32>
    %get3A_53 = arith.constant 0 : index
    %get3A_54 = arith.constant 0 : index
    %get3A_55 = arith.constant 0 : index
    %get3A_56 = vector.load %arg5[%get3A_53, %get3A_54, %get3A_55] : memref<1x288x128xf32, #tpu.memory_space<vmem>>, vector<1x288x128xf32>
    %get3A_57 = vector.shape_cast %get3A_56 : vector<1x288x128xf32> to vector<288x128xf32>
    %sub3A_58 = arith.subf %get3A_52, %get3A_42 : vector<288x128xf32>
    %add3A_59 = arith.constant 1.000000e+00 : f32
    %add3A_60 = vector.broadcast %add3A_59 : f32 to vector<288x128xf32>
    %add3A_61 = arith.addf %sub3A_58, %add3A_60 : vector<288x128xf32>
    %sub3A_62 = arith.subf %get3A_57, %get3A_47 : vector<288x128xf32>
    %add3A_63 = arith.constant 1.000000e+00 : f32
    %add3A_64 = vector.broadcast %add3A_63 : f32 to vector<288x128xf32>
    %add3A_65 = arith.addf %sub3A_62, %add3A_64 : vector<288x128xf32>
    %mul3A_66 = arith.constant 5.000000e-01 : f32
    %mul3A_67 = vector.broadcast %mul3A_66 : f32 to vector<288x128xf32>
    %mul3A_68 = arith.mulf %mul3A_67, %add3A_61 : vector<288x128xf32>
    %add3A_69 = arith.addf %get3A_42, %mul3A_68 : vector<288x128xf32>
    %mul3A_70 = arith.constant 5.000000e-01 : f32
    %mul3A_71 = vector.broadcast %mul3A_70 : f32 to vector<288x128xf32>
    %mul3A_72 = arith.mulf %mul3A_71, %add3A_65 : vector<288x128xf32>
    %add3A_73 = arith.addf %get3A_47, %mul3A_72 : vector<288x128xf32>
    %sub3A_74 = arith.subf %add3A_69, %add3A_33 : vector<288x128xf32>
    %div3A = arith.divf %sub3A_74, %add3A_26 : vector<288x128xf32>
    %sub3A_75 = arith.subf %add3A_73, %add3A_37 : vector<288x128xf32>
    %div3A_76 = arith.divf %sub3A_75, %add3A_30 : vector<288x128xf32>
    %div3A_77 = arith.divf %add3A_61, %add3A_26 : vector<288x128xf32>
    %log3A = math.log %div3A_77 : vector<288x128xf32>
    %div3A_78 = arith.divf %add3A_65, %add3A_30 : vector<288x128xf32>
    %log3A_79 = math.log %div3A_78 : vector<288x128xf32>
    %swap3A_80 = arith.constant 0 : index
    %swap3A_81 = arith.constant 0 : index
    %swap3A_82 = arith.constant 0 : index
    %swap3A_83 = arith.constant 0 : index
    %swap3A_84 = vector.load %arg13[%swap3A_80, %swap3A_81, %swap3A_82, %swap3A_83] : memref<1x4x288x128xf32, #tpu.memory_space<vmem>>, vector<1x1x288x128xf32>
    %swap3A_85 = vector.shape_cast %swap3A_84 : vector<1x1x288x128xf32> to vector<288x128xf32>
    %swap3A_86 = vector.shape_cast %div3A : vector<288x128xf32> to vector<1x1x288x128xf32>
    tpu.vector_store %arg13[%swap3A_80, %swap3A_81, %swap3A_82, %swap3A_83], %swap3A_86 {strides = array<i32>} : memref<1x4x288x128xf32, #tpu.memory_space<vmem>>, vector<1x1x288x128xf32>,
    %swap3A_87 = arith.constant 0 : index
    %swap3A_88 = arith.constant 1 : index
    %swap3A_89 = arith.constant 0 : index
    %swap3A_90 = arith.constant 0 : index
    %swap3A_91 = vector.load %arg13[%swap3A_87, %swap3A_88, %swap3A_89, %swap3A_90] : memref<1x4x288x128xf32, #tpu.memory_space<vmem>>, vector<1x1x288x128xf32>
    %swap3A_92 = vector.shape_cast %swap3A_91 : vector<1x1x288x128xf32> to vector<288x128xf32>
    %swap3A_93 = vector.shape_cast %div3A_76 : vector<288x128xf32> to vector<1x1x288x128xf32>
    tpu.vector_store %arg13[%swap3A_87, %swap3A_88, %swap3A_89, %swap3A_90], %swap3A_93 {strides = array<i32>} : memref<1x4x288x128xf32, #tpu.memory_space<vmem>>, vector<1x1x288x128xf32>,
    %swap3A_94 = arith.constant 0 : index
    %swap3A_95 = arith.constant 2 : index
    %swap3A_96 = arith.constant 0 : index
    %swap3A_97 = arith.constant 0 : index
    %swap3A_98 = vector.load %arg13[%swap3A_94, %swap3A_95, %swap3A_96, %swap3A_97] : memref<1x4x288x128xf32, #tpu.memory_space<vmem>>, vector<1x1x288x128xf32>
    %swap3A_99 = vector.shape_cast %swap3A_98 : vector<1x1x288x128xf32> to vector<288x128xf32>
    %swap3A_100 = vector.shape_cast %log3A : vector<288x128xf32> to vector<1x1x288x128xf32>
    tpu.vector_store %arg13[%swap3A_94, %swap3A_95, %swap3A_96, %swap3A_97], %swap3A_100 {strides = array<i32>} : memref<1x4x288x128xf32, #tpu.memory_space<vmem>>, vector<1x1x288x128xf32>,
    %swap3A_101 = arith.constant 0 : index
    %swap3A_102 = arith.constant 3 : index
    %swap3A_103 = arith.constant 0 : index
    %swap3A_104 = arith.constant 0 : index
    %swap3A_105 = vector.load %arg13[%swap3A_101, %swap3A_102, %swap3A_103, %swap3A_104] : memref<1x4x288x128xf32, #tpu.memory_space<vmem>>, vector<1x1x288x128xf32>
    %swap3A_106 = vector.shape_cast %swap3A_105 : vector<1x1x288x128xf32> to vector<288x128xf32>
    %swap3A_107 = vector.shape_cast %log3A_79 : vector<288x128xf32> to vector<1x1x288x128xf32>
    tpu.vector_store %arg13[%swap3A_101, %swap3A_102, %swap3A_103, %swap3A_104], %swap3A_107 {strides = array<i32>} : memref<1x4x288x128xf32, #tpu.memory_space<vmem>>, vector<1x1x288x128xf32>,
    %get3A_108 = arith.constant 0 : index
    %get3A_109 = arith.constant 0 : index
    %get3A_110 = arith.constant 0 : index
    %get3A_111 = arith.constant 0 : index
    %get3A_112 = vector.load %arg6[%get3A_108, %get3A_109, %get3A_110, %get3A_111] : memref<1x2x288x128xf32, #tpu.memory_space<vmem>>, vector<1x1x288x128xf32>
    %get3A_113 = vector.shape_cast %get3A_112 : vector<1x1x288x128xf32> to vector<288x128xf32>
    %get3A_114 = arith.constant 0 : index
    %get3A_115 = arith.constant 1 : index
    %get3A_116 = arith.constant 0 : index
    %get3A_117 = arith.constant 0 : index
    %get3A_118 = vector.load %arg6[%get3A_114, %get3A_115, %get3A_116, %get3A_117] : memref<1x2x288x128xf32, #tpu.memory_space<vmem>>, vector<1x1x288x128xf32>
    %get3A_119 = vector.shape_cast %get3A_118 : vector<1x1x288x128xf32> to vector<288x128xf32>
    %max3A = arith.maximumf %get3A_113, %get3A_119 : vector<288x128xf32>
    %sub3A_120 = arith.subf %get3A_113, %max3A : vector<288x128xf32>
    %exp3A = math.exp %sub3A_120 : vector<288x128xf32>
    %sub3A_121 = arith.subf %get3A_119, %max3A : vector<288x128xf32>
    %exp3A_122 = math.exp %sub3A_121 : vector<288x128xf32>
    %add3A_123 = arith.addf %exp3A, %exp3A_122 : vector<288x128xf32>
    %log3A_124 = math.log %add3A_123 : vector<288x128xf32>
    %add3A_125 = arith.addf %max3A, %log3A_124 : vector<288x128xf32>
    %select_n3A = arith.select %ge3A_5, %get3A_119, %get3A_113 : vector<288x128xi1>, vector<288x128xf32>
    %sub3A_126 = arith.subf %add3A_125, %select_n3A : vector<288x128xf32>
    %reduce_sum3A = vector.shape_cast %sub3A_126 : vector<288x128xf32> to vector<1x288x128xf32>
    %reduce_sum3A_127 = arith.constant dense<0.000000e+00> : vector<1xf32>
    %reduce_sum3A_128 = vector.multi_reduction <add>, %reduce_sum3A, %reduce_sum3A_127 [1, 2] : vector<1x288x128xf32> to vector<1xf32>
    %reduce_sum3A_129 = vector.shape_cast %reduce_sum3A_128 : vector<1xf32> to vector<1x1x1xf32>
    %reduce_sum3A_130 = vector.extract %reduce_sum3A_129[0, 0, 0] : f32 from vector<1x1x1xf32>
    %broadcast_in_dim3A = vector.broadcast %reduce_sum3A_130 : f32 to vector<1x1xf32>
    %get3A_131 = arith.constant 0 : index
    %get3A_132 = arith.constant 0 : index
    %get3A_133 = arith.constant 0 : index
    %get3A_134 = arith.constant 0 : index
    %get3A_135 = vector.load %arg7[%get3A_131, %get3A_132, %get3A_133, %get3A_134] : memref<1x4x288x128xf32, #tpu.memory_space<vmem>>, vector<1x1x288x128xf32>
    %get3A_136 = vector.shape_cast %get3A_135 : vector<1x1x288x128xf32> to vector<288x128xf32>
    %sub3A_137 = arith.subf %get3A_136, %div3A : vector<288x128xf32>
    %abs3A = math.absf %sub3A_137 : vector<288x128xf32>
    %lt3A = arith.constant 1.000000e+00 : f32
    %lt3A_138 = vector.broadcast %lt3A : f32 to vector<288x128xf32>
    %lt3A_139 = arith.cmpf olt, %abs3A, %lt3A_138 : vector<288x128xf32>
    %mul3A_140 = arith.constant 5.000000e-01 : f32
    %mul3A_141 = vector.broadcast %mul3A_140 : f32 to vector<288x128xf32>
    %mul3A_142 = arith.mulf %mul3A_141, %sub3A_137 : vector<288x128xf32>
    %mul3A_143 = arith.mulf %mul3A_142, %sub3A_137 : vector<288x128xf32>
    %sub3A_144 = arith.constant 5.000000e-01 : f32
    %sub3A_145 = vector.broadcast %sub3A_144 : f32 to vector<288x128xf32>
    %sub3A_146 = arith.subf %abs3A, %sub3A_145 : vector<288x128xf32>
    %select_n3A_147 = arith.select %lt3A_139, %mul3A_143, %sub3A_146 : vector<288x128xi1>, vector<288x128xf32>
    %get3A_148 = arith.constant 0 : index
    %get3A_149 = arith.constant 1 : index
    %get3A_150 = arith.constant 0 : index
    %get3A_151 = arith.constant 0 : index
    %get3A_152 = vector.load %arg7[%get3A_148, %get3A_149, %get3A_150, %get3A_151] : memref<1x4x288x128xf32, #tpu.memory_space<vmem>>, vector<1x1x288x128xf32>
    %get3A_153 = vector.shape_cast %get3A_152 : vector<1x1x288x128xf32> to vector<288x128xf32>
    %sub3A_154 = arith.subf %get3A_153, %div3A_76 : vector<288x128xf32>
    %abs3A_155 = math.absf %sub3A_154 : vector<288x128xf32>
    %lt3A_156 = arith.constant 1.000000e+00 : f32
    %lt3A_157 = vector.broadcast %lt3A_156 : f32 to vector<288x128xf32>
    %lt3A_158 = arith.cmpf olt, %abs3A_155, %lt3A_157 : vector<288x128xf32>
    %mul3A_159 = arith.constant 5.000000e-01 : f32
    %mul3A_160 = vector.broadcast %mul3A_159 : f32 to vector<288x128xf32>
    %mul3A_161 = arith.mulf %mul3A_160, %sub3A_154 : vector<288x128xf32>
    %mul3A_162 = arith.mulf %mul3A_161, %sub3A_154 : vector<288x128xf32>
    %sub3A_163 = arith.constant 5.000000e-01 : f32
    %sub3A_164 = vector.broadcast %sub3A_163 : f32 to vector<288x128xf32>
    %sub3A_165 = arith.subf %abs3A_155, %sub3A_164 : vector<288x128xf32>
    %select_n3A_166 = arith.select %lt3A_158, %mul3A_162, %sub3A_165 : vector<288x128xi1>, vector<288x128xf32>
    %add3A_167 = arith.addf %select_n3A_147, %select_n3A_166 : vector<288x128xf32>
    %get3A_168 = arith.constant 0 : index
    %get3A_169 = arith.constant 2 : index
    %get3A_170 = arith.constant 0 : index
    %get3A_171 = arith.constant 0 : index
    %get3A_172 = vector.load %arg7[%get3A_168, %get3A_169, %get3A_170, %get3A_171] : memref<1x4x288x128xf32, #tpu.memory_space<vmem>>, vector<1x1x288x128xf32>
    %get3A_173 = vector.shape_cast %get3A_172 : vector<1x1x288x128xf32> to vector<288x128xf32>
    %sub3A_174 = arith.subf %get3A_173, %log3A : vector<288x128xf32>
    %abs3A_175 = math.absf %sub3A_174 : vector<288x128xf32>
    %lt3A_176 = arith.constant 1.000000e+00 : f32
    %lt3A_177 = vector.broadcast %lt3A_176 : f32 to vector<288x128xf32>
    %lt3A_178 = arith.cmpf olt, %abs3A_175, %lt3A_177 : vector<288x128xf32>
    %mul3A_179 = arith.constant 5.000000e-01 : f32
    %mul3A_180 = vector.broadcast %mul3A_179 : f32 to vector<288x128xf32>
    %mul3A_181 = arith.mulf %mul3A_180, %sub3A_174 : vector<288x128xf32>
    %mul3A_182 = arith.mulf %mul3A_181, %sub3A_174 : vector<288x128xf32>
    %sub3A_183 = arith.constant 5.000000e-01 : f32
    %sub3A_184 = vector.broadcast %sub3A_183 : f32 to vector<288x128xf32>
    %sub3A_185 = arith.subf %abs3A_175, %sub3A_184 : vector<288x128xf32>
    %select_n3A_186 = arith.select %lt3A_178, %mul3A_182, %sub3A_185 : vector<288x128xi1>, vector<288x128xf32>
    %add3A_187 = arith.addf %add3A_167, %select_n3A_186 : vector<288x128xf32>
    %get3A_188 = arith.constant 0 : index
    %get3A_189 = arith.constant 3 : index
    %get3A_190 = arith.constant 0 : index
    %get3A_191 = arith.constant 0 : index
    %get3A_192 = vector.load %arg7[%get3A_188, %get3A_189, %get3A_190, %get3A_191] : memref<1x4x288x128xf32, #tpu.memory_space<vmem>>, vector<1x1x288x128xf32>
    %get3A_193 = vector.shape_cast %get3A_192 : vector<1x1x288x128xf32> to vector<288x128xf32>
    %sub3A_194 = arith.subf %get3A_193, %log3A_79 : vector<288x128xf32>
    %abs3A_195 = math.absf %sub3A_194 : vector<288x128xf32>
    %lt3A_196 = arith.constant 1.000000e+00 : f32
    %lt3A_197 = vector.broadcast %lt3A_196 : f32 to vector<288x128xf32>
    %lt3A_198 = arith.cmpf olt, %abs3A_195, %lt3A_197 : vector<288x128xf32>
    %mul3A_199 = arith.constant 5.000000e-01 : f32
    %mul3A_200 = vector.broadcast %mul3A_199 : f32 to vector<288x128xf32>
    %mul3A_201 = arith.mulf %mul3A_200, %sub3A_194 : vector<288x128xf32>
    %mul3A_202 = arith.mulf %mul3A_201, %sub3A_194 : vector<288x128xf32>
    %sub3A_203 = arith.constant 5.000000e-01 : f32
    %sub3A_204 = vector.broadcast %sub3A_203 : f32 to vector<288x128xf32>
    %sub3A_205 = arith.subf %abs3A_195, %sub3A_204 : vector<288x128xf32>
    %select_n3A_206 = arith.select %lt3A_198, %mul3A_202, %sub3A_205 : vector<288x128xi1>, vector<288x128xf32>
    %add3A_207 = arith.addf %add3A_187, %select_n3A_206 : vector<288x128xf32>
    %mul3A_208 = arith.mulf %add3A_207, %convert_element_type3A_6 : vector<288x128xf32>
    %reduce_sum3A_209 = vector.shape_cast %mul3A_208 : vector<288x128xf32> to vector<1x288x128xf32>
    %reduce_sum3A_210 = arith.constant dense<0.000000e+00> : vector<1xf32>
    %reduce_sum3A_211 = vector.multi_reduction <add>, %reduce_sum3A_209, %reduce_sum3A_210 [1, 2] : vector<1x288x128xf32> to vector<1xf32>
    %reduce_sum3A_212 = vector.shape_cast %reduce_sum3A_211 : vector<1xf32> to vector<1x1x1xf32>
    %reduce_sum3A_213 = vector.extract %reduce_sum3A_212[0, 0, 0] : f32 from vector<1x1x1xf32>
    %broadcast_in_dim3A_214 = vector.broadcast %reduce_sum3A_213 : f32 to vector<1x1xf32>
    %reduce_sum3A_215 = vector.shape_cast %convert_element_type3A_6 : vector<288x128xf32> to vector<1x288x128xf32>
    %reduce_sum3A_216 = arith.constant dense<0.000000e+00> : vector<1xf32>
    %reduce_sum3A_217 = vector.multi_reduction <add>, %reduce_sum3A_215, %reduce_sum3A_216 [1, 2] : vector<1x288x128xf32> to vector<1xf32>
    %reduce_sum3A_218 = vector.shape_cast %reduce_sum3A_217 : vector<1xf32> to vector<1x1x1xf32>
    %reduce_sum3A_219 = vector.extract %reduce_sum3A_218[0, 0, 0] : f32 from vector<1x1x1xf32>
    %broadcast_in_dim3A_220 = vector.broadcast %reduce_sum3A_219 : f32 to vector<1x1xf32>
    %eq3A = arith.constant 0 : i32
    %eq3A_221 = arith.cmpi eq, %arg0, %eq3A : i32
    %convert_element_type3A_222 = arith.extui %eq3A_221 : i1 to i32
    %cond3A = arith.constant 0 : i32
    %cond3A_223 = arith.cmpi ne, %convert_element_type3A_222, %cond3A : i32
    scf.if %cond3A_223 {
      %broadcast_in_dim3A_245 = arith.constant 0.000000e+00 : f32
      %broadcast_in_dim3A_246 = vector.broadcast %broadcast_in_dim3A_245 : f32 to vector<1x1xf32>
      %swap3A_247 = arith.constant 0 : index
      %swap3A_248 = arith.constant 0 : index
      %swap3A_249 = vector.load %arg14[%swap3A_247, %swap3A_248] : memref<1x1xf32, #tpu.memory_space<vmem>>, vector<1x1xf32>
      tpu.vector_store %arg14[%swap3A_247, %swap3A_248], %broadcast_in_dim3A_246 {strides = array<i32>} : memref<1x1xf32, #tpu.memory_space<vmem>>, vector<1x1xf32>,
      %broadcast_in_dim3A_250 = arith.constant 0.000000e+00 : f32
      %broadcast_in_dim3A_251 = vector.broadcast %broadcast_in_dim3A_250 : f32 to vector<1x1xf32>
      %swap3A_252 = arith.constant 0 : index
      %swap3A_253 = arith.constant 0 : index
      %swap3A_254 = vector.load %arg15[%swap3A_252, %swap3A_253] : memref<1x1xf32, #tpu.memory_space<vmem>>, vector<1x1xf32>
      tpu.vector_store %arg15[%swap3A_252, %swap3A_253], %broadcast_in_dim3A_251 {strides = array<i32>} : memref<1x1xf32, #tpu.memory_space<vmem>>, vector<1x1xf32>,
      %broadcast_in_dim3A_255 = arith.constant 0.000000e+00 : f32
      %broadcast_in_dim3A_256 = vector.broadcast %broadcast_in_dim3A_255 : f32 to vector<1x1xf32>
      %swap3A_257 = arith.constant 0 : index
      %swap3A_258 = arith.constant 0 : index
      %swap3A_259 = vector.load %arg16[%swap3A_257, %swap3A_258] : memref<1x1xf32, #tpu.memory_space<vmem>>, vector<1x1xf32>
      tpu.vector_store %arg16[%swap3A_257, %swap3A_258], %broadcast_in_dim3A_256 {strides = array<i32>} : memref<1x1xf32, #tpu.memory_space<vmem>>, vector<1x1xf32>,
    } else {
    }
    %get3A_224 = arith.constant 0 : index
    %get3A_225 = arith.constant 0 : index
    %get3A_226 = vector.load %arg14[%get3A_224, %get3A_225] : memref<1x1xf32, #tpu.memory_space<vmem>>, vector<1x1xf32>
    %add3A_227 = arith.addf %get3A_226, %broadcast_in_dim3A : vector<1x1xf32>
    %swap3A_228 = arith.constant 0 : index
    %swap3A_229 = arith.constant 0 : index
    %swap3A_230 = vector.load %arg14[%swap3A_228, %swap3A_229] : memref<1x1xf32, #tpu.memory_space<vmem>>, vector<1x1xf32>
    tpu.vector_store %arg14[%swap3A_228, %swap3A_229], %add3A_227 {strides = array<i32>} : memref<1x1xf32, #tpu.memory_space<vmem>>, vector<1x1xf32>,
    %get3A_231 = arith.constant 0 : index
    %get3A_232 = arith.constant 0 : index
    %get3A_233 = vector.load %arg15[%get3A_231, %get3A_232] : memref<1x1xf32, #tpu.memory_space<vmem>>, vector<1x1xf32>
    %add3A_234 = arith.addf %get3A_233, %broadcast_in_dim3A_214 : vector<1x1xf32>
    %swap3A_235 = arith.constant 0 : index
    %swap3A_236 = arith.constant 0 : index
    %swap3A_237 = vector.load %arg15[%swap3A_235, %swap3A_236] : memref<1x1xf32, #tpu.memory_space<vmem>>, vector<1x1xf32>
    tpu.vector_store %arg15[%swap3A_235, %swap3A_236], %add3A_234 {strides = array<i32>} : memref<1x1xf32, #tpu.memory_space<vmem>>, vector<1x1xf32>,
    %get3A_238 = arith.constant 0 : index
    %get3A_239 = arith.constant 0 : index
    %get3A_240 = vector.load %arg16[%get3A_238, %get3A_239] : memref<1x1xf32, #tpu.memory_space<vmem>>, vector<1x1xf32>
    %add3A_241 = arith.addf %get3A_240, %broadcast_in_dim3A_220 : vector<1x1xf32>
    %swap3A_242 = arith.constant 0 : index
    %swap3A_243 = arith.constant 0 : index
    %swap3A_244 = vector.load %arg16[%swap3A_242, %swap3A_243] : memref<1x1xf32, #tpu.memory_space<vmem>>, vector<1x1xf32>
    tpu.vector_store %arg16[%swap3A_242, %swap3A_243], %add3A_241 {strides = array<i32>} : memref<1x1xf32, #tpu.memory_space<vmem>>, vector<1x1xf32>,
    return
  }
  func.func @transform_0(%arg0: i32) -> (i32, i32, i32) {
    %c0_i32 = arith.constant 0 : i32
    %c0_i32_0 = arith.constant 0 : i32
    %c0_i32_1 = arith.constant 0 : i32
    return %arg0, %c0_i32, %c0_i32_0 : i32, i32, i32
  }
  func.func @transform_1(%arg0: i32) -> (i32, i32, i32) {
    %c0_i32 = arith.constant 0 : i32
    %c0_i32_0 = arith.constant 0 : i32
    %c0_i32_1 = arith.constant 0 : i32
    return %arg0, %c0_i32, %c0_i32_0 : i32, i32, i32
  }
  func.func @transform_2(%arg0: i32) -> (i32, i32, i32) {
    %c0_i32 = arith.constant 0 : i32
    %c0_i32_0 = arith.constant 0 : i32
    %c0_i32_1 = arith.constant 0 : i32
    return %arg0, %c0_i32, %c0_i32_0 : i32, i32, i32
  }
  func.func @transform_3(%arg0: i32) -> (i32, i32, i32) {
    %c0_i32 = arith.constant 0 : i32
    %c0_i32_0 = arith.constant 0 : i32
    %c0_i32_1 = arith.constant 0 : i32
    return %arg0, %c0_i32, %c0_i32_0 : i32, i32, i32
  }
  func.func @transform_4(%arg0: i32) -> (i32, i32, i32) {
    %c0_i32 = arith.constant 0 : i32
    %c0_i32_0 = arith.constant 0 : i32
    %c0_i32_1 = arith.constant 0 : i32
    return %arg0, %c0_i32, %c0_i32_0 : i32, i32, i32
  }
  func.func @transform_5(%arg0: i32) -> (i32, i32, i32, i32) {
    %c0_i32 = arith.constant 0 : i32
    %c0_i32_0 = arith.constant 0 : i32
    %c0_i32_1 = arith.constant 0 : i32
    %c0_i32_2 = arith.constant 0 : i32
    return %arg0, %c0_i32, %c0_i32_0, %c0_i32_1 : i32, i32, i32, i32
  }
  func.func @transform_6(%arg0: i32) -> (i32, i32, i32, i32) {
    %c0_i32 = arith.constant 0 : i32
    %c0_i32_0 = arith.constant 0 : i32
    %c0_i32_1 = arith.constant 0 : i32
    %c0_i32_2 = arith.constant 0 : i32
    return %arg0, %c0_i32, %c0_i32_0, %c0_i32_1 : i32, i32, i32, i32
  }
  func.func @transform_7(%arg0: i32) -> (i32, i32) {
    %c0_i32 = arith.constant 0 : i32
    %c0_i32_0 = arith.constant 0 : i32
    %c0_i32_1 = arith.constant 0 : i32
    return %c0_i32, %c0_i32_0 : i32, i32
  }
  func.func @transform_8(%arg0: i32) -> (i32, i32) {
    %c0_i32 = arith.constant 0 : i32
    %c0_i32_0 = arith.constant 0 : i32
    %c0_i32_1 = arith.constant 0 : i32
    return %c0_i32, %c0_i32_0 : i32, i32
  }
  func.func @transform_9(%arg0: i32) -> (i32, i32) {
    %c0_i32 = arith.constant 0 : i32
    %c0_i32_0 = arith.constant 0 : i32
    %c0_i32_1 = arith.constant 0 : i32
    return %c0_i32, %c0_i32_0 : i32, i32
  }
  func.func @transform_10(%arg0: i32) -> (i32, i32) {
    %c0_i32 = arith.constant 0 : i32
    %c0_i32_0 = arith.constant 0 : i32
    %c0_i32_1 = arith.constant 0 : i32
    return %c0_i32, %c0_i32_0 : i32, i32
  }
  func.func @transform_11(%arg0: i32) -> (i32, i32, i32) {
    %c0_i32 = arith.constant 0 : i32
    %c0_i32_0 = arith.constant 0 : i32
    %c0_i32_1 = arith.constant 0 : i32
    return %arg0, %c0_i32, %c0_i32_0 : i32, i32, i32
  }
  func.func @transform_12(%arg0: i32) -> (i32, i32, i32, i32) {
    %c0_i32 = arith.constant 0 : i32
    %c0_i32_0 = arith.constant 0 : i32
    %c0_i32_1 = arith.constant 0 : i32
    %c0_i32_2 = arith.constant 0 : i32
    return %arg0, %c0_i32, %c0_i32_0, %c0_i32_1 : i32, i32, i32, i32
  }
  func.func @transform_13(%arg0: i32) -> (i32, i32) {
    %c0_i32 = arith.constant 0 : i32
    %c0_i32_0 = arith.constant 0 : i32
    %c0_i32_1 = arith.constant 0 : i32
    return %c0_i32, %c0_i32_0 : i32, i32
  }
  func.func @transform_14(%arg0: i32) -> (i32, i32) {
    %c0_i32 = arith.constant 0 : i32
    %c0_i32_0 = arith.constant 0 : i32
    %c0_i32_1 = arith.constant 0 : i32
    return %c0_i32, %c0_i32_0 : i32, i32
  }
  func.func @transform_15(%arg0: i32) -> (i32, i32) {
    %c0_i32 = arith.constant 0 : i32
    %c0_i32_0 = arith.constant 0 : i32
    %c0_i32_1 = arith.constant 0 : i32
    return %c0_i32, %c0_i32_0 : i32, i32
  }
}

</mosaic_0001>

<sc_bundles>
// kernel: kernel.4.cloned.1.call-start
scs
__scs_entry_jumppad:
0x0: {  	(pc) =	sbr.rel $0x88, $3  }
0x1: {  	(tag) =	ssettag $0x0;
	lr =	simm.s32 $0x1  }
0x2: {  	[smem:$0x3F9D] =	sst lr;
	_ =	strace $0xD0000000  }
0x3: {  	_ = 	snop  }
0x4: {  	_ = 	snop  }
0x5: {  	_ = 	snop  }
0x6: {  	_ = 	snop  }
0x7: {  	_ = 	snop  }
__scs_overlays_trampoline_lowered:
0x8: {  	[smem:$0x3FAC] =	sst s0  }
0x9: {  	[smem:$0x3FAD] =	sst s1  }
0xa: {  	[smem:$0x3FAE] =	sst s2  }
0xb: {  	[smem:$0x3FAF] =	sst s3  }
0xc: {  	[smem:$0x3FB0] =	sst s4  }
0xd: {  	[smem:$0x3FB1] =	sst s5  }
0xe: {  	[smem:$0x3FB2] =	sst s6  }
0xf: {  	[smem:$0x3FB3] =	sst s7  }
0x10: {  	[smem:$0x3FB4] =	sst s8  }
0x11: {  	[smem:$0x3FB5] =	sst s9;
	s0 =	simm.s32 @!p0 $0x0  }
0x12: {  	s1 =	sld [smem:$0x3F9B];
	s0 =	simm.s32 @p0 $0x1  }
0x13: {  	[smem:$0x3FB6] =	sst s0;
	s0 =	simm.s32 @!p1 $0x0  }
0x14: {  	s2 =	sld [smem:$0x3F9A];
	s0 =	simm.s32 @p1 $0x1  }
0x15: {  	[smem:$0x3FB7] =	sst s0;
	s0 =	simm.s32 @!p2 $0x0  }
0x16: {  	s3 =	sld [smem:$0x3FDB];
	s0 =	simm.s32 @p2 $0x1  }
0x17: {  	s4 =	simm.s32 $0x1BF5;
	[smem:$0x3FB9] =	sst s0  }
0x18: {  	s0 =	sld [smem:$0x3F9C];
	_ =	swait.ge [sflag:s4], $0x0  }
0x19: {  	s7 =	sld [smem:$0x3F9D]  }
0x1a: {  	s8 =	sadd.s32 $0xFFFFE003, lr  }
0x1b: {  	s9 =	sadd.s32 $0xFFFFFEF7, lr;
	s5 =	simm.s32 $0xFFFFFFFF;
	p2 =	slt.u32 s8, $0xFFFFF086  }
0x1c: {  	p1 =	slt.u32 s9, $0xF7A;
	s5 =	simm.s32 @!p2 $0x0  }
0x1d: {  	s5 =	simm.s32 @p1 $0x1;
	p0 =	seq.s32 s7, s2  }
0x1e: {  	s7 =	smul.u32 @!p0 $0xF7A, s2;
	p2 =	seq.s32 @!p0 s5, $0x0  }
0x1f: {  	s9 =	smul.u32 $0xF7A, s1;
	s8 =	simm.s32 @!p0 $0x1BF5;
	p2 =	por !p2, p0  }
0x20: {  	[sflag:s8] =	ssyncset.s32 @!p0 $0xFFFFF086;
	s6 =	sadd.s32 @!p0 s3, s7;
	s7 =	simm.s32 @!p0 $0x108  }
0x21: {  	s3 =	sadd.s32 s3, s9;
	s6 =	sadd.s32 @!p0 $0x88, s6;
	s7 =	simm.s32 @p2 $0x1082  }
0x22: {  	[simem:s7], [sflag:s8] =	dma.local @!p0 [hbm:s6], $0xF7A  }
0x23: {  	s9 =	sor.u32 $0xD0000000, s2;
	s6 =	simm.s32 $0x108;
	_ =	swait.ge @!p0 [sflag:s8], $0x0  }
0x24: {  	s3 =	sadd.s32 $0x88, s3;
	s6 =	simm.s32 @!p1 $0x1082;
	[sflag:s4] =	ssyncset.s32 $0xFFFFF086  }
0x25: {  	[simem:s6], [sflag:s4] =	dma.local [hbm:s3], $0xF7A  }
0x26: {  	[smem:$0x3F9D] =	sst s1;
	(tag) =	ssettag s2;
	_ =	strace s9  }
0x27: {  	s1 =	sld [smem:$0x3FAD]  }
0x28: {  	s2 =	sld [smem:$0x3FAE]  }
0x29: {  	s4 =	sld [smem:$0x3FB0]  }
0x2a: {  	p0 =	seq.s32 s5, $0x0;
	s5 =	sld [smem:$0x3FB1]  }
0x2b: {  	s6 =	sld [smem:$0x3FB2]  }
0x2c: {  	s7 =	sld [smem:$0x3FB3]  }
0x2d: {  	s3 =	simm.s32 $0x108;
	s8 =	sld [smem:$0x3FB4]  }
0x2e: {  	s3 =	simm.s32 @!p0 $0x1082;
	s9 =	sld [smem:$0x3FB5]  }
0x2f: {  	lr =	sadd.s32 s0, s3;
	s0 =	sld [smem:$0x3FAC]  }
0x30: {  	s3 =	sld [smem:$0x3FAF]  }
0x31: {  	[smem:$0x3FB8] =	sst s10  }
0x32: {  	s10 =	sld [smem:$0x3FB6];
	_ =	sdelay $0x3  }
0x33: {  	p0 =	seq.s32 s10, $0x1;
	s10 =	sld [smem:$0x3FB8];
	_ =	sdelay $0x3  }
0x34: {  	[smem:$0x3FB8] =	sst s10  }
0x35: {  	s10 =	sld [smem:$0x3FB7];
	_ =	sdelay $0x3  }
0x36: {  	p1 =	seq.s32 s10, $0x1;
	s10 =	sld [smem:$0x3FB8];
	_ =	sdelay $0x3  }
0x37: {  	[smem:$0x3FB8] =	sst s10  }
0x38: {  	s10 =	sld [smem:$0x3FB9]  }
0x39: {  	_ = 	snop;
	(pc) =	sbr.ind lr, $3  }
0x3a: {  	_ = 	snop  }
0x3b: {  	_ = 	snop  }
0x3c: {  	p2 =	seq.s32 s10, $0x1;
	s10 =	sld [smem:$0x3FB8]  }
0x3d: {  	_ =	shalt  }
0x3e: {  	_ =	shalt  }
0x3f: {  	_ =	shalt  }
0x40: {  	_ =	shalt  }
0x41: {  	_ =	shalt  }
0x42: {  	_ =	shalt  }
0x43: {  	_ =	shalt  }
0x44: {  	_ =	shalt  }
0x45: {  	_ =	shalt  }
0x46: {  	_ =	shalt  }
0x47: {  	_ =	shalt  }
0x48: {  	_ =	shalt  }
0x49: {  	_ =	shalt  }
0x4a: {  	_ =	shalt  }
0x4b: {  	_ =	shalt  }
0x4c: {  	_ =	shalt  }
0x4d: {  	_ =	shalt  }
0x4e: {  	_ =	shalt  }
0x4f: {  	_ =	shalt  }
0x50: {  	_ =	shalt  }
0x51: {  	_ =	shalt  }
0x52: {  	_ =	shalt  }
0x53: {  	_ =	shalt  }
0x54: {  	_ =	shalt  }
0x55: {  	_ =	shalt  }
0x56: {  	_ =	shalt  }
0x57: {  	_ =	shalt  }
0x58: {  	_ =	shalt  }
0x59: {  	_ =	shalt  }
0x5a: {  	_ =	shalt  }
0x5b: {  	_ =	shalt  }
0x5c: {  	_ =	shalt  }
0x5d: {  	_ =	shalt  }
0x5e: {  	_ =	shalt  }
0x5f: {  	_ =	shalt  }
0x60: {  	_ =	shalt  }
0x61: {  	_ =	shalt  }
0x62: {  	_ =	shalt  }
0x63: {  	_ =	shalt  }
0x64: {  	_ =	shalt  }
0x65: {  	_ =	shalt  }
0x66: {  	_ =	shalt  }
0x67: {  	_ =	shalt  }
0x68: {  	_ =	shalt  }
0x69: {  	_ =	shalt  }
0x6a: {  	_ =	shalt  }
0x6b: {  	_ =	shalt  }
0x6c: {  	_ =	shalt  }
0x6d: {  	_ =	shalt  }
0x6e: {  	_ =	shalt  }
0x6f: {  	_ =	shalt  }
0x70: {  	_ =	shalt  }
0x71: {  	_ =	shalt  }
0x72: {  	_ =	shalt  }
0x73: {  	_ =	shalt  }
0x74: {  	_ =	shalt  }
0x75: {  	_ =	shalt  }
0x76: {  	_ =	shalt  }
0x77: {  	_ =	shalt  }
0x78: {  	_ =	shalt  }
0x79: {  	_ =	shalt  }
0x7a: {  	_ =	shalt  }
0x7b: {  	_ =	shalt  }
0x7c: {  	_ =	shalt  }
0x7d: {  	_ =	shalt  }
0x7e: {  	_ =	shalt  }
0x7f: {  	_ =	shalt  }
0x80: {  	_ =	shalt  }
0x81: {  	_ =	shalt  }
0x82: {  	_ =	shalt  }
0x83: {  	_ =	shalt  }
0x84: {  	_ =	shalt  }
0x85: {  	_ =	shalt  }
0x86: {  	_ =	shalt  }
0x87: {  	_ =	shalt  }
.Lfunc_end0:
.L_simem_size_0:
called_computation_lowered:
.L_overlay_start_0:
0x88: {  	s0 =	sld [smem:$0x3FD9]  }
0x89: {  	s1 =	sld [smem:$0x3FFE];
	_ =	sdelay $0x3  }
0x8a: {  	s0 =	sadd.s32 s1, s0  }
0x8b: {  	[smem:$0x3FC4] =	sst s0  }
0x8c: {  	_ = 	snop  }
0x8d: {  	s0 =	sld [smem:$0x3FD0];
	_ =	sdelay $0x2  }
0x8e: {  	s13 =	simm.s32 $0xA;
	s2 =	simm.s32 $0x10  }
0x8f: {  	[smem:s2], [sflag:s13] =	dma.local [hbm:s0], $0x1  }
0x90: {  	_ =	swait.eq [sflag:s13], $0x1  }
0x91: {  	[sflag:s13] =	ssyncset.done $0x0  }
0x92: {  	s14 =	sld [smem:$0x12];
	[sflag:s13] =	ssyncadd.s32 $0xFFFFFFFF  }
0x93: {  	s15 =	sld [smem:$0x13];
	(tm) =	ssettm $0x1  }
0x94: {  	s16 =	sld [smem:$0x3FFB];
	_ =	sdelay $0x3  }
0x95: {  	_ =	strace s16  }
0x96: {  	s2 =	sld [smem:$0x3FFC];
	_ =	sdelay $0x3  }
0x97: {  	_ =	strace s2  }
0x98: {  	s2 =	sld [smem:$0x3FFD];
	_ =	sdelay $0x3  }
0x99: {  	_ =	strace s2  }
0x9a: {  	_ =	strace $0x8FFFFFFF  }
0x9b: {  	s17 =	sld [smem:$0x3FDB];
	_ =	sdelay $0x1  }
0x9c: {  	s3 =	simm.s32 $_scs_section_size  }
0x9d: {  	s4 =	simm.s32 $_size__tile_overlayer_lowered;
	s5 =	simm.s32 $_tile_overlayer_lowered  }
0x9e: {  	s20 =	simm.s32 $0x1BFF;
	s19 =	sshll.u32 s5, $0x1;
	s2 =	sadd.s32 s3, s17  }
0x9f: {  	s6 =	simm.s32 $0x0;
	s18 =	sshll.u32 s4, $0x1;
	s4 =	sadd.s32 s19, s2  }
0xa0: {  	[timem:s6], [sflag:s20] =	dma.local [hbm:s4], s18  }
0xa1: {  	_ =	swait.ge [sflag:s20], s18  }
0xa2: {  	s3 =	ssub.s32 $0x0, s18;
	[sflag:s20] =	ssyncset.done $0x0  }
0xa3: {  	[sflag:s20] =	ssyncadd.s32 s3;
	_ =	sdelay $0x1  }
0xa4: {  	s21 =	simm.s32 $0x1B8B  }
0xa5: {  	_ =	swait.ge [sflag:s21], $0x1  }
0xa6: {  	[sflag:s21] =	ssyncset.done $0x0  }
0xa7: {  	s23 =	simm.s32 $0x1B8E;
	s22 =	sld [smem:$0x3FFE];
	[sflag:s21] =	ssyncadd.s32 $0xFFFFFFFF  }
0xa8: {  	s24 =	simm.s32 $execute0_lowered;
	[smem:$0x3FD2] =	sst s23  }
0xa9: {  	s4 =	sshll.u32 s24, $0x1;
	_ =	strace $0x80000046;
	[dreg:$0x1] =	wrdreg $0xFFFFFFFF  }
0xaa: {  	s25 =	simm.s32 $_size_execute0_lowered;
	s2 =	sadd.s32 s2, s4;
	[dreg:$0x0] =	wrdreg $0x0  }
0xab: {  	s4 =	sshll.u32 s25, $0x1;
	[dreg:$0x2] =	wrdreg s2  }
0xac: {  	[dreg:$0x3] =	wrdreg s4  }
0xad: {  	[dreg:$0x4] =	wrdreg $0xC0  }
0xae: {  	_ =	task [dreg:s6], $0x5FFFF  }
0xaf: {  	[dreg:$0x1] =	wrdreg $0xFFFFFFFF  }
0xb0: {  	[dreg:$0x0] =	wrdreg $0x60  }
0xb1: {  	[dreg:$0x2] =	wrdreg s14  }
0xb2: {  	[dreg:$0x3] =	wrdreg s15  }
0xb3: {  	[dreg:$0x4] =	wrdreg s22  }
0xb4: {  	[dreg:$0x5] =	wrdreg $0x9  }
0xb5: {  	_ =	task.clear_ibuf [dreg:s6], $0x6FFFF;
	_ =	strace $0x90000046  }
0xb6: {  	s26 =	simm.s32 $0x9;
	_ =	strace $0x80000048  }
0xb7: {  	_ =	swait.ge [sflag:s26], $0x1  }
0xb8: {  	[sflag:s26] =	ssyncadd.s32 $0xFFFFFFFF  }
0xb9: {  	_ =	strace $0x90000048  }
0xba: {  	_ =	sfence  }
0xbb: {  	s28 =	sld [smem:$0x0];
	_ =	sdelay $0x1  }
0xbc: {  	s29 =	srdreg.scid  }
0xbd: {  	s30 =	sshll.u32 s29, $0xD;
	s31 =	sshrl.u32 s29, $0x2  }
0xbe: {  	s1 =	sand.u32 $0x1, s29;
	s2 =	sand.u32 $0x4000, s30;
	s0 =	sadd.s32 s31, s28  }
0xbf: {  	s1 =	sor.u32 s2, s1;
	s0 =	sshll.u32 s0, $0x11  }
0xc0: {  	s0 =	sor.u32 s0, s1  }
0xc1: {  	s0 =	sadd.s32 $0x8F2B, s0  }
0xc2: {  	[sflag:s0] =	ssyncadd.remote.s32 $0x1  }
0xc3: {  	_ =	sfence.sel $0xFFFF  }
0xc4: {  	[dreg:$0x0] =	wrdreg $0xFFFFFFFF;
	(pc) =	sbr.abs _section_cstart, $3  }
0xc5: {  	[dreg:$0x1] =	wrdreg $0xFFFFFFFF  }
0xc6: {  	_ =	task.clear_ibuf [dreg:s6], $0x2FFFF;
	_ =	strace $0x9FFFFFFF  }
0xc7: {  	(tm) =	ssettm $0x7FFFFFFF  }
tec
execute0_lowered:
.L_overlay_start_1:
0x0: {  	(tag) =	ssettag $0x1  }
0x1: {  	s2 =	rddreg [dreg:$0x0]  }
0x2: {  	s5 =	rddreg [dreg:$0x1]  }
0x3: {  	s6 =	rddreg [dreg:$0x2];
	s1 =	stileid.u32  }
0x4: {  	s0 =	rddreg [dreg:$0x3];
	s3 =	simm.s32 $0x0;
	s4 =	smul.u32 $0x480, s1  }
0x5: {  	[smem:$0x7FF] =	sst s3  }
0x6: {  	s7 =	simm.s32 $0x1;
	_ =	strace $0x80000047;
	s2 =	sadd.s32 s2, s4  }
0x7: {  	[tilespmem:s3], [sflag:$0x1] =	stream.linear.gather [hbm4b:s2+s3], $0x2400, $0x38;
	[tilespmem:$0xDE00] =	vst v63  }
0x8: {  	_ =	swait.ge [sflag:s7], $0x2400  }
0x9: {  	[sflag:s7] =	ssyncset.done $0x0  }
0xa: {  	s4 =	simm.s32 $0x2400;
	[sflag:s7] =	ssyncadd.s32 $0xFFFFDC00  }
0xb: {  	[tilespmem:s4], [sflag:$0x1] =	stream.linear.gather [hbm4b:s5+s3], $0x600, $0x38;
	[tilespmem:$0xDE00] =	vst v63  }
0xc: {  	_ =	swait.ge [sflag:s7], $0x600  }
0xd: {  	[sflag:s7] =	ssyncset.done $0x0  }
0xe: {  	s2 =	sadd.s32 $0x1C00, s6;
	s5 =	simm.s32 $0x0;
	[sflag:s7] =	ssyncadd.s32 $0xFFFFFA00  }
.LBB2_1:
0xf: {  	s6 =	sshll.u32 s5, $0x6  }
0x10: {  	v12 =	vld [tilespmem:s6+$0x0]  }
0x11: {  	v0 =	vld [tilespmem:s6+$0x10]  }
0x12: {  	v9 =	vld [tilespmem:s6+$0x20]  }
0x13: {  	v19 =	vld [tilespmem:s6+$0x30]  }
0x14: {  	v1 =	vld [tilespmem:s6+$0x910]  }
0x15: {  	v16 =	vld [tilespmem:s6+$0x920]  }
0x16: {  	v20 =	vld [tilespmem:s6+$0x930]  }
0x17: {  	v2 =	vld [tilespmem:s6+$0x1210]  }
0x18: {  	v13 =	vld [tilespmem:s6+$0x1220]  }
0x19: {  	v17 =	vld [tilespmem:s6+$0x1230]  }
0x1a: {  	v3 =	vld [tilespmem:s6+$0x1B10]  }
0x1b: {  	s7 =	sand.u32 $0xF80, s6;
	s8 =	sand.u32 $0x40, s6;
	v25 =	vld [tilespmem:s6+$0x1B20]  }
0x1c: {  	v5 =	vmov s3;
	v23 =	vld [tilespmem:s6+$0x1B30];
	s13 =	sor.u32 s8, s7  }
0x1d: {  	v4 =	vor.u32 $0x40, v5;
	v15 =	vld [tilespmem:s13+$0x900]  }
0x1e: {  	v6 =	vor.u32 $0x100, v5;
	v11 =	vld [tilespmem:s13+$0x1200]  }
0x1f: {  	v7 =	vor.u32 $0xC0, v5;
	v22 =	vld [tilespmem:s13+$0x1B00];
	_ =	sdelay $0x1  }
0x20: {  	v14 =	vor.u32 $0x80, v5;
	v18 =	vld.idx.msk [tilespmem:v5+s4+$0x0], $0xffff;
	v24 =	vsub.f32 v2, v0;
	v26 =	vsub.f32 v3, v1  }
0x21: {  	v27 =	vld.idx.msk [tilespmem:v4+s4+$0x0], $0xffff;
	v28 =	vsub.f32 v13, v9;
	v29 =	vsub.f32 v25, v16  }
0x22: {  	v6 =	vld.idx.msk [tilespmem:v6+s4+$0x0], $0xffff;
	v30 =	vsub.f32 v17, v19;
	v31 =	vsub.f32 v23, v20  }
0x23: {  	v7 =	vld.idx.msk [tilespmem:v7+s4+$0x0], $0xffff;
	v8 =	vsub.f32 v11, v12;
	v10 =	vsub.f32 v22, v15  }
0x24: {  	v4 =	vmul.f32 v26, v24;
	v28 =	vmul.f32 v29, v28  }
0x25: {  	v26 =	vmul.f32 v31, v30;
	v21 =	vmul.f32 v10, v8;
	v8 =	vld.idx.msk [tilespmem:v14+s4+$0x0], $0xffff;
	v14 =	vor.u32 $0x140, v5  }
0x26: {  	v5 =	vmax.f32 v0, v18;
	v10 =	vmax.f32 v19, v18;
	v24 =	vmax.f32 v12, v18  }
0x27: {  	v18 =	vmax.f32 v9, v18;
	v29 =	vmax.f32 v20, v27;
	v30 =	vmax.f32 v15, v27  }
0x28: {  	v31 =	vmax.f32 v1, v27;
	v32 =	vadd.f32 v6, v4;
	v33 =	vmin.f32 v25, v7  }
0x29: {  	v27 =	vmax.f32 v16, v27;
	v34 =	vadd.f32 v6, v28;
	v37 =	vmin.f32 v3, v7  }
0x2a: {  	v35 =	vmin.f32 v22, v7;
	v36 =	vadd.f32 v6, v21;
	v31 =	vsub.f32 v37, v31  }
0x2b: {  	v7 =	vmin.f32 v23, v7;
	v30 =	vsub.f32 v35, v30;
	v27 =	vsub.f32 v33, v27  }
0x2c: {  	v6 =	vadd.f32 v6, v26;
	v7 =	vsub.f32 v7, v29;
	v60 =	vmax.f32 v31, $0.0e+00  }
0x2d: {  	v27 =	vmax.f32 v27, $0.0e+00;
	v58 =	vmin.f32 v2, v8;
	v59 =	vmin.f32 v17, v8  }
0x2e: {  	v29 =	vmin.f32 v11, v8;
	v8 =	vmin.f32 v13, v8;
	v10 =	vsub.f32 v59, v10  }
0x2f: {  	v7 =	vmax.f32 v7, $0.0e+00;
	v24 =	vsub.f32 v29, v24;
	v8 =	vsub.f32 v8, v18  }
0x30: {  	v18 =	vsub.f32 v58, v5;
	v29 =	vmax.f32 v30, $0.0e+00;
	v5 =	vmax.f32 v10, $0.0e+00  }
0x31: {  	s9 =	simm.s32 $0x1;
	v10 =	vmax.f32 v24, $0.0e+00;
	v5 =	vmul.f32 v7, v5;
	v7 =	vmax.f32 v8, $0.0e+00  }
0x32: {  	v31 =	vmul.f32 v29, v10;
	v8 =	vmov s9;
	v10 =	vmul.f32 v27, v7  }
0x33: {  	v7 =	vmax.f32 v18, $0.0e+00;
	v18 =	vor.u32 $0x40, v8;
	v6 =	vsub.f32 v6, v5  }
0x34: {  	v27 =	vor.u32 $0x100, v8;
	v29 =	vsub.f32 v34, v10  }
0x35: {  	v61 =	vor.u32 $0xC0, v8;
	v24 =	vsub.f32 v36, v31;
	v62 =	vadd.f32 $9.999999930e-09, v6  }
0x36: {  	s26 =	simm.s32 $0x2;
	s18 =	simm.s32 $0x0;
	v30 =	vmul.f32 v60, v7;
	v7 =	vor.u32 $0x80, v8;
	v6 =	vld.idx.msk [tilespmem:v14+s4+$0x0], $0xffff;
	v14 =	vadd.f32 $9.999999930e-09, v29  }
0x37: {  	s19 =	sor.u32 $0x10, s6;
	s14 =	sor.u32 $0x20, s6;
	s20 =	sadd.s32 $0x910, s6;
	v33 =	vor.u32 $0x140, v8;
	v63 =	vadd.f32 $9.999999930e-09, v24;
	v35 =	vld.idx.msk [tilespmem:v8+s4+$0x0], $0xffff;
	(erf) = vrcp.f32 v62  }
0x38: {  	s15 =	sadd.s32 $0x920, s6;
	s11 =	sadd.s32 $0x930, s6;
	s22 =	sadd.s32 $0x1210, s6;
	v32 =	vsub.f32 v32, v30;
	v24 =	vimm.s32 $0x0;
	v36 =	vld.idx.msk [tilespmem:v18+s4+$0x0], $0xffff;
	(erf) = vrcp.f32 v14  }
0x39: {  	s17 =	sadd.s32 $0x1220, s6;
	s12 =	sadd.s32 $0x1230, s6;
	s21 =	sadd.s32 $0x1B10, s6;
	v29 =	vimm.f32 $-2.000000000e+00;
	v8 =	vimm.s32 $0x0;
	v34 =	vld.idx.msk [tilespmem:v27+s4+$0x0], $0xffff;
	(erf) = vrcp.f32 v63  }
0x3a: {  	s10 =	sor.u32 $0x30, s6;
	s16 =	sadd.s32 $0x1B20, s6;
	s23 =	sadd.s32 $0x900, s13;
	v39 =	vadd.f32 $9.999999930e-09, v32;
	v37 =	vld.idx.msk [tilespmem:v61+s4+$0x0], $0xffff;
	v27 =	vimm.f32 $-2.000000000e+00;
	v18 =	vimm.f32 $-2.000000000e+00  }
0x3b: {  	s24 =	sadd.s32 $0x1200, s13;
	s25 =	sadd.s32 $0x1B00, s13;
	s13 =	sadd.s32 $0x1B30, s6;
	v32 =	vimm.s32 $0x0;
	v14 =	vimm.s32 $0x0;
	v38 =	vld.idx.msk [tilespmem:v7+s4+$0x0], $0xffff;
	v7 =	vimm.f32 $-2.000000000e+00  }
.LBB2_2:
0x3c: {  	p0 =	sne.s32 s26, $0x31;
	v40 =	vmax.f32 v0, v35;
	v41 =	vmax.f32 v19, v35;
	v42 =	vadd.f32 $1.000000000e+00, v6;
	s28 =	smov.u32 s26;
	s26 =	sadd.s32 $0x1, s26  }
0x3d: {  	v43 =	vmax.f32 v12, v35;
	v44 =	vmax.f32 v20, v36;
	(erf) = vrcp.f32 v39  }
0x3e: {  	v45 =	vmax.f32 v1, v36;
	v39 =	vmax.f32 v15, v36;
	v46 =	vadd.f32 v34, v4  }
0x3f: {  	v36 =	vmax.f32 v16, v36;
	v48 =	vadd.f32 v34, v28;
	v47 =	vmin.f32 v25, v37  }
0x40: {  	v50 =	vadd.f32 v34, v21;
	v49 =	vmin.f32 v22, v37;
	v51 =	vmin.f32 v3, v37;
	v52 =	vpop (erf)  }
0x41: {  	v35 =	vmax.f32 v9, v35;
	v39 =	vsub.f32 v49, v39;
	v49 =	vmin.f32 v2, v38;
	v53 =	vpop (erf)  }
0x42: {  	v45 =	vsub.f32 v51, v45;
	v51 =	vmin.f32 v17, v38;
	v5 =	vmul.f32 v52, v5;
	v52 =	vpop (erf)  }
0x43: {  	v34 =	vadd.f32 v34, v26;
	v37 =	vmin.f32 v23, v37;
	v36 =	vsub.f32 v47, v36  }
0x44: {  	v37 =	vsub.f32 v37, v44;
	v45 =	vmax.f32 v45, $0.0e+00;
	v52 =	vmul.f32 v52, v31  }
0x45: {  	v44 =	vmin.f32 v11, v38;
	v38 =	vmin.f32 v13, v38;
	v36 =	vmax.f32 v36, $0.0e+00  }
0x46: {  	v41 =	vsub.f32 v51, v41;
	v37 =	vmax.f32 v37, $0.0e+00;
	v47 =	vmul.f32 v52, v42;
	v31 =	vpop (erf)  }
0x47: {  	v43 =	vsub.f32 v44, v43;
	v40 =	vsub.f32 v49, v40;
	v44 =	vmul.f32 v5, v42  }
0x48: {  	v39 =	vmax.f32 v39, $0.0e+00;
	v10 =	vmul.f32 v53, v10;
	v5 =	vmax.f32 v41, $0.0e+00  }
0x49: {  	v41 =	vmax.f32 v43, $0.0e+00;
	v5 =	vmul.f32 v37, v5;
	v30 =	vmul.f32 v31, v30  }
0x4a: {  	v35 =	vsub.f32 v38, v35;
	v31 =	vmul.f32 v39, v41;
	v37 =	vadd.f32 v47, v6  }
0x4b: {  	v38 =	vmax.f32 v40, $0.0e+00;
	v34 =	vsub.f32 v34, v5;
	v39 =	vmul.f32 v10, v42  }
0x4c: {  	v10 =	vmax.f32 v35, $0.0e+00;
	v40 =	vsub.f32 v50, v31;
	v30 =	vmul.f32 v30, v42  }
0x4d: {  	v41 =	vmov s28;
	v10 =	vmul.f32 v36, v10;
	vm0 =	vgt.f32 v37, v29  }
0x4e: {  	v36 =	vor.u32 $0x40, v41;
	v42 =	vor.u32 $0x80, v41;
	v43 =	vadd.f32 v30, v6  }
0x4f: {  	v47 =	vor.u32 $0xC0, v41;
	v49 =	vor.u32 $0x100, v41;
	v39 =	vadd.f32 v39, v6  }
0x50: {  	v29 =	vsel vm0, v37, v29;
	v30 =	vsub.f32 v48, v10;
	vm1 =	vgt.f32 v43, v27  }
0x51: {  	v34 =	vadd.f32 $9.999999930e-09, v34;
	v24 =	vsel vm1, s18, v24;
	v48 =	vld.idx.msk [tilespmem:v33+s4+$0x0], $0xffff;
	v33 =	vadd.f32 $9.999999930e-09, v40  }
0x52: {  	vm2 =	vgt.f32 v39, v18;
	v6 =	vadd.f32 v44, v6;
	v37 =	vadd.f32 $9.999999930e-09, v30;
	v35 =	vld.idx.msk [tilespmem:v41+s4+$0x0], $0xffff  }
.Ltmp0:
0x53: {  	v30 =	vmul.f32 v45, v38;
	v27 =	vsel vm1, v43, v27;
	v36 =	vld.idx.msk [tilespmem:v36+s4+$0x0], $0xffff;
	(erf) = vrcp.f32 v34;
	(pc) =	sbr.rel @p0 .LBB2_2-.Ltmp0, $4  }
0x54: {  	v14 =	vsel vm2, s18, v14;
	vm1 =	vgt.f32 v6, v7;
	v34 =	vld.idx.msk [tilespmem:v49+s4+$0x0], $0xffff;
	(erf) = vrcp.f32 v37  }
0x55: {  	v7 =	vsel vm1, v6, v7;
	v40 =	vsub.f32 v46, v30;
	v37 =	vld.idx.msk [tilespmem:v47+s4+$0x0], $0xffff;
	(erf) = vrcp.f32 v33  }
0x56: {  	v32 =	vsel vm0, s18, v32;
	v18 =	vsel vm2, v39, v18;
	v8 =	vsel vm1, s18, v8;
	s18 =	smov.u32 s9;
	s9 =	smov.u32 s28;
	v38 =	vld.idx.msk [tilespmem:v42+s4+$0x0], $0xffff  }
0x57: {  	v39 =	vadd.f32 $9.999999930e-09, v40;
	v33 =	vor.u32 $0x140, v41;
	v6 =	vmov v48  }
0x58: {  	v19 =	vmax.f32 v19, v35  }
0x59: {  	v12 =	vmax.f32 v12, v35;
	v20 =	vmax.f32 v20, v36;
	v15 =	vmax.f32 v15, v36  }
0x5a: {  	v16 =	vmax.f32 v16, v36;
	v9 =	vmax.f32 v9, v35;
	v28 =	vadd.f32 v34, v28  }
0x5b: {  	v50 =	vadd.f32 v34, v26;
	v25 =	vmin.f32 v25, v37;
	v22 =	vmin.f32 v22, v37  }
0x5c: {  	v49 =	vmin.f32 v23, v37;
	v15 =	vsub.f32 v22, v15;
	v17 =	vmin.f32 v17, v38  }
0x5d: {  	v20 =	vsub.f32 v49, v20;
	v13 =	vmin.f32 v13, v38;
	v17 =	vsub.f32 v17, v19  }
0x5e: {  	v16 =	vsub.f32 v25, v16;
	v11 =	vmin.f32 v11, v38;
	v9 =	vsub.f32 v13, v9  }
0x5f: {  	v11 =	vsub.f32 v11, v12;
	v51 =	vmax.f32 v20, $0.0e+00;
	v52 =	vmax.f32 v17, $0.0e+00  }
0x60: {  	v16 =	vmax.f32 v16, $0.0e+00;
	v9 =	vmax.f32 v9, $0.0e+00;
	v12 =	vmul.f32 v51, v52  }
0x61: {  	v53 =	vmax.f32 v15, $0.0e+00;
	v11 =	vmax.f32 v11, $0.0e+00;
	v9 =	vmul.f32 v16, v9  }
0x62: {  	v54 =	vadd.f32 v34, v21;
	v11 =	vmul.f32 v53, v11;
	v55 =	vsub.f32 v50, v12  }
0x63: {  	v16 =	vsub.f32 v28, v9  }
0x64: {  	v15 =	vsub.f32 v54, v11;
	v13 =	vadd.f32 $9.999999930e-09, v55  }
0x65: {  	(erf) = vrcp.f32 v39;
	v16 =	vadd.f32 $9.999999930e-09, v16  }
0x66: {  	v15 =	vadd.f32 $9.999999930e-09, v15;
	(erf) = vrcp.f32 v13  }
0x67: {  	(erf) = vrcp.f32 v16  }
0x68: {  	(erf) = vrcp.f32 v15;
	_ =	sdelay $0x2  }
0x69: {  	v56 =	vpop (erf)  }
0x6a: {  	v57 =	vpop (erf)  }
0x6b: {  	v59 =	vld.idx.msk [tilespmem:v33+s4+$0x0], $0xffff;
	v58 =	vpop (erf)  }
0x6c: {  	v60 =	vpop (erf)  }
0x6d: {  	v61 =	vpop (erf)  }
0x6e: {  	v62 =	vadd.f32 $1.000000000e+00, v6;
	v16 =	vmul.f32 v58, v31;
	v63 =	vpop (erf)  }
0x6f: {  	v28 =	vpop (erf)  }
0x70: {  	v31 =	vadd.f32 $1.000000000e+00, v59;
	v16 =	vmul.f32 v16, v62;
	v11 =	vmul.f32 v28, v11;
	_ =	sdelay $0x1  }
0x71: {  	v16 =	vadd.f32 v16, v6;
	v11 =	vmul.f32 v11, v31  }
0x72: {  	v0 =	vmax.f32 v0, v35;
	v1 =	vmax.f32 v1, v36  }
0x73: {  	v3 =	vmin.f32 v3, v37;
	vm0 =	vgt.f32 v16, v29;
	v11 =	vadd.f32 v11, v59  }
0x74: {  	v2 =	vmin.f32 v2, v38;
	v1 =	vsub.f32 v3, v1;
	v33 =	vsel vm0, v16, v29  }
0x75: {  	v0 =	vsub.f32 v2, v0;
	v35 =	vsel vm0, s18, v32;
	vm9 =	vgt.f32 v11, v33  }
0x76: {  	v2 =	vsel vm9, s9, v35  }
0x77: {  	v1 =	vmax.f32 v1, $0.0e+00;
	v0 =	vmax.f32 v0, $0.0e+00  }
0x78: {  	v4 =	vadd.f32 v34, v4;
	v0 =	vmul.f32 v1, v0  }
0x79: {  	v36 =	vsel vm9, v11, v33  }
0x7a: {  	v37 =	vsub.f32 v4, v0;
	[tilespmem:s6+$0x2A00] =	vst v36  }
0x7b: {  	v1 =	vld.idx.msk [tilespmem:v2+s4+$0x0], $0xffff  }
0x7c: {  	v3 =	vadd.f32 $9.999999930e-09, v37;
	v38 =	vadd.s32 $0x40, v2;
	_ =	sdelay $0x1  }
0x7d: {  	(erf) = vrcp.f32 v3;
	_ =	sdelay $0x1  }
0x7e: {  	[tilespmem:s23+$0x2A00] =	vst v1  }
0x7f: {  	v1 =	vld.idx.msk [tilespmem:v38+s4+$0x0], $0xffff  }
0x80: {  	v39 =	vadd.s32 $0x80, v2;
	_ =	sdelay $0x3  }
0x81: {  	v40 =	vmul.f32 v60, v30;
	[tilespmem:s24+$0x2A00] =	vst v1  }
0x82: {  	v41 =	vpop (erf);
	v3 =	vld.idx.msk [tilespmem:v39+s4+$0x0], $0xffff  }
0x83: {  	v4 =	vmul.f32 v40, v62;
	v0 =	vmul.f32 v41, v0;
	v42 =	vadd.s32 $0xC0, v2;
	_ =	sdelay $0x1  }
0x84: {  	v43 =	vadd.f32 v4, v6;
	v0 =	vmul.f32 v0, v31;
	_ =	sdelay $0x1  }
0x85: {  	vm10 =	vgt.f32 v43, v27;
	v0 =	vadd.f32 v0, v59;
	[tilespmem:s25+$0x2A00] =	vst v3  }
0x86: {  	v2 =	vsel vm10, v43, v27;
	v1 =	vld.idx.msk [tilespmem:v42+s4+$0x0], $0xffff  }
0x87: {  	v44 =	vsel vm10, s18, v24;
	vm11 =	vgt.f32 v0, v2  }
0x88: {  	v3 =	vsel vm11, s9, v44;
	_ =	sdelay $0x1  }
0x89: {  	s7 =	sadd.s32 s8, s7  }
0x8a: {  	v0 =	vsel vm11, v0, v2;
	[tilespmem:s7+$0x4E00] =	vst v1  }
0x8b: {  	[tilespmem:s19+$0x2A00] =	vst v0  }
0x8c: {  	v0 =	vld.idx.msk [tilespmem:v3+s4+$0x0], $0xffff  }
0x8d: {  	v45 =	vadd.s32 $0x40, v3;
	_ =	sdelay $0x3  }
0x8e: {  	[tilespmem:s20+$0x2A00] =	vst v0  }
0x8f: {  	v0 =	vld.idx.msk [tilespmem:v45+s4+$0x0], $0xffff  }
0x90: {  	v46 =	vadd.s32 $0x80, v3;
	_ =	sdelay $0x3  }
0x91: {  	v47 =	vmul.f32 v57, v10;
	[tilespmem:s22+$0x2A00] =	vst v0  }
0x92: {  	v0 =	vld.idx.msk [tilespmem:v46+s4+$0x0], $0xffff  }
0x93: {  	v48 =	vmul.f32 v47, v62;
	v49 =	vmul.f32 v63, v9;
	v3 =	vadd.s32 $0xC0, v3;
	_ =	sdelay $0x1  }
0x94: {  	v2 =	vmul.f32 v49, v31;
	v1 =	vadd.f32 v48, v6;
	_ =	sdelay $0x1  }
0x95: {  	v2 =	vadd.f32 v2, v59;
	vm12 =	vgt.f32 v1, v18;
	[tilespmem:s21+$0x2A00] =	vst v0  }
0x96: {  	v50 =	vsel vm12, v1, v18;
	v51 =	vld.idx.msk [tilespmem:v3+s4+$0x0], $0xffff  }
0x97: {  	v52 =	vsel vm12, s18, v14;
	vm13 =	vgt.f32 v2, v50  }
0x98: {  	v3 =	vsel vm13, s9, v52;
	_ =	sdelay $0x2  }
0x99: {  	v0 =	vsel vm13, v2, v50;
	[tilespmem:s6+$0x4E10] =	vst v51  }
0x9a: {  	[tilespmem:s14+$0x2A00] =	vst v0  }
0x9b: {  	v0 =	vld.idx.msk [tilespmem:v3+s4+$0x0], $0xffff  }
0x9c: {  	v53 =	vadd.s32 $0x40, v3;
	_ =	sdelay $0x3  }
0x9d: {  	[tilespmem:s15+$0x2A00] =	vst v0  }
0x9e: {  	v0 =	vld.idx.msk [tilespmem:v53+s4+$0x0], $0xffff  }
0x9f: {  	v54 =	vadd.s32 $0x80, v3;
	_ =	sdelay $0x3  }
0xa0: {  	v55 =	vmul.f32 v56, v5;
	[tilespmem:s17+$0x2A00] =	vst v0  }
0xa1: {  	v0 =	vld.idx.msk [tilespmem:v54+s4+$0x0], $0xffff  }
0xa2: {  	v56 =	vmul.f32 v55, v62;
	v57 =	vmul.f32 v61, v12;
	v3 =	vadd.s32 $0xC0, v3;
	_ =	sdelay $0x1  }
0xa3: {  	v1 =	vadd.f32 v56, v6;
	v2 =	vmul.f32 v57, v31;
	_ =	sdelay $0x1  }
0xa4: {  	vm14 =	vgt.f32 v1, v7;
	v2 =	vadd.f32 v2, v59;
	[tilespmem:s16+$0x2A00] =	vst v0  }
0xa5: {  	v58 =	vsel vm14, v1, v7;
	v59 =	vld.idx.msk [tilespmem:v3+s4+$0x0], $0xffff  }
0xa6: {  	v60 =	vsel vm14, s18, v8;
	vm15 =	vgt.f32 v2, v58  }
0xa7: {  	v3 =	vsel vm15, s9, v60;
	_ =	sdelay $0x2  }
0xa8: {  	v0 =	vsel vm15, v2, v58;
	[tilespmem:s6+$0x4E20] =	vst v59  }
0xa9: {  	[tilespmem:s10+$0x2A00] =	vst v0  }
0xaa: {  	v0 =	vld.idx.msk [tilespmem:v3+s4+$0x0], $0xffff  }
0xab: {  	v61 =	vadd.s32 $0x40, v3;
	_ =	sdelay $0x3  }
0xac: {  	[tilespmem:s11+$0x2A00] =	vst v0  }
0xad: {  	v0 =	vld.idx.msk [tilespmem:v61+s4+$0x0], $0xffff  }
0xae: {  	v62 =	vadd.s32 $0x80, v3;
	_ =	sdelay $0x3  }
0xaf: {  	[tilespmem:s12+$0x2A00] =	vst v0  }
0xb0: {  	v0 =	vld.idx.msk [tilespmem:v62+s4+$0x0], $0xffff  }
0xb1: {  	v63 =	vadd.s32 $0xC0, v3;
	_ =	sdelay $0x3  }
0xb2: {  	s5 =	sadd.s32 $0x1, s5;
	[tilespmem:s13+$0x2A00] =	vst v0  }
0xb3: {  	p0 =	sne.s32 s5, $0x24;
	v0 =	vld.idx.msk [tilespmem:v63+s4+$0x0], $0xffff  }
.Ltmp1:
0xb4: {  	_ = 	snop;
	(pc) =	sbr.rel @p0 .LBB2_1-.Ltmp1, $2  }
0xb5: {  	_ =	sdelay $0x2  }
0xb6: {  	[tilespmem:s6+$0x4E30] =	vst v0  }
0xb7: {  	s3 =	simm.s32 $0x0;
	s4 =	simm.s32 $0x2400;
	s5 =	simm.s32 $0x0  }
.LBB2_5:
0xb8: {  	s6 =	sshll.u32 s5, $0x6  }
0xb9: {  	v10 =	vld [tilespmem:s6+$0x0]  }
0xba: {  	v9 =	vld [tilespmem:s6+$0x10]  }
0xbb: {  	v0 =	vld [tilespmem:s6+$0x20]  }
0xbc: {  	v13 =	vld [tilespmem:s6+$0x30]  }
0xbd: {  	v14 =	vld [tilespmem:s6+$0x910]  }
0xbe: {  	v1 =	vld [tilespmem:s6+$0x920]  }
0xbf: {  	v8 =	vld [tilespmem:s6+$0x930]  }
0xc0: {  	v18 =	vld [tilespmem:s6+$0x1210]  }
0xc1: {  	v2 =	vld [tilespmem:s6+$0x1220]  }
0xc2: {  	v12 =	vld [tilespmem:s6+$0x1230]  }
0xc3: {  	v5 =	vmov s3;
	s8 =	sand.u32 $0xF80, s6;
	s9 =	sand.u32 $0x40, s6;
	v19 =	vld [tilespmem:s6+$0x1B10]  }
0xc4: {  	v4 =	vor.u32 $0x180, v5;
	v16 =	vld [tilespmem:s6+$0x1B30];
	s7 =	sor.u32 s9, s8  }
0xc5: {  	v17 =	vor.u32 $0x1C0, v5;
	v11 =	vld [tilespmem:s7+$0x900]  }
0xc6: {  	v20 =	vor.u32 $0x200, v5;
	v7 =	vld [tilespmem:s7+$0x1200]  }
0xc7: {  	v21 =	vor.u32 $0x240, v5;
	v15 =	vld [tilespmem:s7+$0x1B00]  }
0xc8: {  	v3 =	vld [tilespmem:s6+$0x1B20]  }
0xc9: {  	v6 =	vor.u32 $0x280, v5;
	v24 =	vld.idx.msk [tilespmem:v4+s4+$0x0], $0xffff  }
0xca: {  	v4 =	vsub.f32 v18, v9;
	v25 =	vsub.f32 v19, v14;
	v28 =	vld.idx.msk [tilespmem:v17+s4+$0x0], $0xffff  }
0xcb: {  	v29 =	vsub.f32 v12, v13;
	v30 =	vsub.f32 v16, v8;
	v31 =	vld.idx.msk [tilespmem:v20+s4+$0x0], $0xffff  }
0xcc: {  	v21 =	vld.idx.msk [tilespmem:v21+s4+$0x0], $0xffff;
	v22 =	vsub.f32 v7, v10;
	v23 =	vsub.f32 v15, v11  }
0xcd: {  	v26 =	vsub.f32 v2, v0;
	v27 =	vsub.f32 v3, v1  }
0xce: {  	v5 =	vor.u32 $0x2C0, v5;
	v6 =	vld.idx.msk [tilespmem:v6+s4+$0x0], $0xffff;
	v20 =	vmul.f32 v30, v29;
	v17 =	vmul.f32 v23, v22  }
0xcf: {  	v22 =	vmul.f32 v25, v4;
	v4 =	vmul.f32 v27, v26;
	v23 =	vmax.f32 v0, v24  }
0xd0: {  	v25 =	vmax.f32 v10, v24;
	v27 =	vmax.f32 v13, v24;
	v32 =	vmin.f32 v18, v31  }
0xd1: {  	v24 =	vmax.f32 v9, v24;
	v33 =	vmax.f32 v14, v28;
	v57 =	vmin.f32 v19, v21  }
0xd2: {  	v58 =	vmin.f32 v3, v21;
	v35 =	vmin.f32 v15, v21;
	v36 =	vmin.f32 v12, v31  }
0xd3: {  	v37 =	vmax.f32 v8, v28;
	v26 =	vadd.f32 v6, v4;
	v30 =	vadd.f32 v6, v17  }
0xd4: {  	v38 =	vmin.f32 v2, v31;
	v24 =	vsub.f32 v32, v24;
	v34 =	vadd.f32 v6, v22  }
0xd5: {  	v21 =	vmin.f32 v16, v21;
	v32 =	vsub.f32 v57, v33;
	v23 =	vsub.f32 v38, v23  }
0xd6: {  	v29 =	vmax.f32 v11, v28;
	v27 =	vsub.f32 v36, v27;
	v21 =	vsub.f32 v21, v37  }
0xd7: {  	v6 =	vadd.f32 v6, v20;
	v29 =	vsub.f32 v35, v29;
	v24 =	vmax.f32 v24, $0.0e+00  }
0xd8: {  	v32 =	vmax.f32 v32, $0.0e+00;
	v27 =	vmax.f32 v27, $0.0e+00;
	v21 =	vmax.f32 v21, $0.0e+00  }
0xd9: {  	s7 =	simm.s32 $0x1;
	v32 =	vmul.f32 v32, v24;
	v24 =	vmax.f32 v1, v28;
	v28 =	vmin.f32 v7, v31  }
0xda: {  	v29 =	vmax.f32 v29, $0.0e+00;
	v25 =	vsub.f32 v28, v25;
	v28 =	vmov s7  }
0xdb: {  	v27 =	vmul.f32 v21, v27;
	v31 =	vsub.f32 v34, v32;
	v59 =	vor.u32 $0x180, v28  }
0xdc: {  	v23 =	vmax.f32 v23, $0.0e+00;
	v24 =	vsub.f32 v58, v24;
	v21 =	vor.u32 $0x280, v28  }
0xdd: {  	v35 =	vld.idx.msk [tilespmem:v5+s4+$0x0], $0xffff;
	v5 =	vsub.f32 v6, v27;
	v25 =	vmax.f32 v25, $0.0e+00;
	v31 =	vadd.f32 $9.999999930e-09, v31  }
0xde: {  	v24 =	vmax.f32 v24, $0.0e+00;
	v25 =	vmul.f32 v29, v25;
	v29 =	vor.u32 $0x200, v28  }
0xdf: {  	v6 =	vor.u32 $0x240, v28;
	v60 =	vmul.f32 v24, v23;
	(erf) = vrcp.f32 v31  }
0xe0: {  	s10 =	simm.s32 $0x2;
	v31 =	vor.u32 $0x1C0, v28;
	v23 =	vsub.f32 v30, v25;
	v28 =	vor.u32 $0x2C0, v28;
	v30 =	vld.idx.msk [tilespmem:v59+s4+$0x0], $0xffff  }
0xe1: {  	v57 =	vmov s10;
	v5 =	vadd.f32 $9.999999930e-09, v5;
	v24 =	vsub.f32 v26, v60;
	v21 =	vld.idx.msk [tilespmem:v21+s4+$0x0], $0xffff  }
0xe2: {  	v58 =	vor.u32 $0x180, v57;
	v26 =	vadd.f32 $9.999999930e-09, v23  }
0xe3: {  	v33 =	vadd.f32 $1.000000000e+00, v35;
	(erf) = vrcp.f32 v5;
	v5 =	vadd.f32 $9.999999930e-09, v24;
	v29 =	vld.idx.msk [tilespmem:v29+s4+$0x0], $0xffff  }
0xe4: {  	v59 =	vor.u32 $0x1C0, v57;
	v23 =	vimm.f32 $-2.000000000e+00;
	(erf) = vrcp.f32 v26;
	v26 =	vld.idx.msk [tilespmem:v6+s4+$0x0], $0xffff  }
0xe5: {  	v24 =	vimm.s32 $0x0;
	(erf) = vrcp.f32 v5;
	v5 =	vld.idx.msk [tilespmem:v28+s4+$0x0], $0xffff;
	v28 =	vmax.f32 v0, v30  }
0xe6: {  	v61 =	vmax.f32 v10, v30;
	v36 =	vadd.f32 v21, v4;
	v62 =	vmax.f32 v13, v30  }
0xe7: {  	v31 =	vld.idx.msk [tilespmem:v31+s4+$0x0], $0xffff;
	v39 =	vadd.f32 v21, v17;
	v30 =	vmax.f32 v9, v30;
	v42 =	vadd.f32 v21, v22  }
0xe8: {  	v41 =	vmin.f32 v18, v29;
	v46 =	vmin.f32 v12, v29;
	v53 =	vmin.f32 v2, v29  }
0xe9: {  	v30 =	vsub.f32 v41, v30;
	v51 =	vmin.f32 v19, v26;
	v52 =	vmin.f32 v3, v26  }
0xea: {  	v6 =	vpop (erf);
	v44 =	vmin.f32 v15, v26;
	v26 =	vmin.f32 v16, v26;
	v28 =	vsub.f32 v53, v28  }
0xeb: {  	v37 =	vsub.f32 v46, v62;
	v62 =	vor.u32 $0x200, v57;
	v6 =	vmul.f32 v6, v32  }
0xec: {  	v63 =	vmax.f32 v11, v31;
	v40 =	vmax.f32 v14, v31;
	v45 =	vmax.f32 v1, v31  }
0xed: {  	v31 =	vmax.f32 v8, v31;
	v40 =	vsub.f32 v51, v40;
	v30 =	vmax.f32 v30, $0.0e+00  }
0xee: {  	v26 =	vsub.f32 v26, v31;
	v31 =	vadd.f32 v21, v20;
	v21 =	vmin.f32 v7, v29  }
0xef: {  	v47 =	vpop (erf);
	v29 =	vsub.f32 v44, v63;
	v54 =	vsub.f32 v52, v45;
	v37 =	vmax.f32 v37, $0.0e+00  }
0xf0: {  	v28 =	vmax.f32 v28, $0.0e+00;
	v27 =	vmul.f32 v47, v27;
	v40 =	vmax.f32 v40, $0.0e+00  }
0xf1: {  	v43 =	vmul.f32 v6, v33;
	v6 =	vadd.f32 $1.000000000e+00, v5;
	v30 =	vmul.f32 v40, v30  }
0xf2: {  	v32 =	vsub.f32 v21, v61;
	v61 =	vor.u32 $0x280, v57;
	v21 =	vmax.f32 v26, $0.0e+00  }
0xf3: {  	v48 =	vpop (erf);
	v29 =	vmax.f32 v29, $0.0e+00;
	v56 =	vmax.f32 v54, $0.0e+00;
	v55 =	vsub.f32 v42, v30  }
0xf4: {  	v25 =	vmul.f32 v48, v25;
	v21 =	vmul.f32 v21, v37;
	v32 =	vmax.f32 v32, $0.0e+00;
	v26 =	vpop (erf)  }
0xf5: {  	v34 =	vmul.f32 v29, v32;
	v26 =	vmul.f32 v26, v60;
	v29 =	vadd.f32 $9.999999930e-09, v55  }
0xf6: {  	v31 =	vsub.f32 v31, v21;
	v25 =	vmul.f32 v25, v33;
	v60 =	vor.u32 $0x240, v57  }
0xf7: {  	v39 =	vsub.f32 v39, v34;
	v26 =	vmul.f32 v26, v33;
	(erf) = vrcp.f32 v29  }
0xf8: {  	v31 =	vadd.f32 $9.999999930e-09, v31;
	v25 =	vadd.f32 v25, v35;
	v29 =	vmul.f32 v56, v28  }
0xf9: {  	v40 =	vor.u32 $0x2C0, v57;
	v63 =	vadd.f32 $9.999999930e-09, v39;
	v26 =	vadd.f32 v26, v35  }
0xfa: {  	v28 =	vmul.f32 v27, v33;
	(erf) = vrcp.f32 v31;
	v31 =	vsub.f32 v36, v29  }
0xfb: {  	v37 =	vld.idx.msk [tilespmem:v58+s4+$0x0], $0xffff;
	v39 =	vadd.f32 v43, v35;
	vm2 =	vgt.f32 v25, v23;
	vm0 =	vgt.f32 v26, v23  }
0xfc: {  	v33 =	vld.idx.msk [tilespmem:v61+s4+$0x0], $0xffff;
	v27 =	vsel vm0, v26, v23;
	v26 =	vadd.f32 v28, v35;
	v31 =	vadd.f32 $9.999999930e-09, v31  }
0xfd: {  	v32 =	vsel vm2, v25, v23;
	vm1 =	vgt.f32 v39, v23;
	v38 =	vld.idx.msk [tilespmem:v60+s4+$0x0], $0xffff;
	(erf) = vrcp.f32 v63  }
0xfe: {  	v35 =	vld.idx.msk [tilespmem:v59+s4+$0x0], $0xffff;
	v28 =	vsel vm0, s3, v24;
	vm0 =	vgt.f32 v26, v23;
	(erf) = vrcp.f32 v31  }
0xff: {  	s12 =	simm.s32 $0x3;
	s11 =	simm.s32 $0x0;
	v36 =	vld.idx.msk [tilespmem:v62+s4+$0x0], $0xffff;
	v25 =	vsel vm0, v26, v23;
	v31 =	vimm.s32 $0x0;
	v26 =	vimm.s32 $0x0  }
.LBB2_6:
0x100: {  	p0 =	sne.s32 s12, $0x31;
	v41 =	vld.idx.msk [tilespmem:v40+s4+$0x0], $0xffff;
	v40 =	vpop (erf);
	v24 =	vsel vm2, s11, v24;
	v23 =	vsel vm1, v39, v23;
	v31 =	vsel vm1, s11, v31;
	s13 =	smov.u32 s12;
	s12 =	sadd.s32 $0x1, s12  }
0x101: {  	v39 =	vmax.f32 v0, v37;
	v26 =	vsel vm0, s11, v26;
	s11 =	smov.u32 s7;
	s7 =	smov.u32 s10;
	v30 =	vmul.f32 v40, v30;
	s10 =	smov.u32 s13  }
0x102: {  	v43 =	vmax.f32 v13, v37;
	v40 =	vmax.f32 v10, v37;
	v42 =	vadd.f32 v33, v4  }
0x103: {  	v45 =	vadd.f32 v33, v17;
	v44 =	vmax.f32 v11, v35;
	v46 =	vmax.f32 v14, v35;
	v47 =	vpop (erf)  }
0x104: {  	v37 =	vmax.f32 v9, v37;
	v49 =	vadd.f32 v33, v22;
	v53 =	vmin.f32 v18, v36  }
0x105: {  	v50 =	vmul.f32 v30, v6;
	v37 =	vsub.f32 v53, v37;
	v52 =	vmin.f32 v19, v38  }
0x106: {  	v51 =	vadd.f32 $1.000000000e+00, v41;
	v30 =	vsub.f32 v52, v46;
	v46 =	vmin.f32 v3, v38;
	v48 =	vpop (erf)  }
0x107: {  	v54 =	vmin.f32 v12, v36;
	v53 =	vmax.f32 v1, v35;
	v52 =	vmin.f32 v15, v38  }
0x108: {  	v35 =	vmax.f32 v8, v35;
	v37 =	vmax.f32 v37, $0.0e+00;
	v30 =	vmax.f32 v30, $0.0e+00;
	v55 =	vpop (erf)  }
0x109: {  	v38 =	vmin.f32 v16, v38;
	v30 =	vmul.f32 v30, v37;
	v37 =	vmin.f32 v2, v36  }
0x10a: {  	v34 =	vmul.f32 v48, v34;
	v37 =	vsub.f32 v37, v39;
	v39 =	vsub.f32 v54, v43  }
0x10b: {  	v33 =	vadd.f32 v33, v20;
	v35 =	vsub.f32 v38, v35;
	v36 =	vmin.f32 v7, v36  }
0x10c: {  	v38 =	vsub.f32 v52, v44;
	v43 =	vsub.f32 v46, v53;
	v39 =	vmax.f32 v39, $0.0e+00  }
0x10d: {  	v35 =	vmax.f32 v35, $0.0e+00;
	v36 =	vsub.f32 v36, v40;
	v40 =	vsub.f32 v49, v30  }
0x10e: {  	v38 =	vmax.f32 v38, $0.0e+00;
	v29 =	vmul.f32 v55, v29;
	v35 =	vmul.f32 v35, v39  }
0x10f: {  	v36 =	vmax.f32 v36, $0.0e+00;
	v37 =	vmax.f32 v37, $0.0e+00;
	v39 =	vmul.f32 v47, v21  }
0x110: {  	v44 =	vmul.f32 v34, v6;
	v43 =	vmax.f32 v43, $0.0e+00;
	v33 =	vsub.f32 v33, v35;
	v21 =	vmovc v35  }
0x111: {  	v34 =	vmul.f32 v38, v36;
	v36 =	vadd.f32 $9.999999930e-09, v40;
	v35 =	vmov s10  }
0x112: {  	v29 =	vmul.f32 v29, v6;
	v38 =	vor.u32 $0x180, v35;
	v46 =	vor.u32 $0x1C0, v35  }
0x113: {  	v47 =	vor.u32 $0x240, v35;
	v48 =	vor.u32 $0x280, v35;
	(erf) = vrcp.f32 v36  }
0x114: {  	v49 =	vadd.f32 v29, v5;
	v33 =	vadd.f32 $9.999999930e-09, v33;
	v36 =	vor.u32 $0x200, v35  }
0x115: {  	v29 =	vmul.f32 v43, v37;
	v45 =	vsub.f32 v45, v34;
	v43 =	vmul.f32 v39, v6;
	v6 =	vmovc v51  }
0x116: {  	v44 =	vadd.f32 v44, v5;
	vm0 =	vgt.f32 v49, v27;
	(erf) = vrcp.f32 v33  }
.Ltmp2:
0x117: {  	v40 =	vor.u32 $0x2C0, v35;
	v42 =	vsub.f32 v42, v29;
	v37 =	vld.idx.msk [tilespmem:v38+s4+$0x0], $0xffff;
	v38 =	vadd.f32 $9.999999930e-09, v45;
	(pc) =	sbr.rel @p0 .LBB2_6-.Ltmp2, $4  }
0x118: {  	v39 =	vadd.f32 v50, v5;
	v27 =	vsel vm0, v49, v27;
	v43 =	vadd.f32 v43, v5;
	v33 =	vld.idx.msk [tilespmem:v48+s4+$0x0], $0xffff  }
0x119: {  	vm2 =	vgt.f32 v44, v32;
	v5 =	vmovc v41;
	v42 =	vadd.f32 $9.999999930e-09, v42;
	v35 =	vld.idx.msk [tilespmem:v46+s4+$0x0], $0xffff;
	(erf) = vrcp.f32 v38  }
0x11a: {  	v32 =	vsel vm2, v44, v32;
	v28 =	vsel vm0, s11, v28;
	vm0 =	vgt.f32 v43, v25;
	v36 =	vld.idx.msk [tilespmem:v36+s4+$0x0], $0xffff  }
0x11b: {  	vm1 =	vgt.f32 v39, v23;
	v25 =	vsel vm0, v43, v25;
	v38 =	vld.idx.msk [tilespmem:v47+s4+$0x0], $0xffff;
	(erf) = vrcp.f32 v42  }
0x11c: {  	v10 =	vmax.f32 v10, v37  }
0x11d: {  	v13 =	vmax.f32 v13, v37;
	v9 =	vmax.f32 v9, v37;
	v49 =	vadd.f32 v33, v22  }
0x11e: {  	v50 =	vadd.f32 v33, v20;
	v14 =	vmax.f32 v14, v35;
	v11 =	vmax.f32 v11, v35  }
0x11f: {  	v8 =	vmax.f32 v8, v35;
	v18 =	vmin.f32 v18, v36;
	v12 =	vmin.f32 v12, v36  }
0x120: {  	v7 =	vmin.f32 v7, v36;
	v9 =	vsub.f32 v18, v9;
	v48 =	vmin.f32 v19, v38  }
0x121: {  	v16 =	vmin.f32 v16, v38;
	v12 =	vsub.f32 v12, v13;
	v14 =	vsub.f32 v48, v14  }
0x122: {  	v15 =	vmin.f32 v15, v38;
	v7 =	vsub.f32 v7, v10;
	v8 =	vsub.f32 v16, v8  }
0x123: {  	v11 =	vsub.f32 v15, v11;
	v9 =	vmax.f32 v9, $0.0e+00;
	v14 =	vmax.f32 v14, $0.0e+00  }
0x124: {  	v12 =	vmax.f32 v12, $0.0e+00;
	v8 =	vmax.f32 v8, $0.0e+00;
	v9 =	vmul.f32 v14, v9  }
0x125: {  	v7 =	vmax.f32 v7, $0.0e+00;
	v11 =	vmax.f32 v11, $0.0e+00;
	v8 =	vmul.f32 v8, v12  }
0x126: {  	v51 =	vadd.f32 v33, v17;
	v7 =	vmul.f32 v11, v7;
	v52 =	vsub.f32 v49, v9  }
0x127: {  	v10 =	vsub.f32 v50, v8  }
0x128: {  	v12 =	vsub.f32 v51, v7;
	v53 =	vadd.f32 $9.999999930e-09, v52  }
0x129: {  	v10 =	vadd.f32 $9.999999930e-09, v10  }
0x12a: {  	v54 =	vadd.f32 $9.999999930e-09, v12;
	(erf) = vrcp.f32 v53  }
0x12b: {  	(erf) = vrcp.f32 v10  }
0x12c: {  	(erf) = vrcp.f32 v54;
	_ =	sdelay $0x2  }
0x12d: {  	v55 =	vpop (erf)  }
0x12e: {  	v11 =	vpop (erf)  }
0x12f: {  	v13 =	vld.idx.msk [tilespmem:v40+s4+$0x0], $0xffff;
	v56 =	vpop (erf)  }
0x130: {  	v57 =	vpop (erf)  }
0x131: {  	v58 =	vpop (erf)  }
0x132: {  	v12 =	vmul.f32 v56, v34;
	v59 =	vpop (erf)  }
0x133: {  	v60 =	vpop (erf)  }
0x134: {  	v61 =	vadd.f32 $1.000000000e+00, v13;
	v12 =	vmul.f32 v12, v6;
	v7 =	vmul.f32 v60, v7;
	_ =	sdelay $0x1  }
0x135: {  	v12 =	vadd.f32 v12, v5;
	v7 =	vmul.f32 v7, v61;
	_ =	sdelay $0x1  }
0x136: {  	vm3 =	vgt.f32 v12, v32;
	v7 =	vadd.f32 v7, v13  }
0x137: {  	v62 =	vsel vm2, s11, v24;
	v12 =	vsel vm3, v12, v32  }
0x138: {  	v17 =	vsel vm3, s7, v62;
	vm9 =	vgt.f32 v7, v12  }
0x139: {  	v17 =	vsel vm9, s10, v17  }
0x13a: {  	v63 =	vadd.s32 $0x180, v17;
	_ =	sdelay $0x2  }
0x13b: {  	s8 =	sadd.s32 s9, s8;
	v7 =	vsel vm9, v7, v12  }
0x13c: {  	[tilespmem:s8+$0x5700] =	vst v7  }
0x13d: {  	v7 =	vld.idx.msk [tilespmem:v63+s4+$0x0], $0xffff  }
0x13e: {  	v22 =	vadd.s32 $0x1C0, v17;
	_ =	sdelay $0x3  }
0x13f: {  	[tilespmem:s8+$0x6000] =	vst v7  }
0x140: {  	v7 =	vld.idx.msk [tilespmem:v22+s4+$0x0], $0xffff  }
0x141: {  	v24 =	vadd.s32 $0x200, v17;
	_ =	sdelay $0x2  }
0x142: {  	v10 =	vmul.f32 v55, v30  }
0x143: {  	[tilespmem:s8+$0x6900] =	vst v7  }
0x144: {  	v30 =	vmul.f32 v10, v6;
	v9 =	vmul.f32 v58, v9;
	v32 =	vld.idx.msk [tilespmem:v24+s4+$0x0], $0xffff  }
0x145: {  	v41 =	vsel vm1, s11, v31;
	v34 =	vadd.s32 $0x240, v17  }
0x146: {  	v0 =	vmax.f32 v0, v37;
	v9 =	vmul.f32 v9, v61;
	v7 =	vadd.f32 v30, v5  }
0x147: {  	v1 =	vmax.f32 v1, v35;
	v2 =	vmin.f32 v2, v36;
	v40 =	vsel vm1, v39, v23  }
0x148: {  	v3 =	vmin.f32 v3, v38;
	v9 =	vadd.f32 v9, v13;
	vm10 =	vgt.f32 v7, v40  }
0x149: {  	v0 =	vsub.f32 v2, v0;
	v1 =	vsub.f32 v3, v1;
	v42 =	vsel vm10, v7, v40;
	[tilespmem:s8+$0x7200] =	vst v32  }
0x14a: {  	v43 =	vsel vm10, s7, v41;
	vm11 =	vgt.f32 v9, v42;
	v44 =	vld.idx.msk [tilespmem:v34+s4+$0x0], $0xffff  }
0x14b: {  	v0 =	vmax.f32 v0, $0.0e+00;
	v1 =	vmax.f32 v1, $0.0e+00;
	v3 =	vsel vm11, s10, v43  }
0x14c: {  	v4 =	vadd.f32 v33, v4;
	v0 =	vmul.f32 v1, v0;
	v45 =	vadd.s32 $0x180, v3;
	_ =	sdelay $0x1  }
0x14d: {  	v1 =	vsub.f32 v4, v0  }
0x14e: {  	v2 =	vsel vm11, v9, v42;
	[tilespmem:s8+$0x7B00] =	vst v44  }
0x14f: {  	v1 =	vadd.f32 $9.999999930e-09, v1;
	[tilespmem:s6+$0x5710] =	vst v2  }
0x150: {  	v2 =	vld.idx.msk [tilespmem:v45+s4+$0x0], $0xffff  }
0x151: {  	(erf) = vrcp.f32 v1;
	v46 =	vadd.s32 $0x1C0, v3;
	_ =	sdelay $0x3  }
0x152: {  	[tilespmem:s6+$0x6010] =	vst v2  }
0x153: {  	v47 =	vld.idx.msk [tilespmem:v46+s4+$0x0], $0xffff  }
0x154: {  	v48 =	vadd.s32 $0x200, v3;
	_ =	sdelay $0x1  }
0x155: {  	v49 =	vmul.f32 v57, v29  }
0x156: {  	v50 =	vpop (erf)  }
0x157: {  	v51 =	vmul.f32 v49, v6;
	v0 =	vmul.f32 v50, v0;
	[tilespmem:s6+$0x6910] =	vst v47  }
0x158: {  	v2 =	vld.idx.msk [tilespmem:v48+s4+$0x0], $0xffff  }
0x159: {  	v1 =	vadd.f32 v51, v5;
	v0 =	vmul.f32 v0, v61;
	v3 =	vadd.s32 $0x240, v3;
	_ =	sdelay $0x1  }
0x15a: {  	vm12 =	vgt.f32 v1, v27;
	v0 =	vadd.f32 v0, v13  }
0x15b: {  	v1 =	vsel vm12, v1, v27  }
0x15c: {  	v52 =	vsel vm12, s7, v28;
	vm13 =	vgt.f32 v0, v1;
	[tilespmem:s6+$0x7210] =	vst v2  }
0x15d: {  	v2 =	vsel vm13, s10, v52;
	v3 =	vld.idx.msk [tilespmem:v3+s4+$0x0], $0xffff  }
0x15e: {  	v53 =	vadd.s32 $0x180, v2;
	_ =	sdelay $0x1  }
0x15f: {  	v0 =	vsel vm13, v0, v1  }
0x160: {  	[tilespmem:s6+$0x5720] =	vst v0  }
0x161: {  	[tilespmem:s6+$0x7B10] =	vst v3  }
0x162: {  	v0 =	vld.idx.msk [tilespmem:v53+s4+$0x0], $0xffff  }
0x163: {  	v54 =	vadd.s32 $0x1C0, v2;
	_ =	sdelay $0x3  }
0x164: {  	[tilespmem:s6+$0x6020] =	vst v0  }
0x165: {  	v0 =	vld.idx.msk [tilespmem:v54+s4+$0x0], $0xffff  }
0x166: {  	v55 =	vadd.s32 $0x200, v2;
	_ =	sdelay $0x1  }
0x167: {  	v56 =	vmul.f32 v11, v21;
	_ =	sdelay $0x1  }
0x168: {  	v57 =	vmul.f32 v56, v6;
	v58 =	vmul.f32 v59, v8;
	[tilespmem:s6+$0x6920] =	vst v0  }
0x169: {  	v1 =	vld.idx.msk [tilespmem:v55+s4+$0x0], $0xffff  }
0x16a: {  	v2 =	vadd.s32 $0x240, v2;
	v3 =	vmul.f32 v58, v61;
	v0 =	vadd.f32 v57, v5;
	_ =	sdelay $0x1  }
0x16b: {  	v3 =	vadd.f32 v3, v13;
	vm14 =	vgt.f32 v0, v25  }
0x16c: {  	v59 =	vsel vm0, s11, v26;
	v0 =	vsel vm14, v0, v25  }
0x16d: {  	v60 =	vsel vm14, s7, v59;
	vm15 =	vgt.f32 v3, v0;
	[tilespmem:s6+$0x7220] =	vst v1  }
0x16e: {  	v1 =	vsel vm15, s10, v60;
	v2 =	vld.idx.msk [tilespmem:v2+s4+$0x0], $0xffff  }
0x16f: {  	v61 =	vadd.s32 $0x180, v1;
	_ =	sdelay $0x1  }
0x170: {  	v0 =	vsel vm15, v3, v0  }
0x171: {  	[tilespmem:s6+$0x5730] =	vst v0  }
0x172: {  	[tilespmem:s6+$0x7B20] =	vst v2  }
0x173: {  	v0 =	vld.idx.msk [tilespmem:v61+s4+$0x0], $0xffff  }
0x174: {  	v62 =	vadd.s32 $0x1C0, v1;
	_ =	sdelay $0x3  }
0x175: {  	[tilespmem:s6+$0x6030] =	vst v0  }
0x176: {  	v0 =	vld.idx.msk [tilespmem:v62+s4+$0x0], $0xffff  }
0x177: {  	v63 =	vadd.s32 $0x200, v1;
	_ =	sdelay $0x3  }
0x178: {  	[tilespmem:s6+$0x6930] =	vst v0  }
0x179: {  	v0 =	vld.idx.msk [tilespmem:v63+s4+$0x0], $0xffff  }
0x17a: {  	v1 =	vadd.s32 $0x240, v1;
	_ =	sdelay $0x3  }
0x17b: {  	s5 =	sadd.s32 $0x1, s5;
	[tilespmem:s6+$0x7230] =	vst v0  }
0x17c: {  	p0 =	sne.s32 s5, $0x24;
	v0 =	vld.idx.msk [tilespmem:v1+s4+$0x0], $0xffff  }
.Ltmp3:
0x17d: {  	_ = 	snop;
	(pc) =	sbr.rel @p0 .LBB2_5-.Ltmp3, $2  }
0x17e: {  	_ =	sdelay $0x2  }
0x17f: {  	[tilespmem:s6+$0x7B30] =	vst v0  }
0x180: {  	s3 =	simm.s32 $0x0;
	s4 =	simm.s32 $0x2400;
	s5 =	simm.s32 $0x0  }
.LBB2_9:
0x181: {  	s6 =	sshll.u32 s5, $0x6  }
0x182: {  	v10 =	vld [tilespmem:s6+$0x0]  }
0x183: {  	v9 =	vld [tilespmem:s6+$0x10]  }
0x184: {  	v0 =	vld [tilespmem:s6+$0x20]  }
0x185: {  	v13 =	vld [tilespmem:s6+$0x30]  }
0x186: {  	v14 =	vld [tilespmem:s6+$0x910]  }
0x187: {  	v1 =	vld [tilespmem:s6+$0x920]  }
0x188: {  	v8 =	vld [tilespmem:s6+$0x930]  }
0x189: {  	v18 =	vld [tilespmem:s6+$0x1210]  }
0x18a: {  	v2 =	vld [tilespmem:s6+$0x1220]  }
0x18b: {  	v12 =	vld [tilespmem:s6+$0x1230]  }
0x18c: {  	v5 =	vmov s3;
	s8 =	sand.u32 $0xF80, s6;
	s9 =	sand.u32 $0x40, s6;
	v19 =	vld [tilespmem:s6+$0x1B10]  }
0x18d: {  	v4 =	vor.u32 $0x300, v5;
	v16 =	vld [tilespmem:s6+$0x1B30];
	s7 =	sor.u32 s9, s8  }
0x18e: {  	v17 =	vor.u32 $0x340, v5;
	v11 =	vld [tilespmem:s7+$0x900]  }
0x18f: {  	v20 =	vor.u32 $0x380, v5;
	v7 =	vld [tilespmem:s7+$0x1200]  }
0x190: {  	v21 =	vor.u32 $0x3C0, v5;
	v15 =	vld [tilespmem:s7+$0x1B00]  }
0x191: {  	v3 =	vld [tilespmem:s6+$0x1B20]  }
0x192: {  	v6 =	vor.u32 $0x400, v5;
	v24 =	vld.idx.msk [tilespmem:v4+s4+$0x0], $0xffff  }
0x193: {  	v4 =	vsub.f32 v18, v9;
	v25 =	vsub.f32 v19, v14;
	v28 =	vld.idx.msk [tilespmem:v17+s4+$0x0], $0xffff  }
0x194: {  	v29 =	vsub.f32 v12, v13;
	v30 =	vsub.f32 v16, v8;
	v31 =	vld.idx.msk [tilespmem:v20+s4+$0x0], $0xffff  }
0x195: {  	v21 =	vld.idx.msk [tilespmem:v21+s4+$0x0], $0xffff;
	v22 =	vsub.f32 v7, v10;
	v23 =	vsub.f32 v15, v11  }
0x196: {  	v26 =	vsub.f32 v2, v0;
	v27 =	vsub.f32 v3, v1  }
0x197: {  	v5 =	vor.u32 $0x440, v5;
	v6 =	vld.idx.msk [tilespmem:v6+s4+$0x0], $0xffff;
	v20 =	vmul.f32 v30, v29;
	v17 =	vmul.f32 v23, v22  }
0x198: {  	v22 =	vmul.f32 v25, v4;
	v4 =	vmul.f32 v27, v26;
	v23 =	vmax.f32 v0, v24  }
0x199: {  	v25 =	vmax.f32 v10, v24;
	v27 =	vmax.f32 v13, v24;
	v32 =	vmin.f32 v18, v31  }
0x19a: {  	v24 =	vmax.f32 v9, v24;
	v33 =	vmax.f32 v14, v28;
	v57 =	vmin.f32 v19, v21  }
0x19b: {  	v58 =	vmin.f32 v3, v21;
	v35 =	vmin.f32 v15, v21;
	v36 =	vmin.f32 v12, v31  }
0x19c: {  	v37 =	vmax.f32 v8, v28;
	v26 =	vadd.f32 v6, v4;
	v30 =	vadd.f32 v6, v17  }
0x19d: {  	v38 =	vmin.f32 v2, v31;
	v24 =	vsub.f32 v32, v24;
	v34 =	vadd.f32 v6, v22  }
0x19e: {  	v21 =	vmin.f32 v16, v21;
	v32 =	vsub.f32 v57, v33;
	v23 =	vsub.f32 v38, v23  }
0x19f: {  	v29 =	vmax.f32 v11, v28;
	v27 =	vsub.f32 v36, v27;
	v21 =	vsub.f32 v21, v37  }
0x1a0: {  	v6 =	vadd.f32 v6, v20;
	v29 =	vsub.f32 v35, v29;
	v24 =	vmax.f32 v24, $0.0e+00  }
0x1a1: {  	v32 =	vmax.f32 v32, $0.0e+00;
	v27 =	vmax.f32 v27, $0.0e+00;
	v21 =	vmax.f32 v21, $0.0e+00  }
0x1a2: {  	s7 =	simm.s32 $0x1;
	v32 =	vmul.f32 v32, v24;
	v24 =	vmax.f32 v1, v28;
	v28 =	vmin.f32 v7, v31  }
0x1a3: {  	v29 =	vmax.f32 v29, $0.0e+00;
	v25 =	vsub.f32 v28, v25;
	v28 =	vmov s7  }
0x1a4: {  	v27 =	vmul.f32 v21, v27;
	v31 =	vsub.f32 v34, v32;
	v59 =	vor.u32 $0x300, v28  }
0x1a5: {  	v23 =	vmax.f32 v23, $0.0e+00;
	v24 =	vsub.f32 v58, v24;
	v21 =	vor.u32 $0x400, v28  }
0x1a6: {  	v35 =	vld.idx.msk [tilespmem:v5+s4+$0x0], $0xffff;
	v5 =	vsub.f32 v6, v27;
	v25 =	vmax.f32 v25, $0.0e+00;
	v31 =	vadd.f32 $9.999999930e-09, v31  }
0x1a7: {  	v24 =	vmax.f32 v24, $0.0e+00;
	v25 =	vmul.f32 v29, v25;
	v29 =	vor.u32 $0x380, v28  }
0x1a8: {  	v6 =	vor.u32 $0x3C0, v28;
	v60 =	vmul.f32 v24, v23;
	(erf) = vrcp.f32 v31  }
0x1a9: {  	s10 =	simm.s32 $0x2;
	v31 =	vor.u32 $0x340, v28;
	v23 =	vsub.f32 v30, v25;
	v28 =	vor.u32 $0x440, v28;
	v30 =	vld.idx.msk [tilespmem:v59+s4+$0x0], $0xffff  }
0x1aa: {  	v57 =	vmov s10;
	v5 =	vadd.f32 $9.999999930e-09, v5;
	v24 =	vsub.f32 v26, v60;
	v21 =	vld.idx.msk [tilespmem:v21+s4+$0x0], $0xffff  }
0x1ab: {  	v58 =	vor.u32 $0x300, v57;
	v26 =	vadd.f32 $9.999999930e-09, v23  }
0x1ac: {  	v33 =	vadd.f32 $1.000000000e+00, v35;
	(erf) = vrcp.f32 v5;
	v5 =	vadd.f32 $9.999999930e-09, v24;
	v29 =	vld.idx.msk [tilespmem:v29+s4+$0x0], $0xffff  }
0x1ad: {  	v59 =	vor.u32 $0x340, v57;
	v23 =	vimm.f32 $-2.000000000e+00;
	(erf) = vrcp.f32 v26;
	v26 =	vld.idx.msk [tilespmem:v6+s4+$0x0], $0xffff  }
0x1ae: {  	v24 =	vimm.s32 $0x0;
	(erf) = vrcp.f32 v5;
	v5 =	vld.idx.msk [tilespmem:v28+s4+$0x0], $0xffff;
	v28 =	vmax.f32 v0, v30  }
0x1af: {  	v61 =	vmax.f32 v10, v30;
	v36 =	vadd.f32 v21, v4;
	v62 =	vmax.f32 v13, v30  }
0x1b0: {  	v31 =	vld.idx.msk [tilespmem:v31+s4+$0x0], $0xffff;
	v39 =	vadd.f32 v21, v17;
	v30 =	vmax.f32 v9, v30;
	v42 =	vadd.f32 v21, v22  }
0x1b1: {  	v41 =	vmin.f32 v18, v29;
	v46 =	vmin.f32 v12, v29;
	v53 =	vmin.f32 v2, v29  }
0x1b2: {  	v30 =	vsub.f32 v41, v30;
	v51 =	vmin.f32 v19, v26;
	v52 =	vmin.f32 v3, v26  }
0x1b3: {  	v6 =	vpop (erf);
	v44 =	vmin.f32 v15, v26;
	v26 =	vmin.f32 v16, v26;
	v28 =	vsub.f32 v53, v28  }
0x1b4: {  	v37 =	vsub.f32 v46, v62;
	v62 =	vor.u32 $0x380, v57;
	v6 =	vmul.f32 v6, v32  }
0x1b5: {  	v63 =	vmax.f32 v11, v31;
	v40 =	vmax.f32 v14, v31;
	v45 =	vmax.f32 v1, v31  }
0x1b6: {  	v31 =	vmax.f32 v8, v31;
	v40 =	vsub.f32 v51, v40;
	v30 =	vmax.f32 v30, $0.0e+00  }
0x1b7: {  	v26 =	vsub.f32 v26, v31;
	v31 =	vadd.f32 v21, v20;
	v21 =	vmin.f32 v7, v29  }
0x1b8: {  	v47 =	vpop (erf);
	v29 =	vsub.f32 v44, v63;
	v54 =	vsub.f32 v52, v45;
	v37 =	vmax.f32 v37, $0.0e+00  }
0x1b9: {  	v28 =	vmax.f32 v28, $0.0e+00;
	v27 =	vmul.f32 v47, v27;
	v40 =	vmax.f32 v40, $0.0e+00  }
0x1ba: {  	v43 =	vmul.f32 v6, v33;
	v6 =	vadd.f32 $1.000000000e+00, v5;
	v30 =	vmul.f32 v40, v30  }
0x1bb: {  	v32 =	vsub.f32 v21, v61;
	v61 =	vor.u32 $0x400, v57;
	v21 =	vmax.f32 v26, $0.0e+00  }
0x1bc: {  	v48 =	vpop (erf);
	v29 =	vmax.f32 v29, $0.0e+00;
	v56 =	vmax.f32 v54, $0.0e+00;
	v55 =	vsub.f32 v42, v30  }
0x1bd: {  	v25 =	vmul.f32 v48, v25;
	v21 =	vmul.f32 v21, v37;
	v32 =	vmax.f32 v32, $0.0e+00;
	v26 =	vpop (erf)  }
0x1be: {  	v34 =	vmul.f32 v29, v32;
	v26 =	vmul.f32 v26, v60;
	v29 =	vadd.f32 $9.999999930e-09, v55  }
0x1bf: {  	v31 =	vsub.f32 v31, v21;
	v25 =	vmul.f32 v25, v33;
	v60 =	vor.u32 $0x3C0, v57  }
0x1c0: {  	v39 =	vsub.f32 v39, v34;
	v26 =	vmul.f32 v26, v33;
	(erf) = vrcp.f32 v29  }
0x1c1: {  	v31 =	vadd.f32 $9.999999930e-09, v31;
	v25 =	vadd.f32 v25, v35;
	v29 =	vmul.f32 v56, v28  }
0x1c2: {  	v40 =	vor.u32 $0x440, v57;
	v63 =	vadd.f32 $9.999999930e-09, v39;
	v26 =	vadd.f32 v26, v35  }
0x1c3: {  	v28 =	vmul.f32 v27, v33;
	(erf) = vrcp.f32 v31;
	v31 =	vsub.f32 v36, v29  }
0x1c4: {  	v37 =	vld.idx.msk [tilespmem:v58+s4+$0x0], $0xffff;
	v39 =	vadd.f32 v43, v35;
	vm2 =	vgt.f32 v25, v23;
	vm0 =	vgt.f32 v26, v23  }
0x1c5: {  	v33 =	vld.idx.msk [tilespmem:v61+s4+$0x0], $0xffff;
	v27 =	vsel vm0, v26, v23;
	v26 =	vadd.f32 v28, v35;
	v31 =	vadd.f32 $9.999999930e-09, v31  }
0x1c6: {  	v32 =	vsel vm2, v25, v23;
	vm1 =	vgt.f32 v39, v23;
	v38 =	vld.idx.msk [tilespmem:v60+s4+$0x0], $0xffff;
	(erf) = vrcp.f32 v63  }
0x1c7: {  	v35 =	vld.idx.msk [tilespmem:v59+s4+$0x0], $0xffff;
	v28 =	vsel vm0, s3, v24;
	vm0 =	vgt.f32 v26, v23;
	(erf) = vrcp.f32 v31  }
0x1c8: {  	s12 =	simm.s32 $0x3;
	s11 =	simm.s32 $0x0;
	v36 =	vld.idx.msk [tilespmem:v62+s4+$0x0], $0xffff;
	v25 =	vsel vm0, v26, v23;
	v31 =	vimm.s32 $0x0;
	v26 =	vimm.s32 $0x0  }
.LBB2_10:
0x1c9: {  	p0 =	sne.s32 s12, $0x31;
	v41 =	vld.idx.msk [tilespmem:v40+s4+$0x0], $0xffff;
	v40 =	vpop (erf);
	v24 =	vsel vm2, s11, v24;
	v23 =	vsel vm1, v39, v23;
	v31 =	vsel vm1, s11, v31;
	s13 =	smov.u32 s12;
	s12 =	sadd.s32 $0x1, s12  }
0x1ca: {  	v39 =	vmax.f32 v0, v37;
	v26 =	vsel vm0, s11, v26;
	s11 =	smov.u32 s7;
	s7 =	smov.u32 s10;
	v30 =	vmul.f32 v40, v30;
	s10 =	smov.u32 s13  }
0x1cb: {  	v43 =	vmax.f32 v13, v37;
	v40 =	vmax.f32 v10, v37;
	v42 =	vadd.f32 v33, v4  }
0x1cc: {  	v45 =	vadd.f32 v33, v17;
	v44 =	vmax.f32 v11, v35;
	v46 =	vmax.f32 v14, v35;
	v47 =	vpop (erf)  }
0x1cd: {  	v37 =	vmax.f32 v9, v37;
	v49 =	vadd.f32 v33, v22;
	v53 =	vmin.f32 v18, v36  }
0x1ce: {  	v50 =	vmul.f32 v30, v6;
	v37 =	vsub.f32 v53, v37;
	v52 =	vmin.f32 v19, v38  }
0x1cf: {  	v51 =	vadd.f32 $1.000000000e+00, v41;
	v30 =	vsub.f32 v52, v46;
	v46 =	vmin.f32 v3, v38;
	v48 =	vpop (erf)  }
0x1d0: {  	v54 =	vmin.f32 v12, v36;
	v53 =	vmax.f32 v1, v35;
	v52 =	vmin.f32 v15, v38  }
0x1d1: {  	v35 =	vmax.f32 v8, v35;
	v37 =	vmax.f32 v37, $0.0e+00;
	v30 =	vmax.f32 v30, $0.0e+00;
	v55 =	vpop (erf)  }
0x1d2: {  	v38 =	vmin.f32 v16, v38;
	v30 =	vmul.f32 v30, v37;
	v37 =	vmin.f32 v2, v36  }
0x1d3: {  	v34 =	vmul.f32 v48, v34;
	v37 =	vsub.f32 v37, v39;
	v39 =	vsub.f32 v54, v43  }
0x1d4: {  	v33 =	vadd.f32 v33, v20;
	v35 =	vsub.f32 v38, v35;
	v36 =	vmin.f32 v7, v36  }
0x1d5: {  	v38 =	vsub.f32 v52, v44;
	v43 =	vsub.f32 v46, v53;
	v39 =	vmax.f32 v39, $0.0e+00  }
0x1d6: {  	v35 =	vmax.f32 v35, $0.0e+00;
	v36 =	vsub.f32 v36, v40;
	v40 =	vsub.f32 v49, v30  }
0x1d7: {  	v38 =	vmax.f32 v38, $0.0e+00;
	v29 =	vmul.f32 v55, v29;
	v35 =	vmul.f32 v35, v39  }
0x1d8: {  	v36 =	vmax.f32 v36, $0.0e+00;
	v37 =	vmax.f32 v37, $0.0e+00;
	v39 =	vmul.f32 v47, v21  }
0x1d9: {  	v44 =	vmul.f32 v34, v6;
	v43 =	vmax.f32 v43, $0.0e+00;
	v33 =	vsub.f32 v33, v35;
	v21 =	vmovc v35  }
0x1da: {  	v34 =	vmul.f32 v38, v36;
	v36 =	vadd.f32 $9.999999930e-09, v40;
	v35 =	vmov s10  }
0x1db: {  	v29 =	vmul.f32 v29, v6;
	v38 =	vor.u32 $0x300, v35;
	v46 =	vor.u32 $0x340, v35  }
0x1dc: {  	v47 =	vor.u32 $0x3C0, v35;
	v48 =	vor.u32 $0x400, v35;
	(erf) = vrcp.f32 v36  }
0x1dd: {  	v49 =	vadd.f32 v29, v5;
	v33 =	vadd.f32 $9.999999930e-09, v33;
	v36 =	vor.u32 $0x380, v35  }
0x1de: {  	v29 =	vmul.f32 v43, v37;
	v45 =	vsub.f32 v45, v34;
	v43 =	vmul.f32 v39, v6;
	v6 =	vmovc v51  }
0x1df: {  	v44 =	vadd.f32 v44, v5;
	vm0 =	vgt.f32 v49, v27;
	(erf) = vrcp.f32 v33  }
.Ltmp4:
0x1e0: {  	v40 =	vor.u32 $0x440, v35;
	v42 =	vsub.f32 v42, v29;
	v37 =	vld.idx.msk [tilespmem:v38+s4+$0x0], $0xffff;
	v38 =	vadd.f32 $9.999999930e-09, v45;
	(pc) =	sbr.rel @p0 .LBB2_10-.Ltmp4, $4  }
0x1e1: {  	v39 =	vadd.f32 v50, v5;
	v27 =	vsel vm0, v49, v27;
	v43 =	vadd.f32 v43, v5;
	v33 =	vld.idx.msk [tilespmem:v48+s4+$0x0], $0xffff  }
0x1e2: {  	vm2 =	vgt.f32 v44, v32;
	v5 =	vmovc v41;
	v42 =	vadd.f32 $9.999999930e-09, v42;
	v35 =	vld.idx.msk [tilespmem:v46+s4+$0x0], $0xffff;
	(erf) = vrcp.f32 v38  }
0x1e3: {  	v32 =	vsel vm2, v44, v32;
	v28 =	vsel vm0, s11, v28;
	vm0 =	vgt.f32 v43, v25;
	v36 =	vld.idx.msk [tilespmem:v36+s4+$0x0], $0xffff  }
0x1e4: {  	vm1 =	vgt.f32 v39, v23;
	v25 =	vsel vm0, v43, v25;
	v38 =	vld.idx.msk [tilespmem:v47+s4+$0x0], $0xffff;
	(erf) = vrcp.f32 v42  }
0x1e5: {  	v10 =	vmax.f32 v10, v37  }
0x1e6: {  	v13 =	vmax.f32 v13, v37;
	v9 =	vmax.f32 v9, v37;
	v49 =	vadd.f32 v33, v22  }
0x1e7: {  	v50 =	vadd.f32 v33, v20;
	v14 =	vmax.f32 v14, v35;
	v11 =	vmax.f32 v11, v35  }
0x1e8: {  	v8 =	vmax.f32 v8, v35;
	v18 =	vmin.f32 v18, v36;
	v12 =	vmin.f32 v12, v36  }
0x1e9: {  	v7 =	vmin.f32 v7, v36;
	v9 =	vsub.f32 v18, v9;
	v48 =	vmin.f32 v19, v38  }
0x1ea: {  	v16 =	vmin.f32 v16, v38;
	v12 =	vsub.f32 v12, v13;
	v14 =	vsub.f32 v48, v14  }
0x1eb: {  	v15 =	vmin.f32 v15, v38;
	v7 =	vsub.f32 v7, v10;
	v8 =	vsub.f32 v16, v8  }
0x1ec: {  	v11 =	vsub.f32 v15, v11;
	v9 =	vmax.f32 v9, $0.0e+00;
	v14 =	vmax.f32 v14, $0.0e+00  }
0x1ed: {  	v12 =	vmax.f32 v12, $0.0e+00;
	v8 =	vmax.f32 v8, $0.0e+00;
	v9 =	vmul.f32 v14, v9  }
0x1ee: {  	v7 =	vmax.f32 v7, $0.0e+00;
	v11 =	vmax.f32 v11, $0.0e+00;
	v8 =	vmul.f32 v8, v12  }
0x1ef: {  	v51 =	vadd.f32 v33, v17;
	v7 =	vmul.f32 v11, v7;
	v52 =	vsub.f32 v49, v9  }
0x1f0: {  	v10 =	vsub.f32 v50, v8  }
0x1f1: {  	v12 =	vsub.f32 v51, v7;
	v53 =	vadd.f32 $9.999999930e-09, v52  }
0x1f2: {  	v10 =	vadd.f32 $9.999999930e-09, v10  }
0x1f3: {  	v54 =	vadd.f32 $9.999999930e-09, v12;
	(erf) = vrcp.f32 v53  }
0x1f4: {  	(erf) = vrcp.f32 v10  }
0x1f5: {  	(erf) = vrcp.f32 v54;
	_ =	sdelay $0x2  }
0x1f6: {  	v55 =	vpop (erf)  }
0x1f7: {  	v11 =	vpop (erf)  }
0x1f8: {  	v13 =	vld.idx.msk [tilespmem:v40+s4+$0x0], $0xffff;
	v56 =	vpop (erf)  }
0x1f9: {  	v57 =	vpop (erf)  }
0x1fa: {  	v58 =	vpop (erf)  }
0x1fb: {  	v12 =	vmul.f32 v56, v34;
	v59 =	vpop (erf)  }
0x1fc: {  	v60 =	vpop (erf)  }
0x1fd: {  	v61 =	vadd.f32 $1.000000000e+00, v13;
	v12 =	vmul.f32 v12, v6;
	v7 =	vmul.f32 v60, v7;
	_ =	sdelay $0x1  }
0x1fe: {  	v12 =	vadd.f32 v12, v5;
	v7 =	vmul.f32 v7, v61;
	_ =	sdelay $0x1  }
0x1ff: {  	vm3 =	vgt.f32 v12, v32;
	v7 =	vadd.f32 v7, v13  }
0x200: {  	v62 =	vsel vm2, s11, v24;
	v12 =	vsel vm3, v12, v32  }
0x201: {  	v17 =	vsel vm3, s7, v62;
	vm9 =	vgt.f32 v7, v12  }
0x202: {  	v17 =	vsel vm9, s10, v17  }
0x203: {  	v63 =	vadd.s32 $0x300, v17;
	_ =	sdelay $0x2  }
0x204: {  	s8 =	sadd.s32 s9, s8;
	v7 =	vsel vm9, v7, v12  }
0x205: {  	[tilespmem:s8+$0x8400] =	vst v7  }
0x206: {  	v7 =	vld.idx.msk [tilespmem:v63+s4+$0x0], $0xffff  }
0x207: {  	v22 =	vadd.s32 $0x340, v17;
	_ =	sdelay $0x3  }
0x208: {  	[tilespmem:s8+$0x8D00] =	vst v7  }
0x209: {  	v7 =	vld.idx.msk [tilespmem:v22+s4+$0x0], $0xffff  }
0x20a: {  	v24 =	vadd.s32 $0x380, v17;
	_ =	sdelay $0x2  }
0x20b: {  	v10 =	vmul.f32 v55, v30  }
0x20c: {  	[tilespmem:s8+$0x9600] =	vst v7  }
0x20d: {  	v30 =	vmul.f32 v10, v6;
	v9 =	vmul.f32 v58, v9;
	v32 =	vld.idx.msk [tilespmem:v24+s4+$0x0], $0xffff  }
0x20e: {  	v41 =	vsel vm1, s11, v31;
	v34 =	vadd.s32 $0x3C0, v17  }
0x20f: {  	v0 =	vmax.f32 v0, v37;
	v9 =	vmul.f32 v9, v61;
	v7 =	vadd.f32 v30, v5  }
0x210: {  	v1 =	vmax.f32 v1, v35;
	v2 =	vmin.f32 v2, v36;
	v40 =	vsel vm1, v39, v23  }
0x211: {  	v3 =	vmin.f32 v3, v38;
	v9 =	vadd.f32 v9, v13;
	vm10 =	vgt.f32 v7, v40  }
0x212: {  	v0 =	vsub.f32 v2, v0;
	v1 =	vsub.f32 v3, v1;
	v42 =	vsel vm10, v7, v40;
	[tilespmem:s8+$0x9F00] =	vst v32  }
0x213: {  	v43 =	vsel vm10, s7, v41;
	vm11 =	vgt.f32 v9, v42;
	v44 =	vld.idx.msk [tilespmem:v34+s4+$0x0], $0xffff  }
0x214: {  	v0 =	vmax.f32 v0, $0.0e+00;
	v1 =	vmax.f32 v1, $0.0e+00;
	v3 =	vsel vm11, s10, v43  }
0x215: {  	v4 =	vadd.f32 v33, v4;
	v0 =	vmul.f32 v1, v0;
	v45 =	vadd.s32 $0x300, v3;
	_ =	sdelay $0x1  }
0x216: {  	v1 =	vsub.f32 v4, v0  }
0x217: {  	v2 =	vsel vm11, v9, v42;
	[tilespmem:s8+$0xA800] =	vst v44  }
0x218: {  	v1 =	vadd.f32 $9.999999930e-09, v1;
	[tilespmem:s6+$0x8410] =	vst v2  }
0x219: {  	v2 =	vld.idx.msk [tilespmem:v45+s4+$0x0], $0xffff  }
0x21a: {  	(erf) = vrcp.f32 v1;
	v46 =	vadd.s32 $0x340, v3;
	_ =	sdelay $0x3  }
0x21b: {  	[tilespmem:s6+$0x8D10] =	vst v2  }
0x21c: {  	v47 =	vld.idx.msk [tilespmem:v46+s4+$0x0], $0xffff  }
0x21d: {  	v48 =	vadd.s32 $0x380, v3;
	_ =	sdelay $0x1  }
0x21e: {  	v49 =	vmul.f32 v57, v29  }
0x21f: {  	v50 =	vpop (erf)  }
0x220: {  	v51 =	vmul.f32 v49, v6;
	v0 =	vmul.f32 v50, v0;
	[tilespmem:s6+$0x9610] =	vst v47  }
0x221: {  	v2 =	vld.idx.msk [tilespmem:v48+s4+$0x0], $0xffff  }
0x222: {  	v1 =	vadd.f32 v51, v5;
	v0 =	vmul.f32 v0, v61;
	v3 =	vadd.s32 $0x3C0, v3;
	_ =	sdelay $0x1  }
0x223: {  	vm12 =	vgt.f32 v1, v27;
	v0 =	vadd.f32 v0, v13  }
0x224: {  	v1 =	vsel vm12, v1, v27  }
0x225: {  	v52 =	vsel vm12, s7, v28;
	vm13 =	vgt.f32 v0, v1;
	[tilespmem:s6+$0x9F10] =	vst v2  }
0x226: {  	v2 =	vsel vm13, s10, v52;
	v3 =	vld.idx.msk [tilespmem:v3+s4+$0x0], $0xffff  }
0x227: {  	v53 =	vadd.s32 $0x300, v2;
	_ =	sdelay $0x1  }
0x228: {  	v0 =	vsel vm13, v0, v1  }
0x229: {  	[tilespmem:s6+$0x8420] =	vst v0  }
0x22a: {  	[tilespmem:s6+$0xA810] =	vst v3  }
0x22b: {  	v0 =	vld.idx.msk [tilespmem:v53+s4+$0x0], $0xffff  }
0x22c: {  	v54 =	vadd.s32 $0x340, v2;
	_ =	sdelay $0x3  }
0x22d: {  	[tilespmem:s6+$0x8D20] =	vst v0  }
0x22e: {  	v0 =	vld.idx.msk [tilespmem:v54+s4+$0x0], $0xffff  }
0x22f: {  	v55 =	vadd.s32 $0x380, v2;
	_ =	sdelay $0x1  }
0x230: {  	v56 =	vmul.f32 v11, v21;
	_ =	sdelay $0x1  }
0x231: {  	v57 =	vmul.f32 v56, v6;
	v58 =	vmul.f32 v59, v8;
	[tilespmem:s6+$0x9620] =	vst v0  }
0x232: {  	v1 =	vld.idx.msk [tilespmem:v55+s4+$0x0], $0xffff  }
0x233: {  	v2 =	vadd.s32 $0x3C0, v2;
	v3 =	vmul.f32 v58, v61;
	v0 =	vadd.f32 v57, v5;
	_ =	sdelay $0x1  }
0x234: {  	v3 =	vadd.f32 v3, v13;
	vm14 =	vgt.f32 v0, v25  }
0x235: {  	v59 =	vsel vm0, s11, v26;
	v0 =	vsel vm14, v0, v25  }
0x236: {  	v60 =	vsel vm14, s7, v59;
	vm15 =	vgt.f32 v3, v0;
	[tilespmem:s6+$0x9F20] =	vst v1  }
0x237: {  	v1 =	vsel vm15, s10, v60;
	v2 =	vld.idx.msk [tilespmem:v2+s4+$0x0], $0xffff  }
0x238: {  	v61 =	vadd.s32 $0x300, v1;
	_ =	sdelay $0x1  }
0x239: {  	v0 =	vsel vm15, v3, v0  }
0x23a: {  	[tilespmem:s6+$0x8430] =	vst v0  }
0x23b: {  	[tilespmem:s6+$0xA820] =	vst v2  }
0x23c: {  	v0 =	vld.idx.msk [tilespmem:v61+s4+$0x0], $0xffff  }
0x23d: {  	v62 =	vadd.s32 $0x340, v1;
	_ =	sdelay $0x3  }
0x23e: {  	[tilespmem:s6+$0x8D30] =	vst v0  }
0x23f: {  	v0 =	vld.idx.msk [tilespmem:v62+s4+$0x0], $0xffff  }
0x240: {  	v63 =	vadd.s32 $0x380, v1;
	_ =	sdelay $0x3  }
0x241: {  	[tilespmem:s6+$0x9630] =	vst v0  }
0x242: {  	v0 =	vld.idx.msk [tilespmem:v63+s4+$0x0], $0xffff  }
0x243: {  	v1 =	vadd.s32 $0x3C0, v1;
	_ =	sdelay $0x3  }
0x244: {  	s5 =	sadd.s32 $0x1, s5;
	[tilespmem:s6+$0x9F30] =	vst v0  }
0x245: {  	p0 =	sne.s32 s5, $0x24;
	v0 =	vld.idx.msk [tilespmem:v1+s4+$0x0], $0xffff  }
.Ltmp5:
0x246: {  	_ = 	snop;
	(pc) =	sbr.rel @p0 .LBB2_9-.Ltmp5, $2  }
0x247: {  	_ =	sdelay $0x2  }
0x248: {  	[tilespmem:s6+$0xA830] =	vst v0  }
0x249: {  	s3 =	simm.s32 $0x0;
	s4 =	simm.s32 $0x2400;
	s5 =	simm.s32 $0x0  }
.LBB2_13:
0x24a: {  	s6 =	sshll.u32 s5, $0x6  }
0x24b: {  	v10 =	vld [tilespmem:s6+$0x0]  }
0x24c: {  	v9 =	vld [tilespmem:s6+$0x10]  }
0x24d: {  	v0 =	vld [tilespmem:s6+$0x20]  }
0x24e: {  	v13 =	vld [tilespmem:s6+$0x30]  }
0x24f: {  	v14 =	vld [tilespmem:s6+$0x910]  }
0x250: {  	v1 =	vld [tilespmem:s6+$0x920]  }
0x251: {  	v8 =	vld [tilespmem:s6+$0x930]  }
0x252: {  	v18 =	vld [tilespmem:s6+$0x1210]  }
0x253: {  	v2 =	vld [tilespmem:s6+$0x1220]  }
0x254: {  	v12 =	vld [tilespmem:s6+$0x1230]  }
0x255: {  	v5 =	vmov s3;
	s8 =	sand.u32 $0xF80, s6;
	s9 =	sand.u32 $0x40, s6;
	v19 =	vld [tilespmem:s6+$0x1B10]  }
0x256: {  	v4 =	vor.u32 $0x480, v5;
	v16 =	vld [tilespmem:s6+$0x1B30];
	s7 =	sor.u32 s9, s8  }
0x257: {  	v17 =	vor.u32 $0x4C0, v5;
	v11 =	vld [tilespmem:s7+$0x900]  }
0x258: {  	v20 =	vor.u32 $0x500, v5;
	v7 =	vld [tilespmem:s7+$0x1200]  }
0x259: {  	v21 =	vor.u32 $0x540, v5;
	v15 =	vld [tilespmem:s7+$0x1B00]  }
0x25a: {  	v3 =	vld [tilespmem:s6+$0x1B20]  }
0x25b: {  	v6 =	vor.u32 $0x580, v5;
	v24 =	vld.idx.msk [tilespmem:v4+s4+$0x0], $0xffff  }
0x25c: {  	v4 =	vsub.f32 v18, v9;
	v25 =	vsub.f32 v19, v14;
	v28 =	vld.idx.msk [tilespmem:v17+s4+$0x0], $0xffff  }
0x25d: {  	v29 =	vsub.f32 v12, v13;
	v30 =	vsub.f32 v16, v8;
	v31 =	vld.idx.msk [tilespmem:v20+s4+$0x0], $0xffff  }
0x25e: {  	v21 =	vld.idx.msk [tilespmem:v21+s4+$0x0], $0xffff;
	v22 =	vsub.f32 v7, v10;
	v23 =	vsub.f32 v15, v11  }
0x25f: {  	v26 =	vsub.f32 v2, v0;
	v27 =	vsub.f32 v3, v1  }
0x260: {  	v5 =	vor.u32 $0x5C0, v5;
	v6 =	vld.idx.msk [tilespmem:v6+s4+$0x0], $0xffff;
	v20 =	vmul.f32 v30, v29;
	v17 =	vmul.f32 v23, v22  }
0x261: {  	v22 =	vmul.f32 v25, v4;
	v4 =	vmul.f32 v27, v26;
	v23 =	vmax.f32 v0, v24  }
0x262: {  	v25 =	vmax.f32 v10, v24;
	v27 =	vmax.f32 v13, v24;
	v32 =	vmin.f32 v18, v31  }
0x263: {  	v24 =	vmax.f32 v9, v24;
	v33 =	vmax.f32 v14, v28;
	v57 =	vmin.f32 v19, v21  }
0x264: {  	v58 =	vmin.f32 v3, v21;
	v35 =	vmin.f32 v15, v21;
	v36 =	vmin.f32 v12, v31  }
0x265: {  	v37 =	vmax.f32 v8, v28;
	v26 =	vadd.f32 v6, v4;
	v30 =	vadd.f32 v6, v17  }
0x266: {  	v38 =	vmin.f32 v2, v31;
	v24 =	vsub.f32 v32, v24;
	v34 =	vadd.f32 v6, v22  }
0x267: {  	v21 =	vmin.f32 v16, v21;
	v32 =	vsub.f32 v57, v33;
	v23 =	vsub.f32 v38, v23  }
0x268: {  	v29 =	vmax.f32 v11, v28;
	v27 =	vsub.f32 v36, v27;
	v21 =	vsub.f32 v21, v37  }
0x269: {  	v6 =	vadd.f32 v6, v20;
	v29 =	vsub.f32 v35, v29;
	v24 =	vmax.f32 v24, $0.0e+00  }
0x26a: {  	v32 =	vmax.f32 v32, $0.0e+00;
	v27 =	vmax.f32 v27, $0.0e+00;
	v21 =	vmax.f32 v21, $0.0e+00  }
0x26b: {  	s7 =	simm.s32 $0x1;
	v32 =	vmul.f32 v32, v24;
	v24 =	vmax.f32 v1, v28;
	v28 =	vmin.f32 v7, v31  }
0x26c: {  	v29 =	vmax.f32 v29, $0.0e+00;
	v25 =	vsub.f32 v28, v25;
	v28 =	vmov s7  }
0x26d: {  	v27 =	vmul.f32 v21, v27;
	v31 =	vsub.f32 v34, v32;
	v59 =	vor.u32 $0x480, v28  }
0x26e: {  	v23 =	vmax.f32 v23, $0.0e+00;
	v24 =	vsub.f32 v58, v24;
	v21 =	vor.u32 $0x580, v28  }
0x26f: {  	v35 =	vld.idx.msk [tilespmem:v5+s4+$0x0], $0xffff;
	v5 =	vsub.f32 v6, v27;
	v25 =	vmax.f32 v25, $0.0e+00;
	v31 =	vadd.f32 $9.999999930e-09, v31  }
0x270: {  	v24 =	vmax.f32 v24, $0.0e+00;
	v25 =	vmul.f32 v29, v25;
	v29 =	vor.u32 $0x500, v28  }
0x271: {  	v6 =	vor.u32 $0x540, v28;
	v60 =	vmul.f32 v24, v23;
	(erf) = vrcp.f32 v31  }
0x272: {  	s10 =	simm.s32 $0x2;
	v31 =	vor.u32 $0x4C0, v28;
	v23 =	vsub.f32 v30, v25;
	v28 =	vor.u32 $0x5C0, v28;
	v30 =	vld.idx.msk [tilespmem:v59+s4+$0x0], $0xffff  }
0x273: {  	v57 =	vmov s10;
	v5 =	vadd.f32 $9.999999930e-09, v5;
	v24 =	vsub.f32 v26, v60;
	v21 =	vld.idx.msk [tilespmem:v21+s4+$0x0], $0xffff  }
0x274: {  	v58 =	vor.u32 $0x480, v57;
	v26 =	vadd.f32 $9.999999930e-09, v23  }
0x275: {  	v33 =	vadd.f32 $1.000000000e+00, v35;
	(erf) = vrcp.f32 v5;
	v5 =	vadd.f32 $9.999999930e-09, v24;
	v29 =	vld.idx.msk [tilespmem:v29+s4+$0x0], $0xffff  }
0x276: {  	v59 =	vor.u32 $0x4C0, v57;
	v23 =	vimm.f32 $-2.000000000e+00;
	(erf) = vrcp.f32 v26;
	v26 =	vld.idx.msk [tilespmem:v6+s4+$0x0], $0xffff  }
0x277: {  	v24 =	vimm.s32 $0x0;
	(erf) = vrcp.f32 v5;
	v5 =	vld.idx.msk [tilespmem:v28+s4+$0x0], $0xffff;
	v28 =	vmax.f32 v0, v30  }
0x278: {  	v61 =	vmax.f32 v10, v30;
	v36 =	vadd.f32 v21, v4;
	v62 =	vmax.f32 v13, v30  }
0x279: {  	v31 =	vld.idx.msk [tilespmem:v31+s4+$0x0], $0xffff;
	v39 =	vadd.f32 v21, v17;
	v30 =	vmax.f32 v9, v30;
	v42 =	vadd.f32 v21, v22  }
0x27a: {  	v41 =	vmin.f32 v18, v29;
	v46 =	vmin.f32 v12, v29;
	v53 =	vmin.f32 v2, v29  }
0x27b: {  	v30 =	vsub.f32 v41, v30;
	v51 =	vmin.f32 v19, v26;
	v52 =	vmin.f32 v3, v26  }
0x27c: {  	v6 =	vpop (erf);
	v44 =	vmin.f32 v15, v26;
	v26 =	vmin.f32 v16, v26;
	v28 =	vsub.f32 v53, v28  }
0x27d: {  	v37 =	vsub.f32 v46, v62;
	v62 =	vor.u32 $0x500, v57;
	v6 =	vmul.f32 v6, v32  }
0x27e: {  	v63 =	vmax.f32 v11, v31;
	v40 =	vmax.f32 v14, v31;
	v45 =	vmax.f32 v1, v31  }
0x27f: {  	v31 =	vmax.f32 v8, v31;
	v40 =	vsub.f32 v51, v40;
	v30 =	vmax.f32 v30, $0.0e+00  }
0x280: {  	v26 =	vsub.f32 v26, v31;
	v31 =	vadd.f32 v21, v20;
	v21 =	vmin.f32 v7, v29  }
0x281: {  	v47 =	vpop (erf);
	v29 =	vsub.f32 v44, v63;
	v54 =	vsub.f32 v52, v45;
	v37 =	vmax.f32 v37, $0.0e+00  }
0x282: {  	v28 =	vmax.f32 v28, $0.0e+00;
	v27 =	vmul.f32 v47, v27;
	v40 =	vmax.f32 v40, $0.0e+00  }
0x283: {  	v43 =	vmul.f32 v6, v33;
	v6 =	vadd.f32 $1.000000000e+00, v5;
	v30 =	vmul.f32 v40, v30  }
0x284: {  	v32 =	vsub.f32 v21, v61;
	v61 =	vor.u32 $0x580, v57;
	v21 =	vmax.f32 v26, $0.0e+00  }
0x285: {  	v48 =	vpop (erf);
	v29 =	vmax.f32 v29, $0.0e+00;
	v56 =	vmax.f32 v54, $0.0e+00;
	v55 =	vsub.f32 v42, v30  }
0x286: {  	v25 =	vmul.f32 v48, v25;
	v21 =	vmul.f32 v21, v37;
	v32 =	vmax.f32 v32, $0.0e+00;
	v26 =	vpop (erf)  }
0x287: {  	v34 =	vmul.f32 v29, v32;
	v26 =	vmul.f32 v26, v60;
	v29 =	vadd.f32 $9.999999930e-09, v55  }
0x288: {  	v31 =	vsub.f32 v31, v21;
	v25 =	vmul.f32 v25, v33;
	v60 =	vor.u32 $0x540, v57  }
0x289: {  	v39 =	vsub.f32 v39, v34;
	v26 =	vmul.f32 v26, v33;
	(erf) = vrcp.f32 v29  }
0x28a: {  	v31 =	vadd.f32 $9.999999930e-09, v31;
	v25 =	vadd.f32 v25, v35;
	v29 =	vmul.f32 v56, v28  }
0x28b: {  	v40 =	vor.u32 $0x5C0, v57;
	v63 =	vadd.f32 $9.999999930e-09, v39;
	v26 =	vadd.f32 v26, v35  }
0x28c: {  	v28 =	vmul.f32 v27, v33;
	(erf) = vrcp.f32 v31;
	v31 =	vsub.f32 v36, v29  }
0x28d: {  	v37 =	vld.idx.msk [tilespmem:v58+s4+$0x0], $0xffff;
	v39 =	vadd.f32 v43, v35;
	vm2 =	vgt.f32 v25, v23;
	vm0 =	vgt.f32 v26, v23  }
0x28e: {  	v33 =	vld.idx.msk [tilespmem:v61+s4+$0x0], $0xffff;
	v27 =	vsel vm0, v26, v23;
	v26 =	vadd.f32 v28, v35;
	v31 =	vadd.f32 $9.999999930e-09, v31  }
0x28f: {  	v32 =	vsel vm2, v25, v23;
	vm1 =	vgt.f32 v39, v23;
	v38 =	vld.idx.msk [tilespmem:v60+s4+$0x0], $0xffff;
	(erf) = vrcp.f32 v63  }
0x290: {  	v35 =	vld.idx.msk [tilespmem:v59+s4+$0x0], $0xffff;
	v28 =	vsel vm0, s3, v24;
	vm0 =	vgt.f32 v26, v23;
	(erf) = vrcp.f32 v31  }
0x291: {  	s12 =	simm.s32 $0x3;
	s11 =	simm.s32 $0x0;
	v36 =	vld.idx.msk [tilespmem:v62+s4+$0x0], $0xffff;
	v25 =	vsel vm0, v26, v23;
	v31 =	vimm.s32 $0x0;
	v26 =	vimm.s32 $0x0  }
.LBB2_14:
0x292: {  	p0 =	sne.s32 s12, $0x31;
	v41 =	vld.idx.msk [tilespmem:v40+s4+$0x0], $0xffff;
	v40 =	vpop (erf);
	v24 =	vsel vm2, s11, v24;
	v23 =	vsel vm1, v39, v23;
	v31 =	vsel vm1, s11, v31;
	s13 =	smov.u32 s12;
	s12 =	sadd.s32 $0x1, s12  }
0x293: {  	v39 =	vmax.f32 v0, v37;
	v26 =	vsel vm0, s11, v26;
	s11 =	smov.u32 s7;
	s7 =	smov.u32 s10;
	v30 =	vmul.f32 v40, v30;
	s10 =	smov.u32 s13  }
0x294: {  	v43 =	vmax.f32 v13, v37;
	v40 =	vmax.f32 v10, v37;
	v42 =	vadd.f32 v33, v4  }
0x295: {  	v45 =	vadd.f32 v33, v17;
	v44 =	vmax.f32 v11, v35;
	v46 =	vmax.f32 v14, v35;
	v47 =	vpop (erf)  }
0x296: {  	v37 =	vmax.f32 v9, v37;
	v49 =	vadd.f32 v33, v22;
	v53 =	vmin.f32 v18, v36  }
0x297: {  	v50 =	vmul.f32 v30, v6;
	v37 =	vsub.f32 v53, v37;
	v52 =	vmin.f32 v19, v38  }
0x298: {  	v51 =	vadd.f32 $1.000000000e+00, v41;
	v30 =	vsub.f32 v52, v46;
	v46 =	vmin.f32 v3, v38;
	v48 =	vpop (erf)  }
0x299: {  	v54 =	vmin.f32 v12, v36;
	v53 =	vmax.f32 v1, v35;
	v52 =	vmin.f32 v15, v38  }
0x29a: {  	v35 =	vmax.f32 v8, v35;
	v37 =	vmax.f32 v37, $0.0e+00;
	v30 =	vmax.f32 v30, $0.0e+00;
	v55 =	vpop (erf)  }
0x29b: {  	v38 =	vmin.f32 v16, v38;
	v30 =	vmul.f32 v30, v37;
	v37 =	vmin.f32 v2, v36  }
0x29c: {  	v34 =	vmul.f32 v48, v34;
	v37 =	vsub.f32 v37, v39;
	v39 =	vsub.f32 v54, v43  }
0x29d: {  	v33 =	vadd.f32 v33, v20;
	v35 =	vsub.f32 v38, v35;
	v36 =	vmin.f32 v7, v36  }
0x29e: {  	v38 =	vsub.f32 v52, v44;
	v43 =	vsub.f32 v46, v53;
	v39 =	vmax.f32 v39, $0.0e+00  }
0x29f: {  	v35 =	vmax.f32 v35, $0.0e+00;
	v36 =	vsub.f32 v36, v40;
	v40 =	vsub.f32 v49, v30  }
0x2a0: {  	v38 =	vmax.f32 v38, $0.0e+00;
	v29 =	vmul.f32 v55, v29;
	v35 =	vmul.f32 v35, v39  }
0x2a1: {  	v36 =	vmax.f32 v36, $0.0e+00;
	v37 =	vmax.f32 v37, $0.0e+00;
	v39 =	vmul.f32 v47, v21  }
0x2a2: {  	v44 =	vmul.f32 v34, v6;
	v43 =	vmax.f32 v43, $0.0e+00;
	v33 =	vsub.f32 v33, v35;
	v21 =	vmovc v35  }
0x2a3: {  	v34 =	vmul.f32 v38, v36;
	v36 =	vadd.f32 $9.999999930e-09, v40;
	v35 =	vmov s10  }
0x2a4: {  	v29 =	vmul.f32 v29, v6;
	v38 =	vor.u32 $0x480, v35;
	v46 =	vor.u32 $0x4C0, v35  }
0x2a5: {  	v47 =	vor.u32 $0x540, v35;
	v48 =	vor.u32 $0x580, v35;
	(erf) = vrcp.f32 v36  }
0x2a6: {  	v49 =	vadd.f32 v29, v5;
	v33 =	vadd.f32 $9.999999930e-09, v33;
	v36 =	vor.u32 $0x500, v35  }
0x2a7: {  	v29 =	vmul.f32 v43, v37;
	v45 =	vsub.f32 v45, v34;
	v43 =	vmul.f32 v39, v6;
	v6 =	vmovc v51  }
0x2a8: {  	v44 =	vadd.f32 v44, v5;
	vm0 =	vgt.f32 v49, v27;
	(erf) = vrcp.f32 v33  }
.Ltmp6:
0x2a9: {  	v40 =	vor.u32 $0x5C0, v35;
	v42 =	vsub.f32 v42, v29;
	v37 =	vld.idx.msk [tilespmem:v38+s4+$0x0], $0xffff;
	v38 =	vadd.f32 $9.999999930e-09, v45;
	(pc) =	sbr.rel @p0 .LBB2_14-.Ltmp6, $4  }
0x2aa: {  	v39 =	vadd.f32 v50, v5;
	v27 =	vsel vm0, v49, v27;
	v43 =	vadd.f32 v43, v5;
	v33 =	vld.idx.msk [tilespmem:v48+s4+$0x0], $0xffff  }
0x2ab: {  	vm2 =	vgt.f32 v44, v32;
	v5 =	vmovc v41;
	v42 =	vadd.f32 $9.999999930e-09, v42;
	v35 =	vld.idx.msk [tilespmem:v46+s4+$0x0], $0xffff;
	(erf) = vrcp.f32 v38  }
0x2ac: {  	v32 =	vsel vm2, v44, v32;
	v28 =	vsel vm0, s11, v28;
	vm0 =	vgt.f32 v43, v25;
	v36 =	vld.idx.msk [tilespmem:v36+s4+$0x0], $0xffff  }
0x2ad: {  	vm1 =	vgt.f32 v39, v23;
	v25 =	vsel vm0, v43, v25;
	v38 =	vld.idx.msk [tilespmem:v47+s4+$0x0], $0xffff;
	(erf) = vrcp.f32 v42  }
0x2ae: {  	v10 =	vmax.f32 v10, v37  }
0x2af: {  	v13 =	vmax.f32 v13, v37;
	v9 =	vmax.f32 v9, v37;
	v49 =	vadd.f32 v33, v22  }
0x2b0: {  	v50 =	vadd.f32 v33, v20;
	v14 =	vmax.f32 v14, v35;
	v11 =	vmax.f32 v11, v35  }
0x2b1: {  	v8 =	vmax.f32 v8, v35;
	v18 =	vmin.f32 v18, v36;
	v12 =	vmin.f32 v12, v36  }
0x2b2: {  	v7 =	vmin.f32 v7, v36;
	v9 =	vsub.f32 v18, v9;
	v48 =	vmin.f32 v19, v38  }
0x2b3: {  	v16 =	vmin.f32 v16, v38;
	v12 =	vsub.f32 v12, v13;
	v14 =	vsub.f32 v48, v14  }
0x2b4: {  	v15 =	vmin.f32 v15, v38;
	v7 =	vsub.f32 v7, v10;
	v8 =	vsub.f32 v16, v8  }
0x2b5: {  	v11 =	vsub.f32 v15, v11;
	v9 =	vmax.f32 v9, $0.0e+00;
	v14 =	vmax.f32 v14, $0.0e+00  }
0x2b6: {  	v12 =	vmax.f32 v12, $0.0e+00;
	v8 =	vmax.f32 v8, $0.0e+00;
	v9 =	vmul.f32 v14, v9  }
0x2b7: {  	v7 =	vmax.f32 v7, $0.0e+00;
	v11 =	vmax.f32 v11, $0.0e+00;
	v8 =	vmul.f32 v8, v12  }
0x2b8: {  	v51 =	vadd.f32 v33, v17;
	v7 =	vmul.f32 v11, v7;
	v52 =	vsub.f32 v49, v9  }
0x2b9: {  	v10 =	vsub.f32 v50, v8  }
0x2ba: {  	v12 =	vsub.f32 v51, v7;
	v53 =	vadd.f32 $9.999999930e-09, v52  }
0x2bb: {  	v10 =	vadd.f32 $9.999999930e-09, v10  }
0x2bc: {  	v54 =	vadd.f32 $9.999999930e-09, v12;
	(erf) = vrcp.f32 v53  }
0x2bd: {  	(erf) = vrcp.f32 v10  }
0x2be: {  	(erf) = vrcp.f32 v54;
	_ =	sdelay $0x2  }
0x2bf: {  	v55 =	vpop (erf)  }
0x2c0: {  	v11 =	vpop (erf)  }
0x2c1: {  	v13 =	vld.idx.msk [tilespmem:v40+s4+$0x0], $0xffff;
	v56 =	vpop (erf)  }
0x2c2: {  	v57 =	vpop (erf)  }
0x2c3: {  	v58 =	vpop (erf)  }
0x2c4: {  	v12 =	vmul.f32 v56, v34;
	v59 =	vpop (erf)  }
0x2c5: {  	v60 =	vpop (erf)  }
0x2c6: {  	v61 =	vadd.f32 $1.000000000e+00, v13;
	v12 =	vmul.f32 v12, v6;
	v7 =	vmul.f32 v60, v7;
	_ =	sdelay $0x1  }
0x2c7: {  	v12 =	vadd.f32 v12, v5;
	v7 =	vmul.f32 v7, v61;
	_ =	sdelay $0x1  }
0x2c8: {  	vm3 =	vgt.f32 v12, v32;
	v7 =	vadd.f32 v7, v13  }
0x2c9: {  	v62 =	vsel vm2, s11, v24;
	v12 =	vsel vm3, v12, v32  }
0x2ca: {  	v17 =	vsel vm3, s7, v62;
	vm9 =	vgt.f32 v7, v12  }
0x2cb: {  	v17 =	vsel vm9, s10, v17  }
0x2cc: {  	v63 =	vadd.s32 $0x480, v17;
	_ =	sdelay $0x2  }
0x2cd: {  	s8 =	sadd.s32 s9, s8;
	v7 =	vsel vm9, v7, v12  }
0x2ce: {  	[tilespmem:s8+$0xB100] =	vst v7  }
0x2cf: {  	v7 =	vld.idx.msk [tilespmem:v63+s4+$0x0], $0xffff  }
0x2d0: {  	v22 =	vadd.s32 $0x4C0, v17;
	_ =	sdelay $0x3  }
0x2d1: {  	[tilespmem:s8+$0xBA00] =	vst v7  }
0x2d2: {  	v7 =	vld.idx.msk [tilespmem:v22+s4+$0x0], $0xffff  }
0x2d3: {  	v24 =	vadd.s32 $0x500, v17;
	_ =	sdelay $0x2  }
0x2d4: {  	v10 =	vmul.f32 v55, v30  }
0x2d5: {  	[tilespmem:s8+$0xC300] =	vst v7  }
0x2d6: {  	v30 =	vmul.f32 v10, v6;
	v9 =	vmul.f32 v58, v9;
	v32 =	vld.idx.msk [tilespmem:v24+s4+$0x0], $0xffff  }
0x2d7: {  	v41 =	vsel vm1, s11, v31;
	v34 =	vadd.s32 $0x540, v17  }
0x2d8: {  	v0 =	vmax.f32 v0, v37;
	v9 =	vmul.f32 v9, v61;
	v7 =	vadd.f32 v30, v5  }
0x2d9: {  	v1 =	vmax.f32 v1, v35;
	v2 =	vmin.f32 v2, v36;
	v40 =	vsel vm1, v39, v23  }
0x2da: {  	v3 =	vmin.f32 v3, v38;
	v9 =	vadd.f32 v9, v13;
	vm10 =	vgt.f32 v7, v40  }
0x2db: {  	v0 =	vsub.f32 v2, v0;
	v1 =	vsub.f32 v3, v1;
	v42 =	vsel vm10, v7, v40;
	[tilespmem:s8+$0xCC00] =	vst v32  }
0x2dc: {  	v43 =	vsel vm10, s7, v41;
	vm11 =	vgt.f32 v9, v42;
	v44 =	vld.idx.msk [tilespmem:v34+s4+$0x0], $0xffff  }
0x2dd: {  	v0 =	vmax.f32 v0, $0.0e+00;
	v1 =	vmax.f32 v1, $0.0e+00;
	v3 =	vsel vm11, s10, v43  }
0x2de: {  	v4 =	vadd.f32 v33, v4;
	v0 =	vmul.f32 v1, v0;
	v45 =	vadd.s32 $0x480, v3;
	_ =	sdelay $0x1  }
0x2df: {  	v1 =	vsub.f32 v4, v0  }
0x2e0: {  	v2 =	vsel vm11, v9, v42;
	[tilespmem:s8+$0xD500] =	vst v44  }
0x2e1: {  	v1 =	vadd.f32 $9.999999930e-09, v1;
	[tilespmem:s6+$0xB110] =	vst v2  }
0x2e2: {  	v2 =	vld.idx.msk [tilespmem:v45+s4+$0x0], $0xffff  }
0x2e3: {  	(erf) = vrcp.f32 v1;
	v46 =	vadd.s32 $0x4C0, v3;
	_ =	sdelay $0x3  }
0x2e4: {  	[tilespmem:s6+$0xBA10] =	vst v2  }
0x2e5: {  	v47 =	vld.idx.msk [tilespmem:v46+s4+$0x0], $0xffff  }
0x2e6: {  	v48 =	vadd.s32 $0x500, v3;
	_ =	sdelay $0x1  }
0x2e7: {  	v49 =	vmul.f32 v57, v29  }
0x2e8: {  	v50 =	vpop (erf)  }
0x2e9: {  	v51 =	vmul.f32 v49, v6;
	v0 =	vmul.f32 v50, v0;
	[tilespmem:s6+$0xC310] =	vst v47  }
0x2ea: {  	v2 =	vld.idx.msk [tilespmem:v48+s4+$0x0], $0xffff  }
0x2eb: {  	v1 =	vadd.f32 v51, v5;
	v0 =	vmul.f32 v0, v61;
	v3 =	vadd.s32 $0x540, v3;
	_ =	sdelay $0x1  }
0x2ec: {  	vm12 =	vgt.f32 v1, v27;
	v0 =	vadd.f32 v0, v13  }
0x2ed: {  	v1 =	vsel vm12, v1, v27  }
0x2ee: {  	v52 =	vsel vm12, s7, v28;
	vm13 =	vgt.f32 v0, v1;
	[tilespmem:s6+$0xCC10] =	vst v2  }
0x2ef: {  	v2 =	vsel vm13, s10, v52;
	v3 =	vld.idx.msk [tilespmem:v3+s4+$0x0], $0xffff  }
0x2f0: {  	v53 =	vadd.s32 $0x480, v2;
	_ =	sdelay $0x1  }
0x2f1: {  	v0 =	vsel vm13, v0, v1  }
0x2f2: {  	[tilespmem:s6+$0xB120] =	vst v0  }
0x2f3: {  	[tilespmem:s6+$0xD510] =	vst v3  }
0x2f4: {  	v0 =	vld.idx.msk [tilespmem:v53+s4+$0x0], $0xffff  }
0x2f5: {  	v54 =	vadd.s32 $0x4C0, v2;
	_ =	sdelay $0x3  }
0x2f6: {  	[tilespmem:s6+$0xBA20] =	vst v0  }
0x2f7: {  	v0 =	vld.idx.msk [tilespmem:v54+s4+$0x0], $0xffff  }
0x2f8: {  	v55 =	vadd.s32 $0x500, v2;
	_ =	sdelay $0x1  }
0x2f9: {  	v56 =	vmul.f32 v11, v21;
	_ =	sdelay $0x1  }
0x2fa: {  	v57 =	vmul.f32 v56, v6;
	v58 =	vmul.f32 v59, v8;
	[tilespmem:s6+$0xC320] =	vst v0  }
0x2fb: {  	v1 =	vld.idx.msk [tilespmem:v55+s4+$0x0], $0xffff  }
0x2fc: {  	v2 =	vadd.s32 $0x540, v2;
	v3 =	vmul.f32 v58, v61;
	v0 =	vadd.f32 v57, v5;
	_ =	sdelay $0x1  }
0x2fd: {  	v3 =	vadd.f32 v3, v13;
	vm14 =	vgt.f32 v0, v25  }
0x2fe: {  	v59 =	vsel vm0, s11, v26;
	v0 =	vsel vm14, v0, v25  }
0x2ff: {  	v60 =	vsel vm14, s7, v59;
	vm15 =	vgt.f32 v3, v0;
	[tilespmem:s6+$0xCC20] =	vst v1  }
0x300: {  	v1 =	vsel vm15, s10, v60;
	v2 =	vld.idx.msk [tilespmem:v2+s4+$0x0], $0xffff  }
0x301: {  	v61 =	vadd.s32 $0x480, v1;
	_ =	sdelay $0x1  }
0x302: {  	v0 =	vsel vm15, v3, v0  }
0x303: {  	[tilespmem:s6+$0xB130] =	vst v0  }
0x304: {  	[tilespmem:s6+$0xD520] =	vst v2  }
0x305: {  	v0 =	vld.idx.msk [tilespmem:v61+s4+$0x0], $0xffff  }
0x306: {  	v62 =	vadd.s32 $0x4C0, v1;
	_ =	sdelay $0x3  }
0x307: {  	[tilespmem:s6+$0xBA30] =	vst v0  }
0x308: {  	v0 =	vld.idx.msk [tilespmem:v62+s4+$0x0], $0xffff  }
0x309: {  	v63 =	vadd.s32 $0x500, v1;
	_ =	sdelay $0x3  }
0x30a: {  	[tilespmem:s6+$0xC330] =	vst v0  }
0x30b: {  	v0 =	vld.idx.msk [tilespmem:v63+s4+$0x0], $0xffff  }
0x30c: {  	v1 =	vadd.s32 $0x540, v1;
	_ =	sdelay $0x3  }
0x30d: {  	s5 =	sadd.s32 $0x1, s5;
	[tilespmem:s6+$0xCC30] =	vst v0  }
0x30e: {  	p0 =	sne.s32 s5, $0x24;
	v0 =	vld.idx.msk [tilespmem:v1+s4+$0x0], $0xffff  }
.Ltmp7:
0x30f: {  	_ = 	snop;
	(pc) =	sbr.rel @p0 .LBB2_13-.Ltmp7, $2  }
0x310: {  	_ =	sdelay $0x2  }
0x311: {  	[tilespmem:s6+$0xD530] =	vst v0  }
0x312: {  	s3 =	smul.u32 $0x1680, s1  }
0x313: {  	s30 =	simm.s32 $0x0  }
0x314: {  	s4 =	simm.s32 $0x2A00;
	s31 =	simm.s32 $0x1;
	s2 =	sadd.s32 s2, s3  }
0x315: {  	[hbm4b:s2+s30] =	stream.linear.scatter [tilespmem:s4], [sflag:$0x1], $0xB400, $0x38;
	[tilespmem:$0xDE00] =	vst v63  }
0x316: {  	_ =	swait.ge [sflag:s31], $0xB400  }
0x317: {  	[sflag:s31] =	ssyncset.done $0x0  }
0x318: {  	[sflag:s31] =	ssyncadd.s32 $0xFFFF4C00  }
0x319: {  	_ =	sfence.sel $0x180000  }
0x31a: {  	[bflag:$0x0] =	sbarrier.arrive $0xFFFF  }
0x31b: {  	p0 =	sne.s32 s1, $0x0;
	_ =	strace $0x90000047  }
0x31c: {  	s0 =	sadd.s32 @!p0 $0x100000, s0;
	[bflag:$0x2] =	sbarrier.arrive $0xFFFF  }
0x31d: {  	[sflag:s0] =	ssyncadd.tile.s32 @!p0 $0x1;
	_ =	shalt  }
.Lfunc_end2:
_tile_overlayer_lowered:
.L_overlay_start_2:
0x31e: {  	(tag) =	ssettag $0x2  }
0x31f: {  	s0 =	rddreg [dreg:$0x0];
	s2 =	stileid.u32  }
0x320: {  	s1 =	rddreg [dreg:$0x1];
	p0 =	sne.s32 s2, $0x0  }
0x321: {  	s3 =	rddreg [dreg:$0x2];
	[bflag:$0x3] =	sbarrier.arrive $0xFFFF;
	s2 =	simm.s32 @!p0 $0x1C01  }
0x322: {  	[timem:s3], [sflag:s2] =	dma.local @!p0 [hbm:s0], s1  }
0x323: {  	s0 =	simm.s32 @!p0 $0x1  }
0x324: {  	_ =	swait.ge @!p0 [sflag:s0], s1  }
0x325: {  	s1 =	ssub.s32 @!p0 $0x0, s1;
	[sflag:s0] =	ssyncset.done @!p0 $0x0  }
0x326: {  	[sflag:s0] =	ssyncadd.s32 @!p0 s1  }
0x327: {  	[bflag:$0x3] =	sbarrier.arrive $0xFFFF  }
0x328: {  	_ =	shalt  }

</sc_bundles>
